<compile_context>
chip_gen: v7x
topology: tpu7x:2x2x1
jax: 0.10.2.dev20260603
libtpu: 0.0.44.dev20260713+nightly
codegen_flags: <defaults>
</compile_context>

<pallas_src>
import functools
import jax
import jax.numpy as jnp
from jax import lax
from jax.experimental import pallas as pl
from jax.experimental.pallas import tpu as pltpu
from jax.experimental.pallas import tpu_sc as plsc

BATCH, SEQ, MODEL_DIM = 4, 4096, 1024
ROWS = BATCH * SEQ
NC, NS, L = 2, 16, 16
NW = NC * NS
RPW = ROWS // NW
NVEC = RPW // L
CHUNK = L
NBUF = 6

_mesh = plsc.VectorSubcoreMesh(core_axis_name="c", subcore_axis_name="s")


@functools.partial(
    pl.kernel, mesh=_mesh,
    compiler_params=pltpu.CompilerParams(needs_layout_passes=False),
    out_type=jax.ShapeDtypeStruct((ROWS, MODEL_DIM), jnp.float32),
    scratch_types=[
        pltpu.VMEM((RPW,), jnp.int32),
        pltpu.VMEM((RPW + L,), jnp.int32),
        pltpu.VMEM((RPW + L,), jnp.int32),
        pltpu.VMEM((NBUF, CHUNK, MODEL_DIM), jnp.float32),
        pltpu.VMEM((CHUNK, MODEL_DIM), jnp.float32),
        [pltpu.SemaphoreType.DMA] * NBUF,
        [pltpu.SemaphoreType.DMA] * NBUF,
        pltpu.SemaphoreType.DMA,
    ],
)
def _sc_masker(seqs_hbm, mask_hbm, embed_hbm, out_hbm,
               maskv, idxu, idxm, ring, embedbuf,
               sems_g, sems_s, sem_m):
    wid = lax.axis_index("s") * NC + lax.axis_index("c")
    base = wid * RPW

    pltpu.sync_copy(mask_hbm.at[pl.ds(base, RPW)], maskv)
    zidx = jnp.zeros((L,), jnp.int32)
    pltpu.async_copy(embed_hbm.at[zidx], embedbuf, sem_m)

    def comp_body(i, carry):
        cu, cm = carry
        mv = maskv[pl.ds(i * L, L)]
        mm = mv != 0
        mu = jnp.logical_not(mm)
        vals = base + i * L + lax.iota(jnp.int32, L)
        plsc.store_compressed(idxu.at[pl.ds(cu, L)], vals, mask=mu)
        plsc.store_compressed(idxm.at[pl.ds(cm, L)], vals, mask=mm)
        nu = jnp.max(plsc.all_reduce_population_count(mu))
        return (cu + nu, cm + (L - nu))

    cu, cm = lax.fori_loop(0, NVEC, comp_body,
                           (jnp.int32(0), jnp.int32(0)))

    u0 = idxu[pl.ds(0, L)][0]
    m0 = idxm[pl.ds(0, L)][0]
    idxu[pl.ds(cu, L)] = jnp.full((L,), u0, jnp.int32)
    idxm[pl.ds(cm, L)] = jnp.full((L,), m0, jnp.int32)

    ncu = (cu + CHUNK - 1) // CHUNK
    ncm = (cm + CHUNK - 1) // CHUNK

    pltpu.make_async_copy(seqs_hbm.at[pl.ds(0, CHUNK)],
                          embedbuf, sem_m).wait()

    def fire_body(j, _):
        iv = idxm[pl.ds(j * CHUNK, CHUNK)]
        pltpu.async_copy(embedbuf, out_hbm.at[iv], sem_m)
        return 0

    lax.fori_loop(0, ncm, fire_body, 0)

    def gather(j, slot):
        iv = idxu[pl.ds(j * CHUNK, CHUNK)]
        pltpu.async_copy(seqs_hbm.at[iv], ring.at[slot], sems_g[slot])

    def wait_gather(slot):
        pltpu.make_async_copy(seqs_hbm.at[pl.ds(0, CHUNK)],
                              ring.at[slot], sems_g[slot]).wait()

    def scatter(j, slot):
        iv = idxu[pl.ds(j * CHUNK, CHUNK)]
        pltpu.async_copy(ring.at[slot], out_hbm.at[iv], sems_s[slot])

    def wait_scatter(slot):
        pltpu.make_async_copy(ring.at[slot],
                              out_hbm.at[pl.ds(0, CHUNK)], sems_s[slot]).wait()

    for p in range(NBUF - 1):
        @pl.when(p < ncu)
        def _(p=p):
            gather(p, p)

    def copy_group(g, _):
        for b in range(NBUF):
            j = g * NBUF + b

            @pl.when(j < ncu)
            def _(b=b, j=j):
                wait_gather(b)
                scatter(j, b)
                nslot = (b + NBUF - 1) % NBUF

                @pl.when(j + NBUF - 1 < ncu)
                def _():
                    @pl.when(j + NBUF - 1 >= NBUF)
                    def _():
                        wait_scatter(nslot)
                    gather(j + NBUF - 1, nslot)
        return 0

    lax.fori_loop(0, (ncu + NBUF - 1) // NBUF, copy_group, 0)

    for s in range(NBUF):
        @pl.when(s < ncu)
        def _(s=s):
            wait_scatter(s)

    def drain_m(j, _):
        pltpu.make_async_copy(embedbuf, out_hbm.at[pl.ds(0, CHUNK)],
                              sem_m).wait()
        return 0

    lax.fori_loop(0, ncm, drain_m, 0)


def kernel(seqs, temporal_mask, temporal_mask_embed):
    seqs2 = seqs.reshape(ROWS, MODEL_DIM)
    mask_i = temporal_mask.reshape(ROWS).astype(jnp.int32)
    embed2 = temporal_mask_embed.reshape(1, MODEL_DIM)
    out = _sc_masker(seqs2, mask_i, embed2)
    return (out.reshape(BATCH, SEQ, MODEL_DIM), temporal_mask)

# --- scband reference (transcript-rebuilt; emitter-appended) ---
"""Pipeline reference for scband-standard-wav2-vec2-masker-23235773071906 (READ-ONLY COPY).

The authoritative reference and input builder live on the scoring server;
editing this copy changes nothing except your own understanding.
"""

import jax, jax.numpy as jnp
import numpy as np

BATCH, SEQ, MODEL_DIM = 4, 4096, 1024


def setup_inputs(seed: int = 0) -> dict:
    key = jax.random.key(seed)
    k1, k2, k3 = jax.random.split(key, 3)
    seqs = jax.random.normal(k1, (BATCH, SEQ, MODEL_DIM), dtype=jnp.float32)
    # Precomputed temporal mask (stands in for the stochastic compute_row_mask
    # factory; ~50% of timesteps masked, consistent with max_temporal_mask_prob=0.65
    # minus span-overlap reduction).
    temporal_mask = jax.random.randint(k2, (BATCH, SEQ), 0, 2).astype(jnp.bool_)
    # Learned parameter: temporal_mask_embed, init uniform_ as in reset_parameters().
    temporal_mask_embed = jax.random.uniform(k3, (MODEL_DIM,), dtype=jnp.float32)
    return {"seqs": seqs, "temporal_mask": temporal_mask, "temporal_mask_embed": temporal_mask_embed}


def reference(seqs, temporal_mask, temporal_mask_embed):
    # seqs[temporal_mask] = self.temporal_mask_embed.type_as(seqs)
    # Boolean masked scatter-overwrite of the embed vector into masked timesteps.
    embed = temporal_mask_embed.astype(seqs.dtype)
    out = jnp.where(temporal_mask[:, :, None], embed[None, None, :], seqs)
    # max_spatial_mask_prob == 0.0, so no spatial masking branch.
    return (out, temporal_mask)

if __name__ == "__main__":
    import jax
    _d = setup_inputs()
    print(jax.jit(kernel)(*tuple(_d.values())))

</pallas_src>

<mosaic_0001>
#map = affine_map<(d0, d1) -> (0, 0)>
#map1 = affine_map<(d0, d1) -> (0)>
module attributes {stable_mosaic.version = 14 : i64} {
  func.func @_sc_masker(%arg0: i32, %arg1: i32, %arg2: memref<16384x1024xf32, #tpu.memory_space<hbm>>, %arg3: memref<16384xi32, #tpu.memory_space<hbm>>, %arg4: memref<1x1024xf32, #tpu.memory_space<hbm>>, %arg5: memref<16384x1024xf32, #tpu.memory_space<hbm>>, %arg6: memref<512xi32, #tpu.memory_space<vmem>>, %arg7: memref<528xi32, #tpu.memory_space<vmem>>, %arg8: memref<528xi32, #tpu.memory_space<vmem>>, %arg9: memref<6x16x1024xf32, #tpu.memory_space<vmem>>, %arg10: memref<16x1024xf32, #tpu.memory_space<vmem>>, %arg11: memref<!tpu.dma_semaphore, #tpu.memory_space<semaphore_mem>>, %arg12: memref<!tpu.dma_semaphore, #tpu.memory_space<semaphore_mem>>, %arg13: memref<!tpu.dma_semaphore, #tpu.memory_space<semaphore_mem>>, %arg14: memref<!tpu.dma_semaphore, #tpu.memory_space<semaphore_mem>>, %arg15: memref<!tpu.dma_semaphore, #tpu.memory_space<semaphore_mem>>, %arg16: memref<!tpu.dma_semaphore, #tpu.memory_space<semaphore_mem>>, %arg17: memref<!tpu.dma_semaphore, #tpu.memory_space<semaphore_mem>>, %arg18: memref<!tpu.dma_semaphore, #tpu.memory_space<semaphore_mem>>, %arg19: memref<!tpu.dma_semaphore, #tpu.memory_space<semaphore_mem>>, %arg20: memref<!tpu.dma_semaphore, #tpu.memory_space<semaphore_mem>>, %arg21: memref<!tpu.dma_semaphore, #tpu.memory_space<semaphore_mem>>, %arg22: memref<!tpu.dma_semaphore, #tpu.memory_space<semaphore_mem>>, %arg23: memref<!tpu.dma_semaphore, #tpu.memory_space<semaphore_mem>>) attributes {dimension_semantics = [#tpu.dimension_semantics<core_parallel>, #tpu.dimension_semantics<subcore_parallel>], iteration_bounds = array<i64: 2, 16>, scalar_prefetch = 0 : i64, scratch_operands = 18 : i64, tpu.core_type = #tpu.core_type<sc_vector_subcore>, window_params = [{transform_indices = #map}, {transform_indices = #map1}, {transform_indices = #map}, {transform_indices = #map}]} {
    %mul3A = arith.constant 2 : i32
    %mul3A_0 = arith.muli %arg1, %mul3A : i32
    %add3A = arith.addi %mul3A_0, %arg0 : i32
    %mul3A_1 = arith.constant 512 : i32
    %mul3A_2 = arith.muli %add3A, %mul3A_1 : i32
    "tpu.region"() ({
      %run_scoped3A = tpu.sem_alloc : memref<!tpu.dma_semaphore, #tpu.memory_space<semaphore_mem>>
      %dma_start3A_191 = tpu.memref_slice %arg3[%mul3A_2] : memref<16384xi32, #tpu.memory_space<hbm>> -> memref<512xi32, #tpu.memory_space<hbm>>
      %dma_start3A_192 = tpu.memref_slice %arg3[%mul3A_2] : memref<16384xi32, #tpu.memory_space<hbm>> -> memref<512xi32, #tpu.memory_space<hbm>>
      tpu.enqueue_dma source(%dma_start3A_192 : memref<512xi32, #tpu.memory_space<hbm>>) target(%arg6 : memref<512xi32, #tpu.memory_space<vmem>>) target_semaphore(%run_scoped3A : memref<!tpu.dma_semaphore, #tpu.memory_space<semaphore_mem>>)
      %dma_wait3A_193 = tpu.memref_slice %arg3[%mul3A_2] : memref<16384xi32, #tpu.memory_space<hbm>> -> memref<512xi32, #tpu.memory_space<hbm>>
      %dma_wait3A_194 = tpu.memref_slice %arg3[%mul3A_2] : memref<16384xi32, #tpu.memory_space<hbm>> -> memref<512xi32, #tpu.memory_space<hbm>>
      tpu.wait_dma2 semaphore(%run_scoped3A : memref<!tpu.dma_semaphore, #tpu.memory_space<semaphore_mem>>) src(%dma_wait3A_194 : memref<512xi32, #tpu.memory_space<hbm>>) dst(%arg6 : memref<512xi32, #tpu.memory_space<vmem>>)
      tpu.yield
    }) : () -> ()
    %broadcast_in_dim3A = arith.constant 0 : i32
    %broadcast_in_dim3A_3 = vector.broadcast %broadcast_in_dim3A : i32 to vector<16xi32>
    %dma_start3A = arith.constant 0 : i32
    %dma_start3A_4 = arith.constant 0 : i32
    %dma_start3A_5 = tpu.memref_slice %arg4[%dma_start3A, %dma_start3A_4] : memref<1x1024xf32, #tpu.memory_space<hbm>> -> memref<1x1024xf32, #tpu.memory_space<hbm>>
    tpu.enqueue_indirect_dma source(%dma_start3A_5 : memref<1x1024xf32, #tpu.memory_space<hbm>>) target(%arg10 : memref<16x1024xf32, #tpu.memory_space<vmem>>) offsets(%broadcast_in_dim3A_3 : vector<16xi32>) semaphore(%arg23 : memref<!tpu.dma_semaphore, #tpu.memory_space<semaphore_mem>>)
    %scan3A = arith.constant 0 : i32
    %scan3A_6 = arith.constant 0 : i32
    %scan3A_7 = arith.constant 0 : i32
    %scan3A_8 = arith.constant 32 : i32
    %scan3A_9 = arith.addi %scan3A_7, %scan3A_8 : i32
    %scan3A_10 = arith.constant 1 : i32
    %scan3A_11:2 = scf.for %scan3A_191 = %scan3A_7 to %scan3A_9 step %scan3A_10 iter_args(%scan3A_192 = %scan3A, %scan3A_193 = %scan3A_6) -> (i32, i32)  : i32 {
      %mul3A_194 = arith.constant 16 : i32
      %mul3A_195 = arith.muli %scan3A_191, %mul3A_194 : i32
      %get3A_196 = arith.index_cast %mul3A_195 : i32 to index
      %get3A_197 = tpu.vector_load %arg6[%get3A_196] {strides = array<i32>} : memref<512xi32, #tpu.memory_space<vmem>>, vector<16xi32>,
      %ne3A_198 = arith.constant 0 : i32
      %ne3A_199 = vector.broadcast %ne3A_198 : i32 to vector<16xi32>
      %ne3A_200 = arith.cmpi ne, %get3A_197, %ne3A_199 : vector<16xi32>
      %not3A = arith.constant dense<true> : vector<16xi1>
      %not3A_201 = arith.xori %ne3A_200, %not3A : vector<16xi1>
      %mul3A_202 = arith.constant 16 : i32
      %mul3A_203 = arith.muli %scan3A_191, %mul3A_202 : i32
      %add3A_204 = arith.addi %mul3A_2, %mul3A_203 : i32
      %iota3A = tpu.iota {dimensions = array<i32: 0>} : vector<16xi32>
      %add3A_205 = vector.broadcast %add3A_204 : i32 to vector<16xi32>
      %add3A_206 = arith.addi %add3A_205, %iota3A : vector<16xi32>
      %swap3A_207 = arith.index_cast %scan3A_192 : i32 to index
      %swap3A_208 = tpu.vector_load %arg7[%swap3A_207] masked %not3A_201 {strides = array<i32>} : memref<528xi32, #tpu.memory_space<vmem>>, vector<16xi32>, vector<16xi1>
      tpu.vector_store %arg7[%swap3A_207], %add3A_206 masked %not3A_201 {strides = array<i32>} : memref<528xi32, #tpu.memory_space<vmem>>, vector<16xi32>, vector<16xi1>
      %swap3A_209 = arith.index_cast %scan3A_193 : i32 to index
      %swap3A_210 = tpu.vector_load %arg8[%swap3A_209] masked %ne3A_200 {strides = array<i32>} : memref<528xi32, #tpu.memory_space<vmem>>, vector<16xi32>, vector<16xi1>
      tpu.vector_store %arg8[%swap3A_209], %add3A_206 masked %ne3A_200 {strides = array<i32>} : memref<528xi32, #tpu.memory_space<vmem>>, vector<16xi32>, vector<16xi1>
      %all_reduce_population_count3A = tpu.all_reduce %not3A_201 {dim = 0 : i64, kind = #tpu.reduction_kind<sum>} : vector<16xi1> -> vector<16xi32>
      %reduce_max3A = arith.constant true
      %reduce_max3A_211 = vector.broadcast %reduce_max3A : i1 to vector<16xi1>
      %reduce_max3A_212 = arith.constant -2147483648 : i32
      %reduce_max3A_213 = vector.broadcast %reduce_max3A_212 : i32 to vector<16xi32>
      %reduce_max3A_214 = arith.xori %all_reduce_population_count3A, %reduce_max3A_213 : vector<16xi32>
      %reduce_max3A_215 = tpu.scan <max>, %reduce_max3A_214 masked %reduce_max3A_211 : vector<16xi32>, vector<16xi1> -> vector<16xi32>
      %reduce_max3A_216 = arith.xori %reduce_max3A_215, %reduce_max3A_213 : vector<16xi32>
      %reduce_max3A_217 = vector.extract %reduce_max3A_216[15] : i32 from vector<16xi32>
      %add3A_218 = arith.addi %scan3A_192, %reduce_max3A_217 : i32
      %sub3A_219 = arith.constant 16 : i32
      %sub3A_220 = arith.subi %sub3A_219, %reduce_max3A_217 : i32
      %add3A_221 = arith.addi %scan3A_193, %sub3A_220 : i32
      scf.yield %add3A_218, %add3A_221 : i32, i32
    }
    %scan3A_12 = arith.constant 32 : i32
    %get3A = arith.constant 0 : index
    %get3A_13 = tpu.vector_load %arg7[%get3A] {strides = array<i32>} : memref<528xi32, #tpu.memory_space<vmem>>, vector<16xi32>,
    %slice3A = vector.extract_strided_slice %get3A_13 {offsets = [0], sizes = [1], strides = [1]} : vector<16xi32> to vector<1xi32>
    %squeeze3A = vector.extract %slice3A[0] : i32 from vector<1xi32>
    %get3A_14 = arith.constant 0 : index
    %get3A_15 = tpu.vector_load %arg8[%get3A_14] {strides = array<i32>} : memref<528xi32, #tpu.memory_space<vmem>>, vector<16xi32>,
    %slice3A_16 = vector.extract_strided_slice %get3A_15 {offsets = [0], sizes = [1], strides = [1]} : vector<16xi32> to vector<1xi32>
    %squeeze3A_17 = vector.extract %slice3A_16[0] : i32 from vector<1xi32>
    %broadcast_in_dim3A_18 = vector.broadcast %squeeze3A : i32 to vector<16xi32>
    %swap3A = arith.index_cast %scan3A_11#0 : i32 to index
    %swap3A_19 = tpu.vector_load %arg7[%swap3A] {strides = array<i32>} : memref<528xi32, #tpu.memory_space<vmem>>, vector<16xi32>,
    tpu.vector_store %arg7[%swap3A], %broadcast_in_dim3A_18 {strides = array<i32>} : memref<528xi32, #tpu.memory_space<vmem>>, vector<16xi32>,
    %broadcast_in_dim3A_20 = vector.broadcast %squeeze3A_17 : i32 to vector<16xi32>
    %swap3A_21 = arith.index_cast %scan3A_11#1 : i32 to index
    %swap3A_22 = tpu.vector_load %arg8[%swap3A_21] {strides = array<i32>} : memref<528xi32, #tpu.memory_space<vmem>>, vector<16xi32>,
    tpu.vector_store %arg8[%swap3A_21], %broadcast_in_dim3A_20 {strides = array<i32>} : memref<528xi32, #tpu.memory_space<vmem>>, vector<16xi32>,
    %add3A_23 = arith.constant 16 : i32
    %add3A_24 = arith.addi %scan3A_11#0, %add3A_23 : i32
    %sub3A = arith.constant 1 : i32
    %sub3A_25 = arith.subi %add3A_24, %sub3A : i32
    %jit3A = arith.constant 16 : i32
    %div3A = arith.divsi %sub3A_25, %jit3A : i32
    %sign3A = arith.constant 0 : i32
    %sign3A_26 = arith.cmpi sgt, %sub3A_25, %sign3A : i32
    %sign3A_27 = arith.extui %sign3A_26 : i1 to i32
    %sign3A_28 = arith.constant 0 : i32
    %sign3A_29 = arith.cmpi slt, %sub3A_25, %sign3A_28 : i32
    %sign3A_30 = arith.extui %sign3A_29 : i1 to i32
    %sign3A_31 = arith.subi %sign3A_27, %sign3A_30 : i32
    %sign3A_32 = arith.constant 0 : i32
    %sign3A_33 = arith.cmpi sgt, %jit3A, %sign3A_32 : i32
    %sign3A_34 = arith.extui %sign3A_33 : i1 to i32
    %sign3A_35 = arith.constant 0 : i32
    %sign3A_36 = arith.cmpi slt, %jit3A, %sign3A_35 : i32
    %sign3A_37 = arith.extui %sign3A_36 : i1 to i32
    %sign3A_38 = arith.subi %sign3A_34, %sign3A_37 : i32
    %ne3A = arith.cmpi ne, %sign3A_31, %sign3A_38 : i32
    %rem3A = arith.remsi %sub3A_25, %jit3A : i32
    %ne3A_39 = arith.constant 0 : i32
    %ne3A_40 = arith.cmpi ne, %rem3A, %ne3A_39 : i32
    %and3A = arith.andi %ne3A, %ne3A_40 : i1
    %sub3A_41 = arith.constant 1 : i32
    %sub3A_42 = arith.subi %div3A, %sub3A_41 : i32
    %select_n3A = arith.select %and3A, %sub3A_42, %div3A : i32
    %add3A_43 = arith.constant 16 : i32
    %add3A_44 = arith.addi %scan3A_11#1, %add3A_43 : i32
    %sub3A_45 = arith.constant 1 : i32
    %sub3A_46 = arith.subi %add3A_44, %sub3A_45 : i32
    %jit3A_47 = arith.constant 16 : i32
    %div3A_48 = arith.divsi %sub3A_46, %jit3A_47 : i32
    %sign3A_49 = arith.constant 0 : i32
    %sign3A_50 = arith.cmpi sgt, %sub3A_46, %sign3A_49 : i32
    %sign3A_51 = arith.extui %sign3A_50 : i1 to i32
    %sign3A_52 = arith.constant 0 : i32
    %sign3A_53 = arith.cmpi slt, %sub3A_46, %sign3A_52 : i32
    %sign3A_54 = arith.extui %sign3A_53 : i1 to i32
    %sign3A_55 = arith.subi %sign3A_51, %sign3A_54 : i32
    %sign3A_56 = arith.constant 0 : i32
    %sign3A_57 = arith.cmpi sgt, %jit3A_47, %sign3A_56 : i32
    %sign3A_58 = arith.extui %sign3A_57 : i1 to i32
    %sign3A_59 = arith.constant 0 : i32
    %sign3A_60 = arith.cmpi slt, %jit3A_47, %sign3A_59 : i32
    %sign3A_61 = arith.extui %sign3A_60 : i1 to i32
    %sign3A_62 = arith.subi %sign3A_58, %sign3A_61 : i32
    %ne3A_63 = arith.cmpi ne, %sign3A_55, %sign3A_62 : i32
    %rem3A_64 = arith.remsi %sub3A_46, %jit3A_47 : i32
    %ne3A_65 = arith.constant 0 : i32
    %ne3A_66 = arith.cmpi ne, %rem3A_64, %ne3A_65 : i32
    %and3A_67 = arith.andi %ne3A_63, %ne3A_66 : i1
    %sub3A_68 = arith.constant 1 : i32
    %sub3A_69 = arith.subi %div3A_48, %sub3A_68 : i32
    %select_n3A_70 = arith.select %and3A_67, %sub3A_69, %div3A_48 : i32
    %dma_wait3A = arith.constant 0 : i32
    %dma_wait3A_71 = arith.constant 0 : i32
    %dma_wait3A_72 = tpu.memref_slice %arg2[%dma_wait3A, %dma_wait3A_71] : memref<16384x1024xf32, #tpu.memory_space<hbm>> -> memref<16x1024xf32, #tpu.memory_space<hbm>>
    %dma_wait3A_73 = arith.constant 0 : i32
    %dma_wait3A_74 = arith.constant 0 : i32
    %dma_wait3A_75 = tpu.memref_slice %arg2[%dma_wait3A_73, %dma_wait3A_74] : memref<16384x1024xf32, #tpu.memory_space<hbm>> -> memref<16x1024xf32, #tpu.memory_space<hbm>>
    tpu.wait_dma2 semaphore(%arg23 : memref<!tpu.dma_semaphore, #tpu.memory_space<semaphore_mem>>) src(%dma_wait3A_75 : memref<16x1024xf32, #tpu.memory_space<hbm>>) dst(%arg10 : memref<16x1024xf32, #tpu.memory_space<vmem>>)
    %while3A = arith.constant 0 : i32
    %while3A_76 = arith.constant 0 : i32
    %while3A_77 = arith.subi %select_n3A_70, %while3A : i32
    %while3A_78 = arith.addi %while3A, %while3A_77 : i32
    %while3A_79 = arith.constant 1 : i32
    %while3A_80 = arith.divsi %while3A_77, %while3A_79 : i32
    %while3A_81 = arith.muli %while3A_80, %while3A_79 : i32
    %while3A_82 = arith.addi %while3A, %while3A_81 : i32
    %while3A_83 = arith.constant 1 : i32
    %while3A_84 = scf.for %while3A_191 = %while3A to %while3A_82 step %while3A_83 iter_args(%while3A_192 = %while3A_76) -> (i32)  : i32 {
      %mul3A_193 = arith.constant 16 : i32
      %mul3A_194 = arith.muli %while3A_191, %mul3A_193 : i32
      %get3A_195 = arith.index_cast %mul3A_194 : i32 to index
      %get3A_196 = tpu.vector_load %arg8[%get3A_195] {strides = array<i32>} : memref<528xi32, #tpu.memory_space<vmem>>, vector<16xi32>,
      %dma_start3A_197 = arith.constant 0 : i32
      %dma_start3A_198 = arith.constant 0 : i32
      %dma_start3A_199 = tpu.memref_slice %arg5[%dma_start3A_197, %dma_start3A_198] : memref<16384x1024xf32, #tpu.memory_space<hbm>> -> memref<16384x1024xf32, #tpu.memory_space<hbm>>
      tpu.enqueue_indirect_dma source(%arg10 : memref<16x1024xf32, #tpu.memory_space<vmem>>) target(%dma_start3A_199 : memref<16384x1024xf32, #tpu.memory_space<hbm>>) offsets(%get3A_196 : vector<16xi32>) semaphore(%arg23 : memref<!tpu.dma_semaphore, #tpu.memory_space<semaphore_mem>>)
      %while3A_200 = arith.constant 0 : i32
      scf.yield %while3A_200 : i32
    }
    %while3A_85 = arith.constant 1 : i32
    %while3A_86 = scf.for %while3A_191 = %while3A_82 to %while3A_78 step %while3A_85 iter_args(%while3A_192 = %while3A_84) -> (i32)  : i32 {
      %mul3A_193 = arith.constant 16 : i32
      %mul3A_194 = arith.muli %while3A_191, %mul3A_193 : i32
      %get3A_195 = arith.index_cast %mul3A_194 : i32 to index
      %get3A_196 = tpu.vector_load %arg8[%get3A_195] {strides = array<i32>} : memref<528xi32, #tpu.memory_space<vmem>>, vector<16xi32>,
      %dma_start3A_197 = arith.constant 0 : i32
      %dma_start3A_198 = arith.constant 0 : i32
      %dma_start3A_199 = tpu.memref_slice %arg5[%dma_start3A_197, %dma_start3A_198] : memref<16384x1024xf32, #tpu.memory_space<hbm>> -> memref<16384x1024xf32, #tpu.memory_space<hbm>>
      tpu.enqueue_indirect_dma source(%arg10 : memref<16x1024xf32, #tpu.memory_space<vmem>>) target(%dma_start3A_199 : memref<16384x1024xf32, #tpu.memory_space<hbm>>) offsets(%get3A_196 : vector<16xi32>) semaphore(%arg23 : memref<!tpu.dma_semaphore, #tpu.memory_space<semaphore_mem>>)
      %while3A_200 = arith.constant 0 : i32
      scf.yield %while3A_200 : i32
    }
    %gt3A = arith.constant 0 : i32
    %gt3A_87 = arith.cmpi sgt, %select_n3A, %gt3A : i32
    %convert_element_type3A = arith.extui %gt3A_87 : i1 to i32
    %cond3A = arith.constant 0 : i32
    %cond3A_88 = arith.cmpi ne, %convert_element_type3A, %cond3A : i32
    scf.if %cond3A_88 {
      %get3A_191 = arith.constant 0 : index
      %get3A_192 = tpu.vector_load %arg7[%get3A_191] {strides = array<i32>} : memref<528xi32, #tpu.memory_space<vmem>>, vector<16xi32>,
      %dma_start3A_193 = arith.constant 0 : i32
      %dma_start3A_194 = arith.constant 0 : i32
      %dma_start3A_195 = arith.constant 0 : i32
      %dma_start3A_196 = tpu.memref_slice %arg9[%dma_start3A_193, %dma_start3A_194, %dma_start3A_195] : memref<6x16x1024xf32, #tpu.memory_space<vmem>> -> memref<1x16x1024xf32, #tpu.memory_space<vmem>>
      %dma_start3A_197 = tpu.memref_squeeze %dma_start3A_196 : memref<1x16x1024xf32, #tpu.memory_space<vmem>> -> memref<16x1024xf32, #tpu.memory_space<vmem>>
      %dma_start3A_198 = arith.constant 0 : i32
      %dma_start3A_199 = arith.constant 0 : i32
      %dma_start3A_200 = tpu.memref_slice %arg2[%dma_start3A_198, %dma_start3A_199] : memref<16384x1024xf32, #tpu.memory_space<hbm>> -> memref<16384x1024xf32, #tpu.memory_space<hbm>>
      tpu.enqueue_indirect_dma source(%dma_start3A_200 : memref<16384x1024xf32, #tpu.memory_space<hbm>>) target(%dma_start3A_197 : memref<16x1024xf32, #tpu.memory_space<vmem>>) offsets(%get3A_192 : vector<16xi32>) semaphore(%arg11 : memref<!tpu.dma_semaphore, #tpu.memory_space<semaphore_mem>>)
    } else {
    }
    %gt3A_89 = arith.constant 1 : i32
    %gt3A_90 = arith.cmpi sgt, %select_n3A, %gt3A_89 : i32
    %convert_element_type3A_91 = arith.extui %gt3A_90 : i1 to i32
    %cond3A_92 = arith.constant 0 : i32
    %cond3A_93 = arith.cmpi ne, %convert_element_type3A_91, %cond3A_92 : i32
    scf.if %cond3A_93 {
      %get3A_191 = arith.constant 16 : index
      %get3A_192 = tpu.vector_load %arg7[%get3A_191] {strides = array<i32>} : memref<528xi32, #tpu.memory_space<vmem>>, vector<16xi32>,
      %dma_start3A_193 = arith.constant 1 : i32
      %dma_start3A_194 = arith.constant 0 : i32
      %dma_start3A_195 = arith.constant 0 : i32
      %dma_start3A_196 = tpu.memref_slice %arg9[%dma_start3A_193, %dma_start3A_194, %dma_start3A_195] : memref<6x16x1024xf32, #tpu.memory_space<vmem>> -> memref<1x16x1024xf32, #tpu.memory_space<vmem>>
      %dma_start3A_197 = tpu.memref_squeeze %dma_start3A_196 : memref<1x16x1024xf32, #tpu.memory_space<vmem>> -> memref<16x1024xf32, #tpu.memory_space<vmem>>
      %dma_start3A_198 = arith.constant 0 : i32
      %dma_start3A_199 = arith.constant 0 : i32
      %dma_start3A_200 = tpu.memref_slice %arg2[%dma_start3A_198, %dma_start3A_199] : memref<16384x1024xf32, #tpu.memory_space<hbm>> -> memref<16384x1024xf32, #tpu.memory_space<hbm>>
      tpu.enqueue_indirect_dma source(%dma_start3A_200 : memref<16384x1024xf32, #tpu.memory_space<hbm>>) target(%dma_start3A_197 : memref<16x1024xf32, #tpu.memory_space<vmem>>) offsets(%get3A_192 : vector<16xi32>) semaphore(%arg12 : memref<!tpu.dma_semaphore, #tpu.memory_space<semaphore_mem>>)
    } else {
    }
    %gt3A_94 = arith.constant 2 : i32
    %gt3A_95 = arith.cmpi sgt, %select_n3A, %gt3A_94 : i32
    %convert_element_type3A_96 = arith.extui %gt3A_95 : i1 to i32
    %cond3A_97 = arith.constant 0 : i32
    %cond3A_98 = arith.cmpi ne, %convert_element_type3A_96, %cond3A_97 : i32
    scf.if %cond3A_98 {
      %get3A_191 = arith.constant 32 : index
      %get3A_192 = tpu.vector_load %arg7[%get3A_191] {strides = array<i32>} : memref<528xi32, #tpu.memory_space<vmem>>, vector<16xi32>,
      %dma_start3A_193 = arith.constant 2 : i32
      %dma_start3A_194 = arith.constant 0 : i32
      %dma_start3A_195 = arith.constant 0 : i32
      %dma_start3A_196 = tpu.memref_slice %arg9[%dma_start3A_193, %dma_start3A_194, %dma_start3A_195] : memref<6x16x1024xf32, #tpu.memory_space<vmem>> -> memref<1x16x1024xf32, #tpu.memory_space<vmem>>
      %dma_start3A_197 = tpu.memref_squeeze %dma_start3A_196 : memref<1x16x1024xf32, #tpu.memory_space<vmem>> -> memref<16x1024xf32, #tpu.memory_space<vmem>>
      %dma_start3A_198 = arith.constant 0 : i32
      %dma_start3A_199 = arith.constant 0 : i32
      %dma_start3A_200 = tpu.memref_slice %arg2[%dma_start3A_198, %dma_start3A_199] : memref<16384x1024xf32, #tpu.memory_space<hbm>> -> memref<16384x1024xf32, #tpu.memory_space<hbm>>
      tpu.enqueue_indirect_dma source(%dma_start3A_200 : memref<16384x1024xf32, #tpu.memory_space<hbm>>) target(%dma_start3A_197 : memref<16x1024xf32, #tpu.memory_space<vmem>>) offsets(%get3A_192 : vector<16xi32>) semaphore(%arg13 : memref<!tpu.dma_semaphore, #tpu.memory_space<semaphore_mem>>)
    } else {
    }
    %gt3A_99 = arith.constant 3 : i32
    %gt3A_100 = arith.cmpi sgt, %select_n3A, %gt3A_99 : i32
    %convert_element_type3A_101 = arith.extui %gt3A_100 : i1 to i32
    %cond3A_102 = arith.constant 0 : i32
    %cond3A_103 = arith.cmpi ne, %convert_element_type3A_101, %cond3A_102 : i32
    scf.if %cond3A_103 {
      %get3A_191 = arith.constant 48 : index
      %get3A_192 = tpu.vector_load %arg7[%get3A_191] {strides = array<i32>} : memref<528xi32, #tpu.memory_space<vmem>>, vector<16xi32>,
      %dma_start3A_193 = arith.constant 3 : i32
      %dma_start3A_194 = arith.constant 0 : i32
      %dma_start3A_195 = arith.constant 0 : i32
      %dma_start3A_196 = tpu.memref_slice %arg9[%dma_start3A_193, %dma_start3A_194, %dma_start3A_195] : memref<6x16x1024xf32, #tpu.memory_space<vmem>> -> memref<1x16x1024xf32, #tpu.memory_space<vmem>>
      %dma_start3A_197 = tpu.memref_squeeze %dma_start3A_196 : memref<1x16x1024xf32, #tpu.memory_space<vmem>> -> memref<16x1024xf32, #tpu.memory_space<vmem>>
      %dma_start3A_198 = arith.constant 0 : i32
      %dma_start3A_199 = arith.constant 0 : i32
      %dma_start3A_200 = tpu.memref_slice %arg2[%dma_start3A_198, %dma_start3A_199] : memref<16384x1024xf32, #tpu.memory_space<hbm>> -> memref<16384x1024xf32, #tpu.memory_space<hbm>>
      tpu.enqueue_indirect_dma source(%dma_start3A_200 : memref<16384x1024xf32, #tpu.memory_space<hbm>>) target(%dma_start3A_197 : memref<16x1024xf32, #tpu.memory_space<vmem>>) offsets(%get3A_192 : vector<16xi32>) semaphore(%arg14 : memref<!tpu.dma_semaphore, #tpu.memory_space<semaphore_mem>>)
    } else {
    }
    %gt3A_104 = arith.constant 4 : i32
    %gt3A_105 = arith.cmpi sgt, %select_n3A, %gt3A_104 : i32
    %convert_element_type3A_106 = arith.extui %gt3A_105 : i1 to i32
    %cond3A_107 = arith.constant 0 : i32
    %cond3A_108 = arith.cmpi ne, %convert_element_type3A_106, %cond3A_107 : i32
    scf.if %cond3A_108 {
      %get3A_191 = arith.constant 64 : index
      %get3A_192 = tpu.vector_load %arg7[%get3A_191] {strides = array<i32>} : memref<528xi32, #tpu.memory_space<vmem>>, vector<16xi32>,
      %dma_start3A_193 = arith.constant 4 : i32
      %dma_start3A_194 = arith.constant 0 : i32
      %dma_start3A_195 = arith.constant 0 : i32
      %dma_start3A_196 = tpu.memref_slice %arg9[%dma_start3A_193, %dma_start3A_194, %dma_start3A_195] : memref<6x16x1024xf32, #tpu.memory_space<vmem>> -> memref<1x16x1024xf32, #tpu.memory_space<vmem>>
      %dma_start3A_197 = tpu.memref_squeeze %dma_start3A_196 : memref<1x16x1024xf32, #tpu.memory_space<vmem>> -> memref<16x1024xf32, #tpu.memory_space<vmem>>
      %dma_start3A_198 = arith.constant 0 : i32
      %dma_start3A_199 = arith.constant 0 : i32
      %dma_start3A_200 = tpu.memref_slice %arg2[%dma_start3A_198, %dma_start3A_199] : memref<16384x1024xf32, #tpu.memory_space<hbm>> -> memref<16384x1024xf32, #tpu.memory_space<hbm>>
      tpu.enqueue_indirect_dma source(%dma_start3A_200 : memref<16384x1024xf32, #tpu.memory_space<hbm>>) target(%dma_start3A_197 : memref<16x1024xf32, #tpu.memory_space<vmem>>) offsets(%get3A_192 : vector<16xi32>) semaphore(%arg15 : memref<!tpu.dma_semaphore, #tpu.memory_space<semaphore_mem>>)
    } else {
    }
    %add3A_109 = arith.constant 6 : i32
    %add3A_110 = arith.addi %select_n3A, %add3A_109 : i32
    %sub3A_111 = arith.constant 1 : i32
    %sub3A_112 = arith.subi %add3A_110, %sub3A_111 : i32
    %jit3A_113 = arith.constant 6 : i32
    %div3A_114 = arith.divsi %sub3A_112, %jit3A_113 : i32
    %sign3A_115 = arith.constant 0 : i32
    %sign3A_116 = arith.cmpi sgt, %sub3A_112, %sign3A_115 : i32
    %sign3A_117 = arith.extui %sign3A_116 : i1 to i32
    %sign3A_118 = arith.constant 0 : i32
    %sign3A_119 = arith.cmpi slt, %sub3A_112, %sign3A_118 : i32
    %sign3A_120 = arith.extui %sign3A_119 : i1 to i32
    %sign3A_121 = arith.subi %sign3A_117, %sign3A_120 : i32
    %sign3A_122 = arith.constant 0 : i32
    %sign3A_123 = arith.cmpi sgt, %jit3A_113, %sign3A_122 : i32
    %sign3A_124 = arith.extui %sign3A_123 : i1 to i32
    %sign3A_125 = arith.constant 0 : i32
    %sign3A_126 = arith.cmpi slt, %jit3A_113, %sign3A_125 : i32
    %sign3A_127 = arith.extui %sign3A_126 : i1 to i32
    %sign3A_128 = arith.subi %sign3A_124, %sign3A_127 : i32
    %ne3A_129 = arith.cmpi ne, %sign3A_121, %sign3A_128 : i32
    %rem3A_130 = arith.remsi %sub3A_112, %jit3A_113 : i32
    %ne3A_131 = arith.constant 0 : i32
    %ne3A_132 = arith.cmpi ne, %rem3A_130, %ne3A_131 : i32
    %and3A_133 = arith.andi %ne3A_129, %ne3A_132 : i1
    %sub3A_134 = arith.constant 1 : i32
    %sub3A_135 = arith.subi %div3A_114, %sub3A_134 : i32
    %select_n3A_136 = arith.select %and3A_133, %sub3A_135, %div3A_114 : i32
    %while3A_137 = arith.constant 0 : i32
    %while3A_138 = arith.constant 0 : i32
    %while3A_139 = arith.subi %select_n3A_136, %while3A_137 : i32
    %while3A_140 = arith.addi %while3A_137, %while3A_139 : i32
    %while3A_141 = arith.constant 1 : i32
    %while3A_142 = arith.divsi %while3A_139, %while3A_141 : i32
    %while3A_143 = arith.muli %while3A_142, %while3A_141 : i32
    %while3A_144 = arith.addi %while3A_137, %while3A_143 : i32
    %while3A_145 = arith.constant 1 : i32
    %while3A_146 = scf.for %while3A_191 = %while3A_137 to %while3A_144 step %while3A_145 iter_args(%while3A_192 = %while3A_138) -> (i32)  : i32 {
      %mul3A_193 = arith.constant 6 : i32
      %mul3A_194 = arith.muli %while3A_191, %mul3A_193 : i32
      %add3A_195 = arith.constant 0 : i32
      %add3A_196 = arith.addi %mul3A_194, %add3A_195 : i32
      %lt3A = arith.cmpi slt, %add3A_196, %select_n3A : i32
      %convert_element_type3A_197 = arith.extui %lt3A : i1 to i32
      %cond3A_198 = arith.constant 0 : i32
      %cond3A_199 = arith.cmpi ne, %convert_element_type3A_197, %cond3A_198 : i32
      scf.if %cond3A_199 {
        %dma_wait3A_241 = arith.constant 0 : i32
        %dma_wait3A_242 = arith.constant 0 : i32
        %dma_wait3A_243 = arith.constant 0 : i32
        %dma_wait3A_244 = tpu.memref_slice %arg9[%dma_wait3A_241, %dma_wait3A_242, %dma_wait3A_243] : memref<6x16x1024xf32, #tpu.memory_space<vmem>> -> memref<1x16x1024xf32, #tpu.memory_space<vmem>>
        %dma_wait3A_245 = tpu.memref_squeeze %dma_wait3A_244 : memref<1x16x1024xf32, #tpu.memory_space<vmem>> -> memref<16x1024xf32, #tpu.memory_space<vmem>>
        %dma_wait3A_246 = arith.constant 0 : i32
        %dma_wait3A_247 = arith.constant 0 : i32
        %dma_wait3A_248 = tpu.memref_slice %arg2[%dma_wait3A_246, %dma_wait3A_247] : memref<16384x1024xf32, #tpu.memory_space<hbm>> -> memref<16x1024xf32, #tpu.memory_space<hbm>>
        %dma_wait3A_249 = arith.constant 0 : i32
        %dma_wait3A_250 = arith.constant 0 : i32
        %dma_wait3A_251 = tpu.memref_slice %arg9[%dma_wait3A_241, %dma_wait3A_249, %dma_wait3A_250] : memref<6x16x1024xf32, #tpu.memory_space<vmem>> -> memref<1x16x1024xf32, #tpu.memory_space<vmem>>
        %dma_wait3A_252 = tpu.memref_squeeze %dma_wait3A_251 : memref<1x16x1024xf32, #tpu.memory_space<vmem>> -> memref<16x1024xf32, #tpu.memory_space<vmem>>
        %dma_wait3A_253 = arith.constant 0 : i32
        %dma_wait3A_254 = arith.constant 0 : i32
        %dma_wait3A_255 = tpu.memref_slice %arg2[%dma_wait3A_253, %dma_wait3A_254] : memref<16384x1024xf32, #tpu.memory_space<hbm>> -> memref<16x1024xf32, #tpu.memory_space<hbm>>
        tpu.wait_dma2 semaphore(%arg11 : memref<!tpu.dma_semaphore, #tpu.memory_space<semaphore_mem>>) src(%dma_wait3A_255 : memref<16x1024xf32, #tpu.memory_space<hbm>>) dst(%dma_wait3A_252 : memref<16x1024xf32, #tpu.memory_space<vmem>>)
        %mul3A_256 = arith.constant 16 : i32
        %mul3A_257 = arith.muli %add3A_196, %mul3A_256 : i32
        %get3A_258 = arith.index_cast %mul3A_257 : i32 to index
        %get3A_259 = tpu.vector_load %arg7[%get3A_258] {strides = array<i32>} : memref<528xi32, #tpu.memory_space<vmem>>, vector<16xi32>,
        %dma_start3A_260 = arith.constant 0 : i32
        %dma_start3A_261 = arith.constant 0 : i32
        %dma_start3A_262 = arith.constant 0 : i32
        %dma_start3A_263 = tpu.memref_slice %arg9[%dma_start3A_260, %dma_start3A_261, %dma_start3A_262] : memref<6x16x1024xf32, #tpu.memory_space<vmem>> -> memref<1x16x1024xf32, #tpu.memory_space<vmem>>
        %dma_start3A_264 = tpu.memref_squeeze %dma_start3A_263 : memref<1x16x1024xf32, #tpu.memory_space<vmem>> -> memref<16x1024xf32, #tpu.memory_space<vmem>>
        %dma_start3A_265 = arith.constant 0 : i32
        %dma_start3A_266 = arith.constant 0 : i32
        %dma_start3A_267 = tpu.memref_slice %arg5[%dma_start3A_265, %dma_start3A_266] : memref<16384x1024xf32, #tpu.memory_space<hbm>> -> memref<16384x1024xf32, #tpu.memory_space<hbm>>
        tpu.enqueue_indirect_dma source(%dma_start3A_264 : memref<16x1024xf32, #tpu.memory_space<vmem>>) target(%dma_start3A_267 : memref<16384x1024xf32, #tpu.memory_space<hbm>>) offsets(%get3A_259 : vector<16xi32>) semaphore(%arg17 : memref<!tpu.dma_semaphore, #tpu.memory_space<semaphore_mem>>)
        %add3A_268 = arith.constant 6 : i32
        %add3A_269 = arith.addi %add3A_196, %add3A_268 : i32
        %sub3A_270 = arith.constant 1 : i32
        %sub3A_271 = arith.subi %add3A_269, %sub3A_270 : i32
        %lt3A_272 = arith.cmpi slt, %sub3A_271, %select_n3A : i32
        %convert_element_type3A_273 = arith.extui %lt3A_272 : i1 to i32
        %cond3A_274 = arith.constant 0 : i32
        %cond3A_275 = arith.cmpi ne, %convert_element_type3A_273, %cond3A_274 : i32
        scf.if %cond3A_275 {
          %add3A_276 = arith.constant 6 : i32
          %add3A_277 = arith.addi %add3A_196, %add3A_276 : i32
          %sub3A_278 = arith.constant 1 : i32
          %sub3A_279 = arith.subi %add3A_277, %sub3A_278 : i32
          %ge3A = arith.constant 6 : i32
          %ge3A_280 = arith.cmpi sge, %sub3A_279, %ge3A : i32
          %convert_element_type3A_281 = arith.extui %ge3A_280 : i1 to i32
          %cond3A_282 = arith.constant 0 : i32
          %cond3A_283 = arith.cmpi ne, %convert_element_type3A_281, %cond3A_282 : i32
          scf.if %cond3A_283 {
            %dma_wait3A_300 = arith.constant 5 : i32
            %dma_wait3A_301 = arith.constant 0 : i32
            %dma_wait3A_302 = arith.constant 0 : i32
            %dma_wait3A_303 = tpu.memref_slice %arg9[%dma_wait3A_300, %dma_wait3A_301, %dma_wait3A_302] : memref<6x16x1024xf32, #tpu.memory_space<vmem>> -> memref<1x16x1024xf32, #tpu.memory_space<vmem>>
            %dma_wait3A_304 = tpu.memref_squeeze %dma_wait3A_303 : memref<1x16x1024xf32, #tpu.memory_space<vmem>> -> memref<16x1024xf32, #tpu.memory_space<vmem>>
            %dma_wait3A_305 = arith.constant 0 : i32
            %dma_wait3A_306 = arith.constant 0 : i32
            %dma_wait3A_307 = tpu.memref_slice %arg5[%dma_wait3A_305, %dma_wait3A_306] : memref<16384x1024xf32, #tpu.memory_space<hbm>> -> memref<16x1024xf32, #tpu.memory_space<hbm>>
            %dma_wait3A_308 = arith.constant 0 : i32
            %dma_wait3A_309 = arith.constant 0 : i32
            %dma_wait3A_310 = tpu.memref_slice %arg5[%dma_wait3A_308, %dma_wait3A_309] : memref<16384x1024xf32, #tpu.memory_space<hbm>> -> memref<16x1024xf32, #tpu.memory_space<hbm>>
            %dma_wait3A_311 = arith.constant 0 : i32
            %dma_wait3A_312 = arith.constant 0 : i32
            %dma_wait3A_313 = tpu.memref_slice %arg9[%dma_wait3A_300, %dma_wait3A_311, %dma_wait3A_312] : memref<6x16x1024xf32, #tpu.memory_space<vmem>> -> memref<1x16x1024xf32, #tpu.memory_space<vmem>>
            %dma_wait3A_314 = tpu.memref_squeeze %dma_wait3A_313 : memref<1x16x1024xf32, #tpu.memory_space<vmem>> -> memref<16x1024xf32, #tpu.memory_space<vmem>>
            tpu.wait_dma2 semaphore(%arg22 : memref<!tpu.dma_semaphore, #tpu.memory_space<semaphore_mem>>) src(%dma_wait3A_314 : memref<16x1024xf32, #tpu.memory_space<vmem>>) dst(%dma_wait3A_310 : memref<16x1024xf32, #tpu.memory_space<hbm>>)
          } else {
          }
          %add3A_284 = arith.constant 6 : i32
          %add3A_285 = arith.addi %add3A_196, %add3A_284 : i32
          %sub3A_286 = arith.constant 1 : i32
          %sub3A_287 = arith.subi %add3A_285, %sub3A_286 : i32
          %mul3A_288 = arith.constant 16 : i32
          %mul3A_289 = arith.muli %sub3A_287, %mul3A_288 : i32
          %get3A_290 = arith.index_cast %mul3A_289 : i32 to index
          %get3A_291 = tpu.vector_load %arg7[%get3A_290] {strides = array<i32>} : memref<528xi32, #tpu.memory_space<vmem>>, vector<16xi32>,
          %dma_start3A_292 = arith.constant 5 : i32
          %dma_start3A_293 = arith.constant 0 : i32
          %dma_start3A_294 = arith.constant 0 : i32
          %dma_start3A_295 = tpu.memref_slice %arg9[%dma_start3A_292, %dma_start3A_293, %dma_start3A_294] : memref<6x16x1024xf32, #tpu.memory_space<vmem>> -> memref<1x16x1024xf32, #tpu.memory_space<vmem>>
          %dma_start3A_296 = tpu.memref_squeeze %dma_start3A_295 : memref<1x16x1024xf32, #tpu.memory_space<vmem>> -> memref<16x1024xf32, #tpu.memory_space<vmem>>
          %dma_start3A_297 = arith.constant 0 : i32
          %dma_start3A_298 = arith.constant 0 : i32
          %dma_start3A_299 = tpu.memref_slice %arg2[%dma_start3A_297, %dma_start3A_298] : memref<16384x1024xf32, #tpu.memory_space<hbm>> -> memref<16384x1024xf32, #tpu.memory_space<hbm>>
          tpu.enqueue_indirect_dma source(%dma_start3A_299 : memref<16384x1024xf32, #tpu.memory_space<hbm>>) target(%dma_start3A_296 : memref<16x1024xf32, #tpu.memory_space<vmem>>) offsets(%get3A_291 : vector<16xi32>) semaphore(%arg16 : memref<!tpu.dma_semaphore, #tpu.memory_space<semaphore_mem>>)
        } else {
        }
      } else {
      }
      %mul3A_200 = arith.constant 6 : i32
      %mul3A_201 = arith.muli %while3A_191, %mul3A_200 : i32
      %add3A_202 = arith.constant 1 : i32
      %add3A_203 = arith.addi %mul3A_201, %add3A_202 : i32
      %lt3A_204 = arith.cmpi slt, %add3A_203, %select_n3A : i32
      %convert_element_type3A_205 = arith.extui %lt3A_204 : i1 to i32
      %cond3A_206 = arith.constant 0 : i32
      %cond3A_207 = arith.cmpi ne, %convert_element_type3A_205, %cond3A_206 : i32
      scf.if %cond3A_207 {
        %dma_wait3A_241 = arith.constant 1 : i32
        %dma_wait3A_242 = arith.constant 0 : i32
        %dma_wait3A_243 = arith.constant 0 : i32
        %dma_wait3A_244 = tpu.memref_slice %arg9[%dma_wait3A_241, %dma_wait3A_242, %dma_wait3A_243] : memref<6x16x1024xf32, #tpu.memory_space<vmem>> -> memref<1x16x1024xf32, #tpu.memory_space<vmem>>
        %dma_wait3A_245 = tpu.memref_squeeze %dma_wait3A_244 : memref<1x16x1024xf32, #tpu.memory_space<vmem>> -> memref<16x1024xf32, #tpu.memory_space<vmem>>
        %dma_wait3A_246 = arith.constant 0 : i32
        %dma_wait3A_247 = arith.constant 0 : i32
        %dma_wait3A_248 = tpu.memref_slice %arg2[%dma_wait3A_246, %dma_wait3A_247] : memref<16384x1024xf32, #tpu.memory_space<hbm>> -> memref<16x1024xf32, #tpu.memory_space<hbm>>
        %dma_wait3A_249 = arith.constant 0 : i32
        %dma_wait3A_250 = arith.constant 0 : i32
        %dma_wait3A_251 = tpu.memref_slice %arg9[%dma_wait3A_241, %dma_wait3A_249, %dma_wait3A_250] : memref<6x16x1024xf32, #tpu.memory_space<vmem>> -> memref<1x16x1024xf32, #tpu.memory_space<vmem>>
        %dma_wait3A_252 = tpu.memref_squeeze %dma_wait3A_251 : memref<1x16x1024xf32, #tpu.memory_space<vmem>> -> memref<16x1024xf32, #tpu.memory_space<vmem>>
        %dma_wait3A_253 = arith.constant 0 : i32
        %dma_wait3A_254 = arith.constant 0 : i32
        %dma_wait3A_255 = tpu.memref_slice %arg2[%dma_wait3A_253, %dma_wait3A_254] : memref<16384x1024xf32, #tpu.memory_space<hbm>> -> memref<16x1024xf32, #tpu.memory_space<hbm>>
        tpu.wait_dma2 semaphore(%arg12 : memref<!tpu.dma_semaphore, #tpu.memory_space<semaphore_mem>>) src(%dma_wait3A_255 : memref<16x1024xf32, #tpu.memory_space<hbm>>) dst(%dma_wait3A_252 : memref<16x1024xf32, #tpu.memory_space<vmem>>)
        %mul3A_256 = arith.constant 16 : i32
        %mul3A_257 = arith.muli %add3A_203, %mul3A_256 : i32
        %get3A_258 = arith.index_cast %mul3A_257 : i32 to index
        %get3A_259 = tpu.vector_load %arg7[%get3A_258] {strides = array<i32>} : memref<528xi32, #tpu.memory_space<vmem>>, vector<16xi32>,
        %dma_start3A_260 = arith.constant 1 : i32
        %dma_start3A_261 = arith.constant 0 : i32
        %dma_start3A_262 = arith.constant 0 : i32
        %dma_start3A_263 = tpu.memref_slice %arg9[%dma_start3A_260, %dma_start3A_261, %dma_start3A_262] : memref<6x16x1024xf32, #tpu.memory_space<vmem>> -> memref<1x16x1024xf32, #tpu.memory_space<vmem>>
        %dma_start3A_264 = tpu.memref_squeeze %dma_start3A_263 : memref<1x16x1024xf32, #tpu.memory_space<vmem>> -> memref<16x1024xf32, #tpu.memory_space<vmem>>
        %dma_start3A_265 = arith.constant 0 : i32
        %dma_start3A_266 = arith.constant 0 : i32
        %dma_start3A_267 = tpu.memref_slice %arg5[%dma_start3A_265, %dma_start3A_266] : memref<16384x1024xf32, #tpu.memory_space<hbm>> -> memref<16384x1024xf32, #tpu.memory_space<hbm>>
        tpu.enqueue_indirect_dma source(%dma_start3A_264 : memref<16x1024xf32, #tpu.memory_space<vmem>>) target(%dma_start3A_267 : memref<16384x1024xf32, #tpu.memory_space<hbm>>) offsets(%get3A_259 : vector<16xi32>) semaphore(%arg18 : memref<!tpu.dma_semaphore, #tpu.memory_space<semaphore_mem>>)
        %add3A_268 = arith.constant 6 : i32
        %add3A_269 = arith.addi %add3A_203, %add3A_268 : i32
        %sub3A_270 = arith.constant 1 : i32
        %sub3A_271 = arith.subi %add3A_269, %sub3A_270 : i32
        %lt3A_272 = arith.cmpi slt, %sub3A_271, %select_n3A : i32
        %convert_element_type3A_273 = arith.extui %lt3A_272 : i1 to i32
        %cond3A_274 = arith.constant 0 : i32
        %cond3A_275 = arith.cmpi ne, %convert_element_type3A_273, %cond3A_274 : i32
        scf.if %cond3A_275 {
          %add3A_276 = arith.constant 6 : i32
          %add3A_277 = arith.addi %add3A_203, %add3A_276 : i32
          %sub3A_278 = arith.constant 1 : i32
          %sub3A_279 = arith.subi %add3A_277, %sub3A_278 : i32
          %ge3A = arith.constant 6 : i32
          %ge3A_280 = arith.cmpi sge, %sub3A_279, %ge3A : i32
          %convert_element_type3A_281 = arith.extui %ge3A_280 : i1 to i32
          %cond3A_282 = arith.constant 0 : i32
          %cond3A_283 = arith.cmpi ne, %convert_element_type3A_281, %cond3A_282 : i32
          scf.if %cond3A_283 {
            %dma_wait3A_300 = arith.constant 0 : i32
            %dma_wait3A_301 = arith.constant 0 : i32
            %dma_wait3A_302 = arith.constant 0 : i32
            %dma_wait3A_303 = tpu.memref_slice %arg9[%dma_wait3A_300, %dma_wait3A_301, %dma_wait3A_302] : memref<6x16x1024xf32, #tpu.memory_space<vmem>> -> memref<1x16x1024xf32, #tpu.memory_space<vmem>>
            %dma_wait3A_304 = tpu.memref_squeeze %dma_wait3A_303 : memref<1x16x1024xf32, #tpu.memory_space<vmem>> -> memref<16x1024xf32, #tpu.memory_space<vmem>>
            %dma_wait3A_305 = arith.constant 0 : i32
            %dma_wait3A_306 = arith.constant 0 : i32
            %dma_wait3A_307 = tpu.memref_slice %arg5[%dma_wait3A_305, %dma_wait3A_306] : memref<16384x1024xf32, #tpu.memory_space<hbm>> -> memref<16x1024xf32, #tpu.memory_space<hbm>>
            %dma_wait3A_308 = arith.constant 0 : i32
            %dma_wait3A_309 = arith.constant 0 : i32
            %dma_wait3A_310 = tpu.memref_slice %arg5[%dma_wait3A_308, %dma_wait3A_309] : memref<16384x1024xf32, #tpu.memory_space<hbm>> -> memref<16x1024xf32, #tpu.memory_space<hbm>>
            %dma_wait3A_311 = arith.constant 0 : i32
            %dma_wait3A_312 = arith.constant 0 : i32
            %dma_wait3A_313 = tpu.memref_slice %arg9[%dma_wait3A_300, %dma_wait3A_311, %dma_wait3A_312] : memref<6x16x1024xf32, #tpu.memory_space<vmem>> -> memref<1x16x1024xf32, #tpu.memory_space<vmem>>
            %dma_wait3A_314 = tpu.memref_squeeze %dma_wait3A_313 : memref<1x16x1024xf32, #tpu.memory_space<vmem>> -> memref<16x1024xf32, #tpu.memory_space<vmem>>
            tpu.wait_dma2 semaphore(%arg17 : memref<!tpu.dma_semaphore, #tpu.memory_space<semaphore_mem>>) src(%dma_wait3A_314 : memref<16x1024xf32, #tpu.memory_space<vmem>>) dst(%dma_wait3A_310 : memref<16x1024xf32, #tpu.memory_space<hbm>>)
          } else {
          }
          %add3A_284 = arith.constant 6 : i32
          %add3A_285 = arith.addi %add3A_203, %add3A_284 : i32
          %sub3A_286 = arith.constant 1 : i32
          %sub3A_287 = arith.subi %add3A_285, %sub3A_286 : i32
          %mul3A_288 = arith.constant 16 : i32
          %mul3A_289 = arith.muli %sub3A_287, %mul3A_288 : i32
          %get3A_290 = arith.index_cast %mul3A_289 : i32 to index
          %get3A_291 = tpu.vector_load %arg7[%get3A_290] {strides = array<i32>} : memref<528xi32, #tpu.memory_space<vmem>>, vector<16xi32>,
          %dma_start3A_292 = arith.constant 0 : i32
          %dma_start3A_293 = arith.constant 0 : i32
          %dma_start3A_294 = arith.constant 0 : i32
          %dma_start3A_295 = tpu.memref_slice %arg9[%dma_start3A_292, %dma_start3A_293, %dma_start3A_294] : memref<6x16x1024xf32, #tpu.memory_space<vmem>> -> memref<1x16x1024xf32, #tpu.memory_space<vmem>>
          %dma_start3A_296 = tpu.memref_squeeze %dma_start3A_295 : memref<1x16x1024xf32, #tpu.memory_space<vmem>> -> memref<16x1024xf32, #tpu.memory_space<vmem>>
          %dma_start3A_297 = arith.constant 0 : i32
          %dma_start3A_298 = arith.constant 0 : i32
          %dma_start3A_299 = tpu.memref_slice %arg2[%dma_start3A_297, %dma_start3A_298] : memref<16384x1024xf32, #tpu.memory_space<hbm>> -> memref<16384x1024xf32, #tpu.memory_space<hbm>>
          tpu.enqueue_indirect_dma source(%dma_start3A_299 : memref<16384x1024xf32, #tpu.memory_space<hbm>>) target(%dma_start3A_296 : memref<16x1024xf32, #tpu.memory_space<vmem>>) offsets(%get3A_291 : vector<16xi32>) semaphore(%arg11 : memref<!tpu.dma_semaphore, #tpu.memory_space<semaphore_mem>>)
        } else {
        }
      } else {
      }
      %mul3A_208 = arith.constant 6 : i32
      %mul3A_209 = arith.muli %while3A_191, %mul3A_208 : i32
      %add3A_210 = arith.constant 2 : i32
      %add3A_211 = arith.addi %mul3A_209, %add3A_210 : i32
      %lt3A_212 = arith.cmpi slt, %add3A_211, %select_n3A : i32
      %convert_element_type3A_213 = arith.extui %lt3A_212 : i1 to i32
      %cond3A_214 = arith.constant 0 : i32
      %cond3A_215 = arith.cmpi ne, %convert_element_type3A_213, %cond3A_214 : i32
      scf.if %cond3A_215 {
        %dma_wait3A_241 = arith.constant 2 : i32
        %dma_wait3A_242 = arith.constant 0 : i32
        %dma_wait3A_243 = arith.constant 0 : i32
        %dma_wait3A_244 = tpu.memref_slice %arg9[%dma_wait3A_241, %dma_wait3A_242, %dma_wait3A_243] : memref<6x16x1024xf32, #tpu.memory_space<vmem>> -> memref<1x16x1024xf32, #tpu.memory_space<vmem>>
        %dma_wait3A_245 = tpu.memref_squeeze %dma_wait3A_244 : memref<1x16x1024xf32, #tpu.memory_space<vmem>> -> memref<16x1024xf32, #tpu.memory_space<vmem>>
        %dma_wait3A_246 = arith.constant 0 : i32
        %dma_wait3A_247 = arith.constant 0 : i32
        %dma_wait3A_248 = tpu.memref_slice %arg2[%dma_wait3A_246, %dma_wait3A_247] : memref<16384x1024xf32, #tpu.memory_space<hbm>> -> memref<16x1024xf32, #tpu.memory_space<hbm>>
        %dma_wait3A_249 = arith.constant 0 : i32
        %dma_wait3A_250 = arith.constant 0 : i32
        %dma_wait3A_251 = tpu.memref_slice %arg9[%dma_wait3A_241, %dma_wait3A_249, %dma_wait3A_250] : memref<6x16x1024xf32, #tpu.memory_space<vmem>> -> memref<1x16x1024xf32, #tpu.memory_space<vmem>>
        %dma_wait3A_252 = tpu.memref_squeeze %dma_wait3A_251 : memref<1x16x1024xf32, #tpu.memory_space<vmem>> -> memref<16x1024xf32, #tpu.memory_space<vmem>>
        %dma_wait3A_253 = arith.constant 0 : i32
        %dma_wait3A_254 = arith.constant 0 : i32
        %dma_wait3A_255 = tpu.memref_slice %arg2[%dma_wait3A_253, %dma_wait3A_254] : memref<16384x1024xf32, #tpu.memory_space<hbm>> -> memref<16x1024xf32, #tpu.memory_space<hbm>>
        tpu.wait_dma2 semaphore(%arg13 : memref<!tpu.dma_semaphore, #tpu.memory_space<semaphore_mem>>) src(%dma_wait3A_255 : memref<16x1024xf32, #tpu.memory_space<hbm>>) dst(%dma_wait3A_252 : memref<16x1024xf32, #tpu.memory_space<vmem>>)
        %mul3A_256 = arith.constant 16 : i32
        %mul3A_257 = arith.muli %add3A_211, %mul3A_256 : i32
        %get3A_258 = arith.index_cast %mul3A_257 : i32 to index
        %get3A_259 = tpu.vector_load %arg7[%get3A_258] {strides = array<i32>} : memref<528xi32, #tpu.memory_space<vmem>>, vector<16xi32>,
        %dma_start3A_260 = arith.constant 2 : i32
        %dma_start3A_261 = arith.constant 0 : i32
        %dma_start3A_262 = arith.constant 0 : i32
        %dma_start3A_263 = tpu.memref_slice %arg9[%dma_start3A_260, %dma_start3A_261, %dma_start3A_262] : memref<6x16x1024xf32, #tpu.memory_space<vmem>> -> memref<1x16x1024xf32, #tpu.memory_space<vmem>>
        %dma_start3A_264 = tpu.memref_squeeze %dma_start3A_263 : memref<1x16x1024xf32, #tpu.memory_space<vmem>> -> memref<16x1024xf32, #tpu.memory_space<vmem>>
        %dma_start3A_265 = arith.constant 0 : i32
        %dma_start3A_266 = arith.constant 0 : i32
        %dma_start3A_267 = tpu.memref_slice %arg5[%dma_start3A_265, %dma_start3A_266] : memref<16384x1024xf32, #tpu.memory_space<hbm>> -> memref<16384x1024xf32, #tpu.memory_space<hbm>>
        tpu.enqueue_indirect_dma source(%dma_start3A_264 : memref<16x1024xf32, #tpu.memory_space<vmem>>) target(%dma_start3A_267 : memref<16384x1024xf32, #tpu.memory_space<hbm>>) offsets(%get3A_259 : vector<16xi32>) semaphore(%arg19 : memref<!tpu.dma_semaphore, #tpu.memory_space<semaphore_mem>>)
        %add3A_268 = arith.constant 6 : i32
        %add3A_269 = arith.addi %add3A_211, %add3A_268 : i32
        %sub3A_270 = arith.constant 1 : i32
        %sub3A_271 = arith.subi %add3A_269, %sub3A_270 : i32
        %lt3A_272 = arith.cmpi slt, %sub3A_271, %select_n3A : i32
        %convert_element_type3A_273 = arith.extui %lt3A_272 : i1 to i32
        %cond3A_274 = arith.constant 0 : i32
        %cond3A_275 = arith.cmpi ne, %convert_element_type3A_273, %cond3A_274 : i32
        scf.if %cond3A_275 {
          %add3A_276 = arith.constant 6 : i32
          %add3A_277 = arith.addi %add3A_211, %add3A_276 : i32
          %sub3A_278 = arith.constant 1 : i32
          %sub3A_279 = arith.subi %add3A_277, %sub3A_278 : i32
          %ge3A = arith.constant 6 : i32
          %ge3A_280 = arith.cmpi sge, %sub3A_279, %ge3A : i32
          %convert_element_type3A_281 = arith.extui %ge3A_280 : i1 to i32
          %cond3A_282 = arith.constant 0 : i32
          %cond3A_283 = arith.cmpi ne, %convert_element_type3A_281, %cond3A_282 : i32
          scf.if %cond3A_283 {
            %dma_wait3A_300 = arith.constant 1 : i32
            %dma_wait3A_301 = arith.constant 0 : i32
            %dma_wait3A_302 = arith.constant 0 : i32
            %dma_wait3A_303 = tpu.memref_slice %arg9[%dma_wait3A_300, %dma_wait3A_301, %dma_wait3A_302] : memref<6x16x1024xf32, #tpu.memory_space<vmem>> -> memref<1x16x1024xf32, #tpu.memory_space<vmem>>
            %dma_wait3A_304 = tpu.memref_squeeze %dma_wait3A_303 : memref<1x16x1024xf32, #tpu.memory_space<vmem>> -> memref<16x1024xf32, #tpu.memory_space<vmem>>
            %dma_wait3A_305 = arith.constant 0 : i32
            %dma_wait3A_306 = arith.constant 0 : i32
            %dma_wait3A_307 = tpu.memref_slice %arg5[%dma_wait3A_305, %dma_wait3A_306] : memref<16384x1024xf32, #tpu.memory_space<hbm>> -> memref<16x1024xf32, #tpu.memory_space<hbm>>
            %dma_wait3A_308 = arith.constant 0 : i32
            %dma_wait3A_309 = arith.constant 0 : i32
            %dma_wait3A_310 = tpu.memref_slice %arg5[%dma_wait3A_308, %dma_wait3A_309] : memref<16384x1024xf32, #tpu.memory_space<hbm>> -> memref<16x1024xf32, #tpu.memory_space<hbm>>
            %dma_wait3A_311 = arith.constant 0 : i32
            %dma_wait3A_312 = arith.constant 0 : i32
            %dma_wait3A_313 = tpu.memref_slice %arg9[%dma_wait3A_300, %dma_wait3A_311, %dma_wait3A_312] : memref<6x16x1024xf32, #tpu.memory_space<vmem>> -> memref<1x16x1024xf32, #tpu.memory_space<vmem>>
            %dma_wait3A_314 = tpu.memref_squeeze %dma_wait3A_313 : memref<1x16x1024xf32, #tpu.memory_space<vmem>> -> memref<16x1024xf32, #tpu.memory_space<vmem>>
            tpu.wait_dma2 semaphore(%arg18 : memref<!tpu.dma_semaphore, #tpu.memory_space<semaphore_mem>>) src(%dma_wait3A_314 : memref<16x1024xf32, #tpu.memory_space<vmem>>) dst(%dma_wait3A_310 : memref<16x1024xf32, #tpu.memory_space<hbm>>)
          } else {
          }
          %add3A_284 = arith.constant 6 : i32
          %add3A_285 = arith.addi %add3A_211, %add3A_284 : i32
          %sub3A_286 = arith.constant 1 : i32
          %sub3A_287 = arith.subi %add3A_285, %sub3A_286 : i32
          %mul3A_288 = arith.constant 16 : i32
          %mul3A_289 = arith.muli %sub3A_287, %mul3A_288 : i32
          %get3A_290 = arith.index_cast %mul3A_289 : i32 to index
          %get3A_291 = tpu.vector_load %arg7[%get3A_290] {strides = array<i32>} : memref<528xi32, #tpu.memory_space<vmem>>, vector<16xi32>,
          %dma_start3A_292 = arith.constant 1 : i32
          %dma_start3A_293 = arith.constant 0 : i32
          %dma_start3A_294 = arith.constant 0 : i32
          %dma_start3A_295 = tpu.memref_slice %arg9[%dma_start3A_292, %dma_start3A_293, %dma_start3A_294] : memref<6x16x1024xf32, #tpu.memory_space<vmem>> -> memref<1x16x1024xf32, #tpu.memory_space<vmem>>
          %dma_start3A_296 = tpu.memref_squeeze %dma_start3A_295 : memref<1x16x1024xf32, #tpu.memory_space<vmem>> -> memref<16x1024xf32, #tpu.memory_space<vmem>>
          %dma_start3A_297 = arith.constant 0 : i32
          %dma_start3A_298 = arith.constant 0 : i32
          %dma_start3A_299 = tpu.memref_slice %arg2[%dma_start3A_297, %dma_start3A_298] : memref<16384x1024xf32, #tpu.memory_space<hbm>> -> memref<16384x1024xf32, #tpu.memory_space<hbm>>
          tpu.enqueue_indirect_dma source(%dma_start3A_299 : memref<16384x1024xf32, #tpu.memory_space<hbm>>) target(%dma_start3A_296 : memref<16x1024xf32, #tpu.memory_space<vmem>>) offsets(%get3A_291 : vector<16xi32>) semaphore(%arg12 : memref<!tpu.dma_semaphore, #tpu.memory_space<semaphore_mem>>)
        } else {
        }
      } else {
      }
      %mul3A_216 = arith.constant 6 : i32
      %mul3A_217 = arith.muli %while3A_191, %mul3A_216 : i32
      %add3A_218 = arith.constant 3 : i32
      %add3A_219 = arith.addi %mul3A_217, %add3A_218 : i32
      %lt3A_220 = arith.cmpi slt, %add3A_219, %select_n3A : i32
      %convert_element_type3A_221 = arith.extui %lt3A_220 : i1 to i32
      %cond3A_222 = arith.constant 0 : i32
      %cond3A_223 = arith.cmpi ne, %convert_element_type3A_221, %cond3A_222 : i32
      scf.if %cond3A_223 {
        %dma_wait3A_241 = arith.constant 3 : i32
        %dma_wait3A_242 = arith.constant 0 : i32
        %dma_wait3A_243 = arith.constant 0 : i32
        %dma_wait3A_244 = tpu.memref_slice %arg9[%dma_wait3A_241, %dma_wait3A_242, %dma_wait3A_243] : memref<6x16x1024xf32, #tpu.memory_space<vmem>> -> memref<1x16x1024xf32, #tpu.memory_space<vmem>>
        %dma_wait3A_245 = tpu.memref_squeeze %dma_wait3A_244 : memref<1x16x1024xf32, #tpu.memory_space<vmem>> -> memref<16x1024xf32, #tpu.memory_space<vmem>>
        %dma_wait3A_246 = arith.constant 0 : i32
        %dma_wait3A_247 = arith.constant 0 : i32
        %dma_wait3A_248 = tpu.memref_slice %arg2[%dma_wait3A_246, %dma_wait3A_247] : memref<16384x1024xf32, #tpu.memory_space<hbm>> -> memref<16x1024xf32, #tpu.memory_space<hbm>>
        %dma_wait3A_249 = arith.constant 0 : i32
        %dma_wait3A_250 = arith.constant 0 : i32
        %dma_wait3A_251 = tpu.memref_slice %arg9[%dma_wait3A_241, %dma_wait3A_249, %dma_wait3A_250] : memref<6x16x1024xf32, #tpu.memory_space<vmem>> -> memref<1x16x1024xf32, #tpu.memory_space<vmem>>
        %dma_wait3A_252 = tpu.memref_squeeze %dma_wait3A_251 : memref<1x16x1024xf32, #tpu.memory_space<vmem>> -> memref<16x1024xf32, #tpu.memory_space<vmem>>
        %dma_wait3A_253 = arith.constant 0 : i32
        %dma_wait3A_254 = arith.constant 0 : i32
        %dma_wait3A_255 = tpu.memref_slice %arg2[%dma_wait3A_253, %dma_wait3A_254] : memref<16384x1024xf32, #tpu.memory_space<hbm>> -> memref<16x1024xf32, #tpu.memory_space<hbm>>
        tpu.wait_dma2 semaphore(%arg14 : memref<!tpu.dma_semaphore, #tpu.memory_space<semaphore_mem>>) src(%dma_wait3A_255 : memref<16x1024xf32, #tpu.memory_space<hbm>>) dst(%dma_wait3A_252 : memref<16x1024xf32, #tpu.memory_space<vmem>>)
        %mul3A_256 = arith.constant 16 : i32
        %mul3A_257 = arith.muli %add3A_219, %mul3A_256 : i32
        %get3A_258 = arith.index_cast %mul3A_257 : i32 to index
        %get3A_259 = tpu.vector_load %arg7[%get3A_258] {strides = array<i32>} : memref<528xi32, #tpu.memory_space<vmem>>, vector<16xi32>,
        %dma_start3A_260 = arith.constant 3 : i32
        %dma_start3A_261 = arith.constant 0 : i32
        %dma_start3A_262 = arith.constant 0 : i32
        %dma_start3A_263 = tpu.memref_slice %arg9[%dma_start3A_260, %dma_start3A_261, %dma_start3A_262] : memref<6x16x1024xf32, #tpu.memory_space<vmem>> -> memref<1x16x1024xf32, #tpu.memory_space<vmem>>
        %dma_start3A_264 = tpu.memref_squeeze %dma_start3A_263 : memref<1x16x1024xf32, #tpu.memory_space<vmem>> -> memref<16x1024xf32, #tpu.memory_space<vmem>>
        %dma_start3A_265 = arith.constant 0 : i32
        %dma_start3A_266 = arith.constant 0 : i32
        %dma_start3A_267 = tpu.memref_slice %arg5[%dma_start3A_265, %dma_start3A_266] : memref<16384x1024xf32, #tpu.memory_space<hbm>> -> memref<16384x1024xf32, #tpu.memory_space<hbm>>
        tpu.enqueue_indirect_dma source(%dma_start3A_264 : memref<16x1024xf32, #tpu.memory_space<vmem>>) target(%dma_start3A_267 : memref<16384x1024xf32, #tpu.memory_space<hbm>>) offsets(%get3A_259 : vector<16xi32>) semaphore(%arg20 : memref<!tpu.dma_semaphore, #tpu.memory_space<semaphore_mem>>)
        %add3A_268 = arith.constant 6 : i32
        %add3A_269 = arith.addi %add3A_219, %add3A_268 : i32
        %sub3A_270 = arith.constant 1 : i32
        %sub3A_271 = arith.subi %add3A_269, %sub3A_270 : i32
        %lt3A_272 = arith.cmpi slt, %sub3A_271, %select_n3A : i32
        %convert_element_type3A_273 = arith.extui %lt3A_272 : i1 to i32
        %cond3A_274 = arith.constant 0 : i32
        %cond3A_275 = arith.cmpi ne, %convert_element_type3A_273, %cond3A_274 : i32
        scf.if %cond3A_275 {
          %add3A_276 = arith.constant 6 : i32
          %add3A_277 = arith.addi %add3A_219, %add3A_276 : i32
          %sub3A_278 = arith.constant 1 : i32
          %sub3A_279 = arith.subi %add3A_277, %sub3A_278 : i32
          %ge3A = arith.constant 6 : i32
          %ge3A_280 = arith.cmpi sge, %sub3A_279, %ge3A : i32
          %convert_element_type3A_281 = arith.extui %ge3A_280 : i1 to i32
          %cond3A_282 = arith.constant 0 : i32
          %cond3A_283 = arith.cmpi ne, %convert_element_type3A_281, %cond3A_282 : i32
          scf.if %cond3A_283 {
            %dma_wait3A_300 = arith.constant 2 : i32
            %dma_wait3A_301 = arith.constant 0 : i32
            %dma_wait3A_302 = arith.constant 0 : i32
            %dma_wait3A_303 = tpu.memref_slice %arg9[%dma_wait3A_300, %dma_wait3A_301, %dma_wait3A_302] : memref<6x16x1024xf32, #tpu.memory_space<vmem>> -> memref<1x16x1024xf32, #tpu.memory_space<vmem>>
            %dma_wait3A_304 = tpu.memref_squeeze %dma_wait3A_303 : memref<1x16x1024xf32, #tpu.memory_space<vmem>> -> memref<16x1024xf32, #tpu.memory_space<vmem>>
            %dma_wait3A_305 = arith.constant 0 : i32
            %dma_wait3A_306 = arith.constant 0 : i32
            %dma_wait3A_307 = tpu.memref_slice %arg5[%dma_wait3A_305, %dma_wait3A_306] : memref<16384x1024xf32, #tpu.memory_space<hbm>> -> memref<16x1024xf32, #tpu.memory_space<hbm>>
            %dma_wait3A_308 = arith.constant 0 : i32
            %dma_wait3A_309 = arith.constant 0 : i32
            %dma_wait3A_310 = tpu.memref_slice %arg5[%dma_wait3A_308, %dma_wait3A_309] : memref<16384x1024xf32, #tpu.memory_space<hbm>> -> memref<16x1024xf32, #tpu.memory_space<hbm>>
            %dma_wait3A_311 = arith.constant 0 : i32
            %dma_wait3A_312 = arith.constant 0 : i32
            %dma_wait3A_313 = tpu.memref_slice %arg9[%dma_wait3A_300, %dma_wait3A_311, %dma_wait3A_312] : memref<6x16x1024xf32, #tpu.memory_space<vmem>> -> memref<1x16x1024xf32, #tpu.memory_space<vmem>>
            %dma_wait3A_314 = tpu.memref_squeeze %dma_wait3A_313 : memref<1x16x1024xf32, #tpu.memory_space<vmem>> -> memref<16x1024xf32, #tpu.memory_space<vmem>>
            tpu.wait_dma2 semaphore(%arg19 : memref<!tpu.dma_semaphore, #tpu.memory_space<semaphore_mem>>) src(%dma_wait3A_314 : memref<16x1024xf32, #tpu.memory_space<vmem>>) dst(%dma_wait3A_310 : memref<16x1024xf32, #tpu.memory_space<hbm>>)
          } else {
          }
          %add3A_284 = arith.constant 6 : i32
          %add3A_285 = arith.addi %add3A_219, %add3A_284 : i32
          %sub3A_286 = arith.constant 1 : i32
          %sub3A_287 = arith.subi %add3A_285, %sub3A_286 : i32
          %mul3A_288 = arith.constant 16 : i32
          %mul3A_289 = arith.muli %sub3A_287, %mul3A_288 : i32
          %get3A_290 = arith.index_cast %mul3A_289 : i32 to index
          %get3A_291 = tpu.vector_load %arg7[%get3A_290] {strides = array<i32>} : memref<528xi32, #tpu.memory_space<vmem>>, vector<16xi32>,
          %dma_start3A_292 = arith.constant 2 : i32
          %dma_start3A_293 = arith.constant 0 : i32
          %dma_start3A_294 = arith.constant 0 : i32
          %dma_start3A_295 = tpu.memref_slice %arg9[%dma_start3A_292, %dma_start3A_293, %dma_start3A_294] : memref<6x16x1024xf32, #tpu.memory_space<vmem>> -> memref<1x16x1024xf32, #tpu.memory_space<vmem>>
          %dma_start3A_296 = tpu.memref_squeeze %dma_start3A_295 : memref<1x16x1024xf32, #tpu.memory_space<vmem>> -> memref<16x1024xf32, #tpu.memory_space<vmem>>
          %dma_start3A_297 = arith.constant 0 : i32
          %dma_start3A_298 = arith.constant 0 : i32
          %dma_start3A_299 = tpu.memref_slice %arg2[%dma_start3A_297, %dma_start3A_298] : memref<16384x1024xf32, #tpu.memory_space<hbm>> -> memref<16384x1024xf32, #tpu.memory_space<hbm>>
          tpu.enqueue_indirect_dma source(%dma_start3A_299 : memref<16384x1024xf32, #tpu.memory_space<hbm>>) target(%dma_start3A_296 : memref<16x1024xf32, #tpu.memory_space<vmem>>) offsets(%get3A_291 : vector<16xi32>) semaphore(%arg13 : memref<!tpu.dma_semaphore, #tpu.memory_space<semaphore_mem>>)
        } else {
        }
      } else {
      }
      %mul3A_224 = arith.constant 6 : i32
      %mul3A_225 = arith.muli %while3A_191, %mul3A_224 : i32
      %add3A_226 = arith.constant 4 : i32
      %add3A_227 = arith.addi %mul3A_225, %add3A_226 : i32
      %lt3A_228 = arith.cmpi slt, %add3A_227, %select_n3A : i32
      %convert_element_type3A_229 = arith.extui %lt3A_228 : i1 to i32
      %cond3A_230 = arith.constant 0 : i32
      %cond3A_231 = arith.cmpi ne, %convert_element_type3A_229, %cond3A_230 : i32
      scf.if %cond3A_231 {
        %dma_wait3A_241 = arith.constant 4 : i32
        %dma_wait3A_242 = arith.constant 0 : i32
        %dma_wait3A_243 = arith.constant 0 : i32
        %dma_wait3A_244 = tpu.memref_slice %arg9[%dma_wait3A_241, %dma_wait3A_242, %dma_wait3A_243] : memref<6x16x1024xf32, #tpu.memory_space<vmem>> -> memref<1x16x1024xf32, #tpu.memory_space<vmem>>
        %dma_wait3A_245 = tpu.memref_squeeze %dma_wait3A_244 : memref<1x16x1024xf32, #tpu.memory_space<vmem>> -> memref<16x1024xf32, #tpu.memory_space<vmem>>
        %dma_wait3A_246 = arith.constant 0 : i32
        %dma_wait3A_247 = arith.constant 0 : i32
        %dma_wait3A_248 = tpu.memref_slice %arg2[%dma_wait3A_246, %dma_wait3A_247] : memref<16384x1024xf32, #tpu.memory_space<hbm>> -> memref<16x1024xf32, #tpu.memory_space<hbm>>
        %dma_wait3A_249 = arith.constant 0 : i32
        %dma_wait3A_250 = arith.constant 0 : i32
        %dma_wait3A_251 = tpu.memref_slice %arg9[%dma_wait3A_241, %dma_wait3A_249, %dma_wait3A_250] : memref<6x16x1024xf32, #tpu.memory_space<vmem>> -> memref<1x16x1024xf32, #tpu.memory_space<vmem>>
        %dma_wait3A_252 = tpu.memref_squeeze %dma_wait3A_251 : memref<1x16x1024xf32, #tpu.memory_space<vmem>> -> memref<16x1024xf32, #tpu.memory_space<vmem>>
        %dma_wait3A_253 = arith.constant 0 : i32
        %dma_wait3A_254 = arith.constant 0 : i32
        %dma_wait3A_255 = tpu.memref_slice %arg2[%dma_wait3A_253, %dma_wait3A_254] : memref<16384x1024xf32, #tpu.memory_space<hbm>> -> memref<16x1024xf32, #tpu.memory_space<hbm>>
        tpu.wait_dma2 semaphore(%arg15 : memref<!tpu.dma_semaphore, #tpu.memory_space<semaphore_mem>>) src(%dma_wait3A_255 : memref<16x1024xf32, #tpu.memory_space<hbm>>) dst(%dma_wait3A_252 : memref<16x1024xf32, #tpu.memory_space<vmem>>)
        %mul3A_256 = arith.constant 16 : i32
        %mul3A_257 = arith.muli %add3A_227, %mul3A_256 : i32
        %get3A_258 = arith.index_cast %mul3A_257 : i32 to index
        %get3A_259 = tpu.vector_load %arg7[%get3A_258] {strides = array<i32>} : memref<528xi32, #tpu.memory_space<vmem>>, vector<16xi32>,
        %dma_start3A_260 = arith.constant 4 : i32
        %dma_start3A_261 = arith.constant 0 : i32
        %dma_start3A_262 = arith.constant 0 : i32
        %dma_start3A_263 = tpu.memref_slice %arg9[%dma_start3A_260, %dma_start3A_261, %dma_start3A_262] : memref<6x16x1024xf32, #tpu.memory_space<vmem>> -> memref<1x16x1024xf32, #tpu.memory_space<vmem>>
        %dma_start3A_264 = tpu.memref_squeeze %dma_start3A_263 : memref<1x16x1024xf32, #tpu.memory_space<vmem>> -> memref<16x1024xf32, #tpu.memory_space<vmem>>
        %dma_start3A_265 = arith.constant 0 : i32
        %dma_start3A_266 = arith.constant 0 : i32
        %dma_start3A_267 = tpu.memref_slice %arg5[%dma_start3A_265, %dma_start3A_266] : memref<16384x1024xf32, #tpu.memory_space<hbm>> -> memref<16384x1024xf32, #tpu.memory_space<hbm>>
        tpu.enqueue_indirect_dma source(%dma_start3A_264 : memref<16x1024xf32, #tpu.memory_space<vmem>>) target(%dma_start3A_267 : memref<16384x1024xf32, #tpu.memory_space<hbm>>) offsets(%get3A_259 : vector<16xi32>) semaphore(%arg21 : memref<!tpu.dma_semaphore, #tpu.memory_space<semaphore_mem>>)
        %add3A_268 = arith.constant 6 : i32
        %add3A_269 = arith.addi %add3A_227, %add3A_268 : i32
        %sub3A_270 = arith.constant 1 : i32
        %sub3A_271 = arith.subi %add3A_269, %sub3A_270 : i32
        %lt3A_272 = arith.cmpi slt, %sub3A_271, %select_n3A : i32
        %convert_element_type3A_273 = arith.extui %lt3A_272 : i1 to i32
        %cond3A_274 = arith.constant 0 : i32
        %cond3A_275 = arith.cmpi ne, %convert_element_type3A_273, %cond3A_274 : i32
        scf.if %cond3A_275 {
          %add3A_276 = arith.constant 6 : i32
          %add3A_277 = arith.addi %add3A_227, %add3A_276 : i32
          %sub3A_278 = arith.constant 1 : i32
          %sub3A_279 = arith.subi %add3A_277, %sub3A_278 : i32
          %ge3A = arith.constant 6 : i32
          %ge3A_280 = arith.cmpi sge, %sub3A_279, %ge3A : i32
          %convert_element_type3A_281 = arith.extui %ge3A_280 : i1 to i32
          %cond3A_282 = arith.constant 0 : i32
          %cond3A_283 = arith.cmpi ne, %convert_element_type3A_281, %cond3A_282 : i32
          scf.if %cond3A_283 {
            %dma_wait3A_300 = arith.constant 3 : i32
            %dma_wait3A_301 = arith.constant 0 : i32
            %dma_wait3A_302 = arith.constant 0 : i32
            %dma_wait3A_303 = tpu.memref_slice %arg9[%dma_wait3A_300, %dma_wait3A_301, %dma_wait3A_302] : memref<6x16x1024xf32, #tpu.memory_space<vmem>> -> memref<1x16x1024xf32, #tpu.memory_space<vmem>>
            %dma_wait3A_304 = tpu.memref_squeeze %dma_wait3A_303 : memref<1x16x1024xf32, #tpu.memory_space<vmem>> -> memref<16x1024xf32, #tpu.memory_space<vmem>>
            %dma_wait3A_305 = arith.constant 0 : i32
            %dma_wait3A_306 = arith.constant 0 : i32
            %dma_wait3A_307 = tpu.memref_slice %arg5[%dma_wait3A_305, %dma_wait3A_306] : memref<16384x1024xf32, #tpu.memory_space<hbm>> -> memref<16x1024xf32, #tpu.memory_space<hbm>>
            %dma_wait3A_308 = arith.constant 0 : i32
            %dma_wait3A_309 = arith.constant 0 : i32
            %dma_wait3A_310 = tpu.memref_slice %arg5[%dma_wait3A_308, %dma_wait3A_309] : memref<16384x1024xf32, #tpu.memory_space<hbm>> -> memref<16x1024xf32, #tpu.memory_space<hbm>>
            %dma_wait3A_311 = arith.constant 0 : i32
            %dma_wait3A_312 = arith.constant 0 : i32
            %dma_wait3A_313 = tpu.memref_slice %arg9[%dma_wait3A_300, %dma_wait3A_311, %dma_wait3A_312] : memref<6x16x1024xf32, #tpu.memory_space<vmem>> -> memref<1x16x1024xf32, #tpu.memory_space<vmem>>
            %dma_wait3A_314 = tpu.memref_squeeze %dma_wait3A_313 : memref<1x16x1024xf32, #tpu.memory_space<vmem>> -> memref<16x1024xf32, #tpu.memory_space<vmem>>
            tpu.wait_dma2 semaphore(%arg20 : memref<!tpu.dma_semaphore, #tpu.memory_space<semaphore_mem>>) src(%dma_wait3A_314 : memref<16x1024xf32, #tpu.memory_space<vmem>>) dst(%dma_wait3A_310 : memref<16x1024xf32, #tpu.memory_space<hbm>>)
          } else {
          }
          %add3A_284 = arith.constant 6 : i32
          %add3A_285 = arith.addi %add3A_227, %add3A_284 : i32
          %sub3A_286 = arith.constant 1 : i32
          %sub3A_287 = arith.subi %add3A_285, %sub3A_286 : i32
          %mul3A_288 = arith.constant 16 : i32
          %mul3A_289 = arith.muli %sub3A_287, %mul3A_288 : i32
          %get3A_290 = arith.index_cast %mul3A_289 : i32 to index
          %get3A_291 = tpu.vector_load %arg7[%get3A_290] {strides = array<i32>} : memref<528xi32, #tpu.memory_space<vmem>>, vector<16xi32>,
          %dma_start3A_292 = arith.constant 3 : i32
          %dma_start3A_293 = arith.constant 0 : i32
          %dma_start3A_294 = arith.constant 0 : i32
          %dma_start3A_295 = tpu.memref_slice %arg9[%dma_start3A_292, %dma_start3A_293, %dma_start3A_294] : memref<6x16x1024xf32, #tpu.memory_space<vmem>> -> memref<1x16x1024xf32, #tpu.memory_space<vmem>>
          %dma_start3A_296 = tpu.memref_squeeze %dma_start3A_295 : memref<1x16x1024xf32, #tpu.memory_space<vmem>> -> memref<16x1024xf32, #tpu.memory_space<vmem>>
          %dma_start3A_297 = arith.constant 0 : i32
          %dma_start3A_298 = arith.constant 0 : i32
          %dma_start3A_299 = tpu.memref_slice %arg2[%dma_start3A_297, %dma_start3A_298] : memref<16384x1024xf32, #tpu.memory_space<hbm>> -> memref<16384x1024xf32, #tpu.memory_space<hbm>>
          tpu.enqueue_indirect_dma source(%dma_start3A_299 : memref<16384x1024xf32, #tpu.memory_space<hbm>>) target(%dma_start3A_296 : memref<16x1024xf32, #tpu.memory_space<vmem>>) offsets(%get3A_291 : vector<16xi32>) semaphore(%arg14 : memref<!tpu.dma_semaphore, #tpu.memory_space<semaphore_mem>>)
        } else {
        }
      } else {
      }
      %mul3A_232 = arith.constant 6 : i32
      %mul3A_233 = arith.muli %while3A_191, %mul3A_232 : i32
      %add3A_234 = arith.constant 5 : i32
      %add3A_235 = arith.addi %mul3A_233, %add3A_234 : i32
      %lt3A_236 = arith.cmpi slt, %add3A_235, %select_n3A : i32
      %convert_element_type3A_237 = arith.extui %lt3A_236 : i1 to i32
      %cond3A_238 = arith.constant 0 : i32
      %cond3A_239 = arith.cmpi ne, %convert_element_type3A_237, %cond3A_238 : i32
      scf.if %cond3A_239 {
        %dma_wait3A_241 = arith.constant 5 : i32
        %dma_wait3A_242 = arith.constant 0 : i32
        %dma_wait3A_243 = arith.constant 0 : i32
        %dma_wait3A_244 = tpu.memref_slice %arg9[%dma_wait3A_241, %dma_wait3A_242, %dma_wait3A_243] : memref<6x16x1024xf32, #tpu.memory_space<vmem>> -> memref<1x16x1024xf32, #tpu.memory_space<vmem>>
        %dma_wait3A_245 = tpu.memref_squeeze %dma_wait3A_244 : memref<1x16x1024xf32, #tpu.memory_space<vmem>> -> memref<16x1024xf32, #tpu.memory_space<vmem>>
        %dma_wait3A_246 = arith.constant 0 : i32
        %dma_wait3A_247 = arith.constant 0 : i32
        %dma_wait3A_248 = tpu.memref_slice %arg2[%dma_wait3A_246, %dma_wait3A_247] : memref<16384x1024xf32, #tpu.memory_space<hbm>> -> memref<16x1024xf32, #tpu.memory_space<hbm>>
        %dma_wait3A_249 = arith.constant 0 : i32
        %dma_wait3A_250 = arith.constant 0 : i32
        %dma_wait3A_251 = tpu.memref_slice %arg9[%dma_wait3A_241, %dma_wait3A_249, %dma_wait3A_250] : memref<6x16x1024xf32, #tpu.memory_space<vmem>> -> memref<1x16x1024xf32, #tpu.memory_space<vmem>>
        %dma_wait3A_252 = tpu.memref_squeeze %dma_wait3A_251 : memref<1x16x1024xf32, #tpu.memory_space<vmem>> -> memref<16x1024xf32, #tpu.memory_space<vmem>>
        %dma_wait3A_253 = arith.constant 0 : i32
        %dma_wait3A_254 = arith.constant 0 : i32
        %dma_wait3A_255 = tpu.memref_slice %arg2[%dma_wait3A_253, %dma_wait3A_254] : memref<16384x1024xf32, #tpu.memory_space<hbm>> -> memref<16x1024xf32, #tpu.memory_space<hbm>>
        tpu.wait_dma2 semaphore(%arg16 : memref<!tpu.dma_semaphore, #tpu.memory_space<semaphore_mem>>) src(%dma_wait3A_255 : memref<16x1024xf32, #tpu.memory_space<hbm>>) dst(%dma_wait3A_252 : memref<16x1024xf32, #tpu.memory_space<vmem>>)
        %mul3A_256 = arith.constant 16 : i32
        %mul3A_257 = arith.muli %add3A_235, %mul3A_256 : i32
        %get3A_258 = arith.index_cast %mul3A_257 : i32 to index
        %get3A_259 = tpu.vector_load %arg7[%get3A_258] {strides = array<i32>} : memref<528xi32, #tpu.memory_space<vmem>>, vector<16xi32>,
        %dma_start3A_260 = arith.constant 5 : i32
        %dma_start3A_261 = arith.constant 0 : i32
        %dma_start3A_262 = arith.constant 0 : i32
        %dma_start3A_263 = tpu.memref_slice %arg9[%dma_start3A_260, %dma_start3A_261, %dma_start3A_262] : memref<6x16x1024xf32, #tpu.memory_space<vmem>> -> memref<1x16x1024xf32, #tpu.memory_space<vmem>>
        %dma_start3A_264 = tpu.memref_squeeze %dma_start3A_263 : memref<1x16x1024xf32, #tpu.memory_space<vmem>> -> memref<16x1024xf32, #tpu.memory_space<vmem>>
        %dma_start3A_265 = arith.constant 0 : i32
        %dma_start3A_266 = arith.constant 0 : i32
        %dma_start3A_267 = tpu.memref_slice %arg5[%dma_start3A_265, %dma_start3A_266] : memref<16384x1024xf32, #tpu.memory_space<hbm>> -> memref<16384x1024xf32, #tpu.memory_space<hbm>>
        tpu.enqueue_indirect_dma source(%dma_start3A_264 : memref<16x1024xf32, #tpu.memory_space<vmem>>) target(%dma_start3A_267 : memref<16384x1024xf32, #tpu.memory_space<hbm>>) offsets(%get3A_259 : vector<16xi32>) semaphore(%arg22 : memref<!tpu.dma_semaphore, #tpu.memory_space<semaphore_mem>>)
        %add3A_268 = arith.constant 6 : i32
        %add3A_269 = arith.addi %add3A_235, %add3A_268 : i32
        %sub3A_270 = arith.constant 1 : i32
        %sub3A_271 = arith.subi %add3A_269, %sub3A_270 : i32
        %lt3A_272 = arith.cmpi slt, %sub3A_271, %select_n3A : i32
        %convert_element_type3A_273 = arith.extui %lt3A_272 : i1 to i32
        %cond3A_274 = arith.constant 0 : i32
        %cond3A_275 = arith.cmpi ne, %convert_element_type3A_273, %cond3A_274 : i32
        scf.if %cond3A_275 {
          %add3A_276 = arith.constant 6 : i32
          %add3A_277 = arith.addi %add3A_235, %add3A_276 : i32
          %sub3A_278 = arith.constant 1 : i32
          %sub3A_279 = arith.subi %add3A_277, %sub3A_278 : i32
          %ge3A = arith.constant 6 : i32
          %ge3A_280 = arith.cmpi sge, %sub3A_279, %ge3A : i32
          %convert_element_type3A_281 = arith.extui %ge3A_280 : i1 to i32
          %cond3A_282 = arith.constant 0 : i32
          %cond3A_283 = arith.cmpi ne, %convert_element_type3A_281, %cond3A_282 : i32
          scf.if %cond3A_283 {
            %dma_wait3A_300 = arith.constant 4 : i32
            %dma_wait3A_301 = arith.constant 0 : i32
            %dma_wait3A_302 = arith.constant 0 : i32
            %dma_wait3A_303 = tpu.memref_slice %arg9[%dma_wait3A_300, %dma_wait3A_301, %dma_wait3A_302] : memref<6x16x1024xf32, #tpu.memory_space<vmem>> -> memref<1x16x1024xf32, #tpu.memory_space<vmem>>
            %dma_wait3A_304 = tpu.memref_squeeze %dma_wait3A_303 : memref<1x16x1024xf32, #tpu.memory_space<vmem>> -> memref<16x1024xf32, #tpu.memory_space<vmem>>
            %dma_wait3A_305 = arith.constant 0 : i32
            %dma_wait3A_306 = arith.constant 0 : i32
            %dma_wait3A_307 = tpu.memref_slice %arg5[%dma_wait3A_305, %dma_wait3A_306] : memref<16384x1024xf32, #tpu.memory_space<hbm>> -> memref<16x1024xf32, #tpu.memory_space<hbm>>
            %dma_wait3A_308 = arith.constant 0 : i32
            %dma_wait3A_309 = arith.constant 0 : i32
            %dma_wait3A_310 = tpu.memref_slice %arg5[%dma_wait3A_308, %dma_wait3A_309] : memref<16384x1024xf32, #tpu.memory_space<hbm>> -> memref<16x1024xf32, #tpu.memory_space<hbm>>
            %dma_wait3A_311 = arith.constant 0 : i32
            %dma_wait3A_312 = arith.constant 0 : i32
            %dma_wait3A_313 = tpu.memref_slice %arg9[%dma_wait3A_300, %dma_wait3A_311, %dma_wait3A_312] : memref<6x16x1024xf32, #tpu.memory_space<vmem>> -> memref<1x16x1024xf32, #tpu.memory_space<vmem>>
            %dma_wait3A_314 = tpu.memref_squeeze %dma_wait3A_313 : memref<1x16x1024xf32, #tpu.memory_space<vmem>> -> memref<16x1024xf32, #tpu.memory_space<vmem>>
            tpu.wait_dma2 semaphore(%arg21 : memref<!tpu.dma_semaphore, #tpu.memory_space<semaphore_mem>>) src(%dma_wait3A_314 : memref<16x1024xf32, #tpu.memory_space<vmem>>) dst(%dma_wait3A_310 : memref<16x1024xf32, #tpu.memory_space<hbm>>)
          } else {
          }
          %add3A_284 = arith.constant 6 : i32
          %add3A_285 = arith.addi %add3A_235, %add3A_284 : i32
          %sub3A_286 = arith.constant 1 : i32
          %sub3A_287 = arith.subi %add3A_285, %sub3A_286 : i32
          %mul3A_288 = arith.constant 16 : i32
          %mul3A_289 = arith.muli %sub3A_287, %mul3A_288 : i32
          %get3A_290 = arith.index_cast %mul3A_289 : i32 to index
          %get3A_291 = tpu.vector_load %arg7[%get3A_290] {strides = array<i32>} : memref<528xi32, #tpu.memory_space<vmem>>, vector<16xi32>,
          %dma_start3A_292 = arith.constant 4 : i32
          %dma_start3A_293 = arith.constant 0 : i32
          %dma_start3A_294 = arith.constant 0 : i32
          %dma_start3A_295 = tpu.memref_slice %arg9[%dma_start3A_292, %dma_start3A_293, %dma_start3A_294] : memref<6x16x1024xf32, #tpu.memory_space<vmem>> -> memref<1x16x1024xf32, #tpu.memory_space<vmem>>
          %dma_start3A_296 = tpu.memref_squeeze %dma_start3A_295 : memref<1x16x1024xf32, #tpu.memory_space<vmem>> -> memref<16x1024xf32, #tpu.memory_space<vmem>>
          %dma_start3A_297 = arith.constant 0 : i32
          %dma_start3A_298 = arith.constant 0 : i32
          %dma_start3A_299 = tpu.memref_slice %arg2[%dma_start3A_297, %dma_start3A_298] : memref<16384x1024xf32, #tpu.memory_space<hbm>> -> memref<16384x1024xf32, #tpu.memory_space<hbm>>
          tpu.enqueue_indirect_dma source(%dma_start3A_299 : memref<16384x1024xf32, #tpu.memory_space<hbm>>) target(%dma_start3A_296 : memref<16x1024xf32, #tpu.memory_space<vmem>>) offsets(%get3A_291 : vector<16xi32>) semaphore(%arg15 : memref<!tpu.dma_semaphore, #tpu.memory_space<semaphore_mem>>)
        } else {
        }
      } else {
      }
      %while3A_240 = arith.constant 0 : i32
      scf.yield %while3A_240 : i32
    }
    %while3A_147 = arith.constant 1 : i32
    %while3A_148 = scf.for %while3A_191 = %while3A_144 to %while3A_140 step %while3A_147 iter_args(%while3A_192 = %while3A_146) -> (i32)  : i32 {
      %mul3A_193 = arith.constant 6 : i32
      %mul3A_194 = arith.muli %while3A_191, %mul3A_193 : i32
      %add3A_195 = arith.constant 0 : i32
      %add3A_196 = arith.addi %mul3A_194, %add3A_195 : i32
      %lt3A = arith.cmpi slt, %add3A_196, %select_n3A : i32
      %convert_element_type3A_197 = arith.extui %lt3A : i1 to i32
      %cond3A_198 = arith.constant 0 : i32
      %cond3A_199 = arith.cmpi ne, %convert_element_type3A_197, %cond3A_198 : i32
      scf.if %cond3A_199 {
        %dma_wait3A_241 = arith.constant 0 : i32
        %dma_wait3A_242 = arith.constant 0 : i32
        %dma_wait3A_243 = arith.constant 0 : i32
        %dma_wait3A_244 = tpu.memref_slice %arg9[%dma_wait3A_241, %dma_wait3A_242, %dma_wait3A_243] : memref<6x16x1024xf32, #tpu.memory_space<vmem>> -> memref<1x16x1024xf32, #tpu.memory_space<vmem>>
        %dma_wait3A_245 = tpu.memref_squeeze %dma_wait3A_244 : memref<1x16x1024xf32, #tpu.memory_space<vmem>> -> memref<16x1024xf32, #tpu.memory_space<vmem>>
        %dma_wait3A_246 = arith.constant 0 : i32
        %dma_wait3A_247 = arith.constant 0 : i32
        %dma_wait3A_248 = tpu.memref_slice %arg2[%dma_wait3A_246, %dma_wait3A_247] : memref<16384x1024xf32, #tpu.memory_space<hbm>> -> memref<16x1024xf32, #tpu.memory_space<hbm>>
        %dma_wait3A_249 = arith.constant 0 : i32
        %dma_wait3A_250 = arith.constant 0 : i32
        %dma_wait3A_251 = tpu.memref_slice %arg9[%dma_wait3A_241, %dma_wait3A_249, %dma_wait3A_250] : memref<6x16x1024xf32, #tpu.memory_space<vmem>> -> memref<1x16x1024xf32, #tpu.memory_space<vmem>>
        %dma_wait3A_252 = tpu.memref_squeeze %dma_wait3A_251 : memref<1x16x1024xf32, #tpu.memory_space<vmem>> -> memref<16x1024xf32, #tpu.memory_space<vmem>>
        %dma_wait3A_253 = arith.constant 0 : i32
        %dma_wait3A_254 = arith.constant 0 : i32
        %dma_wait3A_255 = tpu.memref_slice %arg2[%dma_wait3A_253, %dma_wait3A_254] : memref<16384x1024xf32, #tpu.memory_space<hbm>> -> memref<16x1024xf32, #tpu.memory_space<hbm>>
        tpu.wait_dma2 semaphore(%arg11 : memref<!tpu.dma_semaphore, #tpu.memory_space<semaphore_mem>>) src(%dma_wait3A_255 : memref<16x1024xf32, #tpu.memory_space<hbm>>) dst(%dma_wait3A_252 : memref<16x1024xf32, #tpu.memory_space<vmem>>)
        %mul3A_256 = arith.constant 16 : i32
        %mul3A_257 = arith.muli %add3A_196, %mul3A_256 : i32
        %get3A_258 = arith.index_cast %mul3A_257 : i32 to index
        %get3A_259 = tpu.vector_load %arg7[%get3A_258] {strides = array<i32>} : memref<528xi32, #tpu.memory_space<vmem>>, vector<16xi32>,
        %dma_start3A_260 = arith.constant 0 : i32
        %dma_start3A_261 = arith.constant 0 : i32
        %dma_start3A_262 = arith.constant 0 : i32
        %dma_start3A_263 = tpu.memref_slice %arg9[%dma_start3A_260, %dma_start3A_261, %dma_start3A_262] : memref<6x16x1024xf32, #tpu.memory_space<vmem>> -> memref<1x16x1024xf32, #tpu.memory_space<vmem>>
        %dma_start3A_264 = tpu.memref_squeeze %dma_start3A_263 : memref<1x16x1024xf32, #tpu.memory_space<vmem>> -> memref<16x1024xf32, #tpu.memory_space<vmem>>
        %dma_start3A_265 = arith.constant 0 : i32
        %dma_start3A_266 = arith.constant 0 : i32
        %dma_start3A_267 = tpu.memref_slice %arg5[%dma_start3A_265, %dma_start3A_266] : memref<16384x1024xf32, #tpu.memory_space<hbm>> -> memref<16384x1024xf32, #tpu.memory_space<hbm>>
        tpu.enqueue_indirect_dma source(%dma_start3A_264 : memref<16x1024xf32, #tpu.memory_space<vmem>>) target(%dma_start3A_267 : memref<16384x1024xf32, #tpu.memory_space<hbm>>) offsets(%get3A_259 : vector<16xi32>) semaphore(%arg17 : memref<!tpu.dma_semaphore, #tpu.memory_space<semaphore_mem>>)
        %add3A_268 = arith.constant 6 : i32
        %add3A_269 = arith.addi %add3A_196, %add3A_268 : i32
        %sub3A_270 = arith.constant 1 : i32
        %sub3A_271 = arith.subi %add3A_269, %sub3A_270 : i32
        %lt3A_272 = arith.cmpi slt, %sub3A_271, %select_n3A : i32
        %convert_element_type3A_273 = arith.extui %lt3A_272 : i1 to i32
        %cond3A_274 = arith.constant 0 : i32
        %cond3A_275 = arith.cmpi ne, %convert_element_type3A_273, %cond3A_274 : i32
        scf.if %cond3A_275 {
          %add3A_276 = arith.constant 6 : i32
          %add3A_277 = arith.addi %add3A_196, %add3A_276 : i32
          %sub3A_278 = arith.constant 1 : i32
          %sub3A_279 = arith.subi %add3A_277, %sub3A_278 : i32
          %ge3A = arith.constant 6 : i32
          %ge3A_280 = arith.cmpi sge, %sub3A_279, %ge3A : i32
          %convert_element_type3A_281 = arith.extui %ge3A_280 : i1 to i32
          %cond3A_282 = arith.constant 0 : i32
          %cond3A_283 = arith.cmpi ne, %convert_element_type3A_281, %cond3A_282 : i32
          scf.if %cond3A_283 {
            %dma_wait3A_300 = arith.constant 5 : i32
            %dma_wait3A_301 = arith.constant 0 : i32
            %dma_wait3A_302 = arith.constant 0 : i32
            %dma_wait3A_303 = tpu.memref_slice %arg9[%dma_wait3A_300, %dma_wait3A_301, %dma_wait3A_302] : memref<6x16x1024xf32, #tpu.memory_space<vmem>> -> memref<1x16x1024xf32, #tpu.memory_space<vmem>>
            %dma_wait3A_304 = tpu.memref_squeeze %dma_wait3A_303 : memref<1x16x1024xf32, #tpu.memory_space<vmem>> -> memref<16x1024xf32, #tpu.memory_space<vmem>>
            %dma_wait3A_305 = arith.constant 0 : i32
            %dma_wait3A_306 = arith.constant 0 : i32
            %dma_wait3A_307 = tpu.memref_slice %arg5[%dma_wait3A_305, %dma_wait3A_306] : memref<16384x1024xf32, #tpu.memory_space<hbm>> -> memref<16x1024xf32, #tpu.memory_space<hbm>>
            %dma_wait3A_308 = arith.constant 0 : i32
            %dma_wait3A_309 = arith.constant 0 : i32
            %dma_wait3A_310 = tpu.memref_slice %arg5[%dma_wait3A_308, %dma_wait3A_309] : memref<16384x1024xf32, #tpu.memory_space<hbm>> -> memref<16x1024xf32, #tpu.memory_space<hbm>>
            %dma_wait3A_311 = arith.constant 0 : i32
            %dma_wait3A_312 = arith.constant 0 : i32
            %dma_wait3A_313 = tpu.memref_slice %arg9[%dma_wait3A_300, %dma_wait3A_311, %dma_wait3A_312] : memref<6x16x1024xf32, #tpu.memory_space<vmem>> -> memref<1x16x1024xf32, #tpu.memory_space<vmem>>
            %dma_wait3A_314 = tpu.memref_squeeze %dma_wait3A_313 : memref<1x16x1024xf32, #tpu.memory_space<vmem>> -> memref<16x1024xf32, #tpu.memory_space<vmem>>
            tpu.wait_dma2 semaphore(%arg22 : memref<!tpu.dma_semaphore, #tpu.memory_space<semaphore_mem>>) src(%dma_wait3A_314 : memref<16x1024xf32, #tpu.memory_space<vmem>>) dst(%dma_wait3A_310 : memref<16x1024xf32, #tpu.memory_space<hbm>>)
          } else {
          }
          %add3A_284 = arith.constant 6 : i32
          %add3A_285 = arith.addi %add3A_196, %add3A_284 : i32
          %sub3A_286 = arith.constant 1 : i32
          %sub3A_287 = arith.subi %add3A_285, %sub3A_286 : i32
          %mul3A_288 = arith.constant 16 : i32
          %mul3A_289 = arith.muli %sub3A_287, %mul3A_288 : i32
          %get3A_290 = arith.index_cast %mul3A_289 : i32 to index
          %get3A_291 = tpu.vector_load %arg7[%get3A_290] {strides = array<i32>} : memref<528xi32, #tpu.memory_space<vmem>>, vector<16xi32>,
          %dma_start3A_292 = arith.constant 5 : i32
          %dma_start3A_293 = arith.constant 0 : i32
          %dma_start3A_294 = arith.constant 0 : i32
          %dma_start3A_295 = tpu.memref_slice %arg9[%dma_start3A_292, %dma_start3A_293, %dma_start3A_294] : memref<6x16x1024xf32, #tpu.memory_space<vmem>> -> memref<1x16x1024xf32, #tpu.memory_space<vmem>>
          %dma_start3A_296 = tpu.memref_squeeze %dma_start3A_295 : memref<1x16x1024xf32, #tpu.memory_space<vmem>> -> memref<16x1024xf32, #tpu.memory_space<vmem>>
          %dma_start3A_297 = arith.constant 0 : i32
          %dma_start3A_298 = arith.constant 0 : i32
          %dma_start3A_299 = tpu.memref_slice %arg2[%dma_start3A_297, %dma_start3A_298] : memref<16384x1024xf32, #tpu.memory_space<hbm>> -> memref<16384x1024xf32, #tpu.memory_space<hbm>>
          tpu.enqueue_indirect_dma source(%dma_start3A_299 : memref<16384x1024xf32, #tpu.memory_space<hbm>>) target(%dma_start3A_296 : memref<16x1024xf32, #tpu.memory_space<vmem>>) offsets(%get3A_291 : vector<16xi32>) semaphore(%arg16 : memref<!tpu.dma_semaphore, #tpu.memory_space<semaphore_mem>>)
        } else {
        }
      } else {
      }
      %mul3A_200 = arith.constant 6 : i32
      %mul3A_201 = arith.muli %while3A_191, %mul3A_200 : i32
      %add3A_202 = arith.constant 1 : i32
      %add3A_203 = arith.addi %mul3A_201, %add3A_202 : i32
      %lt3A_204 = arith.cmpi slt, %add3A_203, %select_n3A : i32
      %convert_element_type3A_205 = arith.extui %lt3A_204 : i1 to i32
      %cond3A_206 = arith.constant 0 : i32
      %cond3A_207 = arith.cmpi ne, %convert_element_type3A_205, %cond3A_206 : i32
      scf.if %cond3A_207 {
        %dma_wait3A_241 = arith.constant 1 : i32
        %dma_wait3A_242 = arith.constant 0 : i32
        %dma_wait3A_243 = arith.constant 0 : i32
        %dma_wait3A_244 = tpu.memref_slice %arg9[%dma_wait3A_241, %dma_wait3A_242, %dma_wait3A_243] : memref<6x16x1024xf32, #tpu.memory_space<vmem>> -> memref<1x16x1024xf32, #tpu.memory_space<vmem>>
        %dma_wait3A_245 = tpu.memref_squeeze %dma_wait3A_244 : memref<1x16x1024xf32, #tpu.memory_space<vmem>> -> memref<16x1024xf32, #tpu.memory_space<vmem>>
        %dma_wait3A_246 = arith.constant 0 : i32
        %dma_wait3A_247 = arith.constant 0 : i32
        %dma_wait3A_248 = tpu.memref_slice %arg2[%dma_wait3A_246, %dma_wait3A_247] : memref<16384x1024xf32, #tpu.memory_space<hbm>> -> memref<16x1024xf32, #tpu.memory_space<hbm>>
        %dma_wait3A_249 = arith.constant 0 : i32
        %dma_wait3A_250 = arith.constant 0 : i32
        %dma_wait3A_251 = tpu.memref_slice %arg9[%dma_wait3A_241, %dma_wait3A_249, %dma_wait3A_250] : memref<6x16x1024xf32, #tpu.memory_space<vmem>> -> memref<1x16x1024xf32, #tpu.memory_space<vmem>>
        %dma_wait3A_252 = tpu.memref_squeeze %dma_wait3A_251 : memref<1x16x1024xf32, #tpu.memory_space<vmem>> -> memref<16x1024xf32, #tpu.memory_space<vmem>>
        %dma_wait3A_253 = arith.constant 0 : i32
        %dma_wait3A_254 = arith.constant 0 : i32
        %dma_wait3A_255 = tpu.memref_slice %arg2[%dma_wait3A_253, %dma_wait3A_254] : memref<16384x1024xf32, #tpu.memory_space<hbm>> -> memref<16x1024xf32, #tpu.memory_space<hbm>>
        tpu.wait_dma2 semaphore(%arg12 : memref<!tpu.dma_semaphore, #tpu.memory_space<semaphore_mem>>) src(%dma_wait3A_255 : memref<16x1024xf32, #tpu.memory_space<hbm>>) dst(%dma_wait3A_252 : memref<16x1024xf32, #tpu.memory_space<vmem>>)
        %mul3A_256 = arith.constant 16 : i32
        %mul3A_257 = arith.muli %add3A_203, %mul3A_256 : i32
        %get3A_258 = arith.index_cast %mul3A_257 : i32 to index
        %get3A_259 = tpu.vector_load %arg7[%get3A_258] {strides = array<i32>} : memref<528xi32, #tpu.memory_space<vmem>>, vector<16xi32>,
        %dma_start3A_260 = arith.constant 1 : i32
        %dma_start3A_261 = arith.constant 0 : i32
        %dma_start3A_262 = arith.constant 0 : i32
        %dma_start3A_263 = tpu.memref_slice %arg9[%dma_start3A_260, %dma_start3A_261, %dma_start3A_262] : memref<6x16x1024xf32, #tpu.memory_space<vmem>> -> memref<1x16x1024xf32, #tpu.memory_space<vmem>>
        %dma_start3A_264 = tpu.memref_squeeze %dma_start3A_263 : memref<1x16x1024xf32, #tpu.memory_space<vmem>> -> memref<16x1024xf32, #tpu.memory_space<vmem>>
        %dma_start3A_265 = arith.constant 0 : i32
        %dma_start3A_266 = arith.constant 0 : i32
        %dma_start3A_267 = tpu.memref_slice %arg5[%dma_start3A_265, %dma_start3A_266] : memref<16384x1024xf32, #tpu.memory_space<hbm>> -> memref<16384x1024xf32, #tpu.memory_space<hbm>>
        tpu.enqueue_indirect_dma source(%dma_start3A_264 : memref<16x1024xf32, #tpu.memory_space<vmem>>) target(%dma_start3A_267 : memref<16384x1024xf32, #tpu.memory_space<hbm>>) offsets(%get3A_259 : vector<16xi32>) semaphore(%arg18 : memref<!tpu.dma_semaphore, #tpu.memory_space<semaphore_mem>>)
        %add3A_268 = arith.constant 6 : i32
        %add3A_269 = arith.addi %add3A_203, %add3A_268 : i32
        %sub3A_270 = arith.constant 1 : i32
        %sub3A_271 = arith.subi %add3A_269, %sub3A_270 : i32
        %lt3A_272 = arith.cmpi slt, %sub3A_271, %select_n3A : i32
        %convert_element_type3A_273 = arith.extui %lt3A_272 : i1 to i32
        %cond3A_274 = arith.constant 0 : i32
        %cond3A_275 = arith.cmpi ne, %convert_element_type3A_273, %cond3A_274 : i32
        scf.if %cond3A_275 {
          %add3A_276 = arith.constant 6 : i32
          %add3A_277 = arith.addi %add3A_203, %add3A_276 : i32
          %sub3A_278 = arith.constant 1 : i32
          %sub3A_279 = arith.subi %add3A_277, %sub3A_278 : i32
          %ge3A = arith.constant 6 : i32
          %ge3A_280 = arith.cmpi sge, %sub3A_279, %ge3A : i32
          %convert_element_type3A_281 = arith.extui %ge3A_280 : i1 to i32
          %cond3A_282 = arith.constant 0 : i32
          %cond3A_283 = arith.cmpi ne, %convert_element_type3A_281, %cond3A_282 : i32
          scf.if %cond3A_283 {
            %dma_wait3A_300 = arith.constant 0 : i32
            %dma_wait3A_301 = arith.constant 0 : i32
            %dma_wait3A_302 = arith.constant 0 : i32
            %dma_wait3A_303 = tpu.memref_slice %arg9[%dma_wait3A_300, %dma_wait3A_301, %dma_wait3A_302] : memref<6x16x1024xf32, #tpu.memory_space<vmem>> -> memref<1x16x1024xf32, #tpu.memory_space<vmem>>
            %dma_wait3A_304 = tpu.memref_squeeze %dma_wait3A_303 : memref<1x16x1024xf32, #tpu.memory_space<vmem>> -> memref<16x1024xf32, #tpu.memory_space<vmem>>
            %dma_wait3A_305 = arith.constant 0 : i32
            %dma_wait3A_306 = arith.constant 0 : i32
            %dma_wait3A_307 = tpu.memref_slice %arg5[%dma_wait3A_305, %dma_wait3A_306] : memref<16384x1024xf32, #tpu.memory_space<hbm>> -> memref<16x1024xf32, #tpu.memory_space<hbm>>
            %dma_wait3A_308 = arith.constant 0 : i32
            %dma_wait3A_309 = arith.constant 0 : i32
            %dma_wait3A_310 = tpu.memref_slice %arg5[%dma_wait3A_308, %dma_wait3A_309] : memref<16384x1024xf32, #tpu.memory_space<hbm>> -> memref<16x1024xf32, #tpu.memory_space<hbm>>
            %dma_wait3A_311 = arith.constant 0 : i32
            %dma_wait3A_312 = arith.constant 0 : i32
            %dma_wait3A_313 = tpu.memref_slice %arg9[%dma_wait3A_300, %dma_wait3A_311, %dma_wait3A_312] : memref<6x16x1024xf32, #tpu.memory_space<vmem>> -> memref<1x16x1024xf32, #tpu.memory_space<vmem>>
            %dma_wait3A_314 = tpu.memref_squeeze %dma_wait3A_313 : memref<1x16x1024xf32, #tpu.memory_space<vmem>> -> memref<16x1024xf32, #tpu.memory_space<vmem>>
            tpu.wait_dma2 semaphore(%arg17 : memref<!tpu.dma_semaphore, #tpu.memory_space<semaphore_mem>>) src(%dma_wait3A_314 : memref<16x1024xf32, #tpu.memory_space<vmem>>) dst(%dma_wait3A_310 : memref<16x1024xf32, #tpu.memory_space<hbm>>)
          } else {
          }
          %add3A_284 = arith.constant 6 : i32
          %add3A_285 = arith.addi %add3A_203, %add3A_284 : i32
          %sub3A_286 = arith.constant 1 : i32
          %sub3A_287 = arith.subi %add3A_285, %sub3A_286 : i32
          %mul3A_288 = arith.constant 16 : i32
          %mul3A_289 = arith.muli %sub3A_287, %mul3A_288 : i32
          %get3A_290 = arith.index_cast %mul3A_289 : i32 to index
          %get3A_291 = tpu.vector_load %arg7[%get3A_290] {strides = array<i32>} : memref<528xi32, #tpu.memory_space<vmem>>, vector<16xi32>,
          %dma_start3A_292 = arith.constant 0 : i32
          %dma_start3A_293 = arith.constant 0 : i32
          %dma_start3A_294 = arith.constant 0 : i32
          %dma_start3A_295 = tpu.memref_slice %arg9[%dma_start3A_292, %dma_start3A_293, %dma_start3A_294] : memref<6x16x1024xf32, #tpu.memory_space<vmem>> -> memref<1x16x1024xf32, #tpu.memory_space<vmem>>
          %dma_start3A_296 = tpu.memref_squeeze %dma_start3A_295 : memref<1x16x1024xf32, #tpu.memory_space<vmem>> -> memref<16x1024xf32, #tpu.memory_space<vmem>>
          %dma_start3A_297 = arith.constant 0 : i32
          %dma_start3A_298 = arith.constant 0 : i32
          %dma_start3A_299 = tpu.memref_slice %arg2[%dma_start3A_297, %dma_start3A_298] : memref<16384x1024xf32, #tpu.memory_space<hbm>> -> memref<16384x1024xf32, #tpu.memory_space<hbm>>
          tpu.enqueue_indirect_dma source(%dma_start3A_299 : memref<16384x1024xf32, #tpu.memory_space<hbm>>) target(%dma_start3A_296 : memref<16x1024xf32, #tpu.memory_space<vmem>>) offsets(%get3A_291 : vector<16xi32>) semaphore(%arg11 : memref<!tpu.dma_semaphore, #tpu.memory_space<semaphore_mem>>)
        } else {
        }
      } else {
      }
      %mul3A_208 = arith.constant 6 : i32
      %mul3A_209 = arith.muli %while3A_191, %mul3A_208 : i32
      %add3A_210 = arith.constant 2 : i32
      %add3A_211 = arith.addi %mul3A_209, %add3A_210 : i32
      %lt3A_212 = arith.cmpi slt, %add3A_211, %select_n3A : i32
      %convert_element_type3A_213 = arith.extui %lt3A_212 : i1 to i32
      %cond3A_214 = arith.constant 0 : i32
      %cond3A_215 = arith.cmpi ne, %convert_element_type3A_213, %cond3A_214 : i32
      scf.if %cond3A_215 {
        %dma_wait3A_241 = arith.constant 2 : i32
        %dma_wait3A_242 = arith.constant 0 : i32
        %dma_wait3A_243 = arith.constant 0 : i32
        %dma_wait3A_244 = tpu.memref_slice %arg9[%dma_wait3A_241, %dma_wait3A_242, %dma_wait3A_243] : memref<6x16x1024xf32, #tpu.memory_space<vmem>> -> memref<1x16x1024xf32, #tpu.memory_space<vmem>>
        %dma_wait3A_245 = tpu.memref_squeeze %dma_wait3A_244 : memref<1x16x1024xf32, #tpu.memory_space<vmem>> -> memref<16x1024xf32, #tpu.memory_space<vmem>>
        %dma_wait3A_246 = arith.constant 0 : i32
        %dma_wait3A_247 = arith.constant 0 : i32
        %dma_wait3A_248 = tpu.memref_slice %arg2[%dma_wait3A_246, %dma_wait3A_247] : memref<16384x1024xf32, #tpu.memory_space<hbm>> -> memref<16x1024xf32, #tpu.memory_space<hbm>>
        %dma_wait3A_249 = arith.constant 0 : i32
        %dma_wait3A_250 = arith.constant 0 : i32
        %dma_wait3A_251 = tpu.memref_slice %arg9[%dma_wait3A_241, %dma_wait3A_249, %dma_wait3A_250] : memref<6x16x1024xf32, #tpu.memory_space<vmem>> -> memref<1x16x1024xf32, #tpu.memory_space<vmem>>
        %dma_wait3A_252 = tpu.memref_squeeze %dma_wait3A_251 : memref<1x16x1024xf32, #tpu.memory_space<vmem>> -> memref<16x1024xf32, #tpu.memory_space<vmem>>
        %dma_wait3A_253 = arith.constant 0 : i32
        %dma_wait3A_254 = arith.constant 0 : i32
        %dma_wait3A_255 = tpu.memref_slice %arg2[%dma_wait3A_253, %dma_wait3A_254] : memref<16384x1024xf32, #tpu.memory_space<hbm>> -> memref<16x1024xf32, #tpu.memory_space<hbm>>
        tpu.wait_dma2 semaphore(%arg13 : memref<!tpu.dma_semaphore, #tpu.memory_space<semaphore_mem>>) src(%dma_wait3A_255 : memref<16x1024xf32, #tpu.memory_space<hbm>>) dst(%dma_wait3A_252 : memref<16x1024xf32, #tpu.memory_space<vmem>>)
        %mul3A_256 = arith.constant 16 : i32
        %mul3A_257 = arith.muli %add3A_211, %mul3A_256 : i32
        %get3A_258 = arith.index_cast %mul3A_257 : i32 to index
        %get3A_259 = tpu.vector_load %arg7[%get3A_258] {strides = array<i32>} : memref<528xi32, #tpu.memory_space<vmem>>, vector<16xi32>,
        %dma_start3A_260 = arith.constant 2 : i32
        %dma_start3A_261 = arith.constant 0 : i32
        %dma_start3A_262 = arith.constant 0 : i32
        %dma_start3A_263 = tpu.memref_slice %arg9[%dma_start3A_260, %dma_start3A_261, %dma_start3A_262] : memref<6x16x1024xf32, #tpu.memory_space<vmem>> -> memref<1x16x1024xf32, #tpu.memory_space<vmem>>
        %dma_start3A_264 = tpu.memref_squeeze %dma_start3A_263 : memref<1x16x1024xf32, #tpu.memory_space<vmem>> -> memref<16x1024xf32, #tpu.memory_space<vmem>>
        %dma_start3A_265 = arith.constant 0 : i32
        %dma_start3A_266 = arith.constant 0 : i32
        %dma_start3A_267 = tpu.memref_slice %arg5[%dma_start3A_265, %dma_start3A_266] : memref<16384x1024xf32, #tpu.memory_space<hbm>> -> memref<16384x1024xf32, #tpu.memory_space<hbm>>
        tpu.enqueue_indirect_dma source(%dma_start3A_264 : memref<16x1024xf32, #tpu.memory_space<vmem>>) target(%dma_start3A_267 : memref<16384x1024xf32, #tpu.memory_space<hbm>>) offsets(%get3A_259 : vector<16xi32>) semaphore(%arg19 : memref<!tpu.dma_semaphore, #tpu.memory_space<semaphore_mem>>)
        %add3A_268 = arith.constant 6 : i32
        %add3A_269 = arith.addi %add3A_211, %add3A_268 : i32
        %sub3A_270 = arith.constant 1 : i32
        %sub3A_271 = arith.subi %add3A_269, %sub3A_270 : i32
        %lt3A_272 = arith.cmpi slt, %sub3A_271, %select_n3A : i32
        %convert_element_type3A_273 = arith.extui %lt3A_272 : i1 to i32
        %cond3A_274 = arith.constant 0 : i32
        %cond3A_275 = arith.cmpi ne, %convert_element_type3A_273, %cond3A_274 : i32
        scf.if %cond3A_275 {
          %add3A_276 = arith.constant 6 : i32
          %add3A_277 = arith.addi %add3A_211, %add3A_276 : i32
          %sub3A_278 = arith.constant 1 : i32
          %sub3A_279 = arith.subi %add3A_277, %sub3A_278 : i32
          %ge3A = arith.constant 6 : i32
          %ge3A_280 = arith.cmpi sge, %sub3A_279, %ge3A : i32
          %convert_element_type3A_281 = arith.extui %ge3A_280 : i1 to i32
          %cond3A_282 = arith.constant 0 : i32
          %cond3A_283 = arith.cmpi ne, %convert_element_type3A_281, %cond3A_282 : i32
          scf.if %cond3A_283 {
            %dma_wait3A_300 = arith.constant 1 : i32
            %dma_wait3A_301 = arith.constant 0 : i32
            %dma_wait3A_302 = arith.constant 0 : i32
            %dma_wait3A_303 = tpu.memref_slice %arg9[%dma_wait3A_300, %dma_wait3A_301, %dma_wait3A_302] : memref<6x16x1024xf32, #tpu.memory_space<vmem>> -> memref<1x16x1024xf32, #tpu.memory_space<vmem>>
            %dma_wait3A_304 = tpu.memref_squeeze %dma_wait3A_303 : memref<1x16x1024xf32, #tpu.memory_space<vmem>> -> memref<16x1024xf32, #tpu.memory_space<vmem>>
            %dma_wait3A_305 = arith.constant 0 : i32
            %dma_wait3A_306 = arith.constant 0 : i32
            %dma_wait3A_307 = tpu.memref_slice %arg5[%dma_wait3A_305, %dma_wait3A_306] : memref<16384x1024xf32, #tpu.memory_space<hbm>> -> memref<16x1024xf32, #tpu.memory_space<hbm>>
            %dma_wait3A_308 = arith.constant 0 : i32
            %dma_wait3A_309 = arith.constant 0 : i32
            %dma_wait3A_310 = tpu.memref_slice %arg5[%dma_wait3A_308, %dma_wait3A_309] : memref<16384x1024xf32, #tpu.memory_space<hbm>> -> memref<16x1024xf32, #tpu.memory_space<hbm>>
            %dma_wait3A_311 = arith.constant 0 : i32
            %dma_wait3A_312 = arith.constant 0 : i32
            %dma_wait3A_313 = tpu.memref_slice %arg9[%dma_wait3A_300, %dma_wait3A_311, %dma_wait3A_312] : memref<6x16x1024xf32, #tpu.memory_space<vmem>> -> memref<1x16x1024xf32, #tpu.memory_space<vmem>>
            %dma_wait3A_314 = tpu.memref_squeeze %dma_wait3A_313 : memref<1x16x1024xf32, #tpu.memory_space<vmem>> -> memref<16x1024xf32, #tpu.memory_space<vmem>>
            tpu.wait_dma2 semaphore(%arg18 : memref<!tpu.dma_semaphore, #tpu.memory_space<semaphore_mem>>) src(%dma_wait3A_314 : memref<16x1024xf32, #tpu.memory_space<vmem>>) dst(%dma_wait3A_310 : memref<16x1024xf32, #tpu.memory_space<hbm>>)
          } else {
          }
          %add3A_284 = arith.constant 6 : i32
          %add3A_285 = arith.addi %add3A_211, %add3A_284 : i32
          %sub3A_286 = arith.constant 1 : i32
          %sub3A_287 = arith.subi %add3A_285, %sub3A_286 : i32
          %mul3A_288 = arith.constant 16 : i32
          %mul3A_289 = arith.muli %sub3A_287, %mul3A_288 : i32
          %get3A_290 = arith.index_cast %mul3A_289 : i32 to index
          %get3A_291 = tpu.vector_load %arg7[%get3A_290] {strides = array<i32>} : memref<528xi32, #tpu.memory_space<vmem>>, vector<16xi32>,
          %dma_start3A_292 = arith.constant 1 : i32
          %dma_start3A_293 = arith.constant 0 : i32
          %dma_start3A_294 = arith.constant 0 : i32
          %dma_start3A_295 = tpu.memref_slice %arg9[%dma_start3A_292, %dma_start3A_293, %dma_start3A_294] : memref<6x16x1024xf32, #tpu.memory_space<vmem>> -> memref<1x16x1024xf32, #tpu.memory_space<vmem>>
          %dma_start3A_296 = tpu.memref_squeeze %dma_start3A_295 : memref<1x16x1024xf32, #tpu.memory_space<vmem>> -> memref<16x1024xf32, #tpu.memory_space<vmem>>
          %dma_start3A_297 = arith.constant 0 : i32
          %dma_start3A_298 = arith.constant 0 : i32
          %dma_start3A_299 = tpu.memref_slice %arg2[%dma_start3A_297, %dma_start3A_298] : memref<16384x1024xf32, #tpu.memory_space<hbm>> -> memref<16384x1024xf32, #tpu.memory_space<hbm>>
          tpu.enqueue_indirect_dma source(%dma_start3A_299 : memref<16384x1024xf32, #tpu.memory_space<hbm>>) target(%dma_start3A_296 : memref<16x1024xf32, #tpu.memory_space<vmem>>) offsets(%get3A_291 : vector<16xi32>) semaphore(%arg12 : memref<!tpu.dma_semaphore, #tpu.memory_space<semaphore_mem>>)
        } else {
        }
      } else {
      }
      %mul3A_216 = arith.constant 6 : i32
      %mul3A_217 = arith.muli %while3A_191, %mul3A_216 : i32
      %add3A_218 = arith.constant 3 : i32
      %add3A_219 = arith.addi %mul3A_217, %add3A_218 : i32
      %lt3A_220 = arith.cmpi slt, %add3A_219, %select_n3A : i32
      %convert_element_type3A_221 = arith.extui %lt3A_220 : i1 to i32
      %cond3A_222 = arith.constant 0 : i32
      %cond3A_223 = arith.cmpi ne, %convert_element_type3A_221, %cond3A_222 : i32
      scf.if %cond3A_223 {
        %dma_wait3A_241 = arith.constant 3 : i32
        %dma_wait3A_242 = arith.constant 0 : i32
        %dma_wait3A_243 = arith.constant 0 : i32
        %dma_wait3A_244 = tpu.memref_slice %arg9[%dma_wait3A_241, %dma_wait3A_242, %dma_wait3A_243] : memref<6x16x1024xf32, #tpu.memory_space<vmem>> -> memref<1x16x1024xf32, #tpu.memory_space<vmem>>
        %dma_wait3A_245 = tpu.memref_squeeze %dma_wait3A_244 : memref<1x16x1024xf32, #tpu.memory_space<vmem>> -> memref<16x1024xf32, #tpu.memory_space<vmem>>
        %dma_wait3A_246 = arith.constant 0 : i32
        %dma_wait3A_247 = arith.constant 0 : i32
        %dma_wait3A_248 = tpu.memref_slice %arg2[%dma_wait3A_246, %dma_wait3A_247] : memref<16384x1024xf32, #tpu.memory_space<hbm>> -> memref<16x1024xf32, #tpu.memory_space<hbm>>
        %dma_wait3A_249 = arith.constant 0 : i32
        %dma_wait3A_250 = arith.constant 0 : i32
        %dma_wait3A_251 = tpu.memref_slice %arg9[%dma_wait3A_241, %dma_wait3A_249, %dma_wait3A_250] : memref<6x16x1024xf32, #tpu.memory_space<vmem>> -> memref<1x16x1024xf32, #tpu.memory_space<vmem>>
        %dma_wait3A_252 = tpu.memref_squeeze %dma_wait3A_251 : memref<1x16x1024xf32, #tpu.memory_space<vmem>> -> memref<16x1024xf32, #tpu.memory_space<vmem>>
        %dma_wait3A_253 = arith.constant 0 : i32
        %dma_wait3A_254 = arith.constant 0 : i32
        %dma_wait3A_255 = tpu.memref_slice %arg2[%dma_wait3A_253, %dma_wait3A_254] : memref<16384x1024xf32, #tpu.memory_space<hbm>> -> memref<16x1024xf32, #tpu.memory_space<hbm>>
        tpu.wait_dma2 semaphore(%arg14 : memref<!tpu.dma_semaphore, #tpu.memory_space<semaphore_mem>>) src(%dma_wait3A_255 : memref<16x1024xf32, #tpu.memory_space<hbm>>) dst(%dma_wait3A_252 : memref<16x1024xf32, #tpu.memory_space<vmem>>)
        %mul3A_256 = arith.constant 16 : i32
        %mul3A_257 = arith.muli %add3A_219, %mul3A_256 : i32
        %get3A_258 = arith.index_cast %mul3A_257 : i32 to index
        %get3A_259 = tpu.vector_load %arg7[%get3A_258] {strides = array<i32>} : memref<528xi32, #tpu.memory_space<vmem>>, vector<16xi32>,
        %dma_start3A_260 = arith.constant 3 : i32
        %dma_start3A_261 = arith.constant 0 : i32
        %dma_start3A_262 = arith.constant 0 : i32
        %dma_start3A_263 = tpu.memref_slice %arg9[%dma_start3A_260, %dma_start3A_261, %dma_start3A_262] : memref<6x16x1024xf32, #tpu.memory_space<vmem>> -> memref<1x16x1024xf32, #tpu.memory_space<vmem>>
        %dma_start3A_264 = tpu.memref_squeeze %dma_start3A_263 : memref<1x16x1024xf32, #tpu.memory_space<vmem>> -> memref<16x1024xf32, #tpu.memory_space<vmem>>
        %dma_start3A_265 = arith.constant 0 : i32
        %dma_start3A_266 = arith.constant 0 : i32
        %dma_start3A_267 = tpu.memref_slice %arg5[%dma_start3A_265, %dma_start3A_266] : memref<16384x1024xf32, #tpu.memory_space<hbm>> -> memref<16384x1024xf32, #tpu.memory_space<hbm>>
        tpu.enqueue_indirect_dma source(%dma_start3A_264 : memref<16x1024xf32, #tpu.memory_space<vmem>>) target(%dma_start3A_267 : memref<16384x1024xf32, #tpu.memory_space<hbm>>) offsets(%get3A_259 : vector<16xi32>) semaphore(%arg20 : memref<!tpu.dma_semaphore, #tpu.memory_space<semaphore_mem>>)
        %add3A_268 = arith.constant 6 : i32
        %add3A_269 = arith.addi %add3A_219, %add3A_268 : i32
        %sub3A_270 = arith.constant 1 : i32
        %sub3A_271 = arith.subi %add3A_269, %sub3A_270 : i32
        %lt3A_272 = arith.cmpi slt, %sub3A_271, %select_n3A : i32
        %convert_element_type3A_273 = arith.extui %lt3A_272 : i1 to i32
        %cond3A_274 = arith.constant 0 : i32
        %cond3A_275 = arith.cmpi ne, %convert_element_type3A_273, %cond3A_274 : i32
        scf.if %cond3A_275 {
          %add3A_276 = arith.constant 6 : i32
          %add3A_277 = arith.addi %add3A_219, %add3A_276 : i32
          %sub3A_278 = arith.constant 1 : i32
          %sub3A_279 = arith.subi %add3A_277, %sub3A_278 : i32
          %ge3A = arith.constant 6 : i32
          %ge3A_280 = arith.cmpi sge, %sub3A_279, %ge3A : i32
          %convert_element_type3A_281 = arith.extui %ge3A_280 : i1 to i32
          %cond3A_282 = arith.constant 0 : i32
          %cond3A_283 = arith.cmpi ne, %convert_element_type3A_281, %cond3A_282 : i32
          scf.if %cond3A_283 {
            %dma_wait3A_300 = arith.constant 2 : i32
            %dma_wait3A_301 = arith.constant 0 : i32
            %dma_wait3A_302 = arith.constant 0 : i32
            %dma_wait3A_303 = tpu.memref_slice %arg9[%dma_wait3A_300, %dma_wait3A_301, %dma_wait3A_302] : memref<6x16x1024xf32, #tpu.memory_space<vmem>> -> memref<1x16x1024xf32, #tpu.memory_space<vmem>>
            %dma_wait3A_304 = tpu.memref_squeeze %dma_wait3A_303 : memref<1x16x1024xf32, #tpu.memory_space<vmem>> -> memref<16x1024xf32, #tpu.memory_space<vmem>>
            %dma_wait3A_305 = arith.constant 0 : i32
            %dma_wait3A_306 = arith.constant 0 : i32
            %dma_wait3A_307 = tpu.memref_slice %arg5[%dma_wait3A_305, %dma_wait3A_306] : memref<16384x1024xf32, #tpu.memory_space<hbm>> -> memref<16x1024xf32, #tpu.memory_space<hbm>>
            %dma_wait3A_308 = arith.constant 0 : i32
            %dma_wait3A_309 = arith.constant 0 : i32
            %dma_wait3A_310 = tpu.memref_slice %arg5[%dma_wait3A_308, %dma_wait3A_309] : memref<16384x1024xf32, #tpu.memory_space<hbm>> -> memref<16x1024xf32, #tpu.memory_space<hbm>>
            %dma_wait3A_311 = arith.constant 0 : i32
            %dma_wait3A_312 = arith.constant 0 : i32
            %dma_wait3A_313 = tpu.memref_slice %arg9[%dma_wait3A_300, %dma_wait3A_311, %dma_wait3A_312] : memref<6x16x1024xf32, #tpu.memory_space<vmem>> -> memref<1x16x1024xf32, #tpu.memory_space<vmem>>
            %dma_wait3A_314 = tpu.memref_squeeze %dma_wait3A_313 : memref<1x16x1024xf32, #tpu.memory_space<vmem>> -> memref<16x1024xf32, #tpu.memory_space<vmem>>
            tpu.wait_dma2 semaphore(%arg19 : memref<!tpu.dma_semaphore, #tpu.memory_space<semaphore_mem>>) src(%dma_wait3A_314 : memref<16x1024xf32, #tpu.memory_space<vmem>>) dst(%dma_wait3A_310 : memref<16x1024xf32, #tpu.memory_space<hbm>>)
          } else {
          }
          %add3A_284 = arith.constant 6 : i32
          %add3A_285 = arith.addi %add3A_219, %add3A_284 : i32
          %sub3A_286 = arith.constant 1 : i32
          %sub3A_287 = arith.subi %add3A_285, %sub3A_286 : i32
          %mul3A_288 = arith.constant 16 : i32
          %mul3A_289 = arith.muli %sub3A_287, %mul3A_288 : i32
          %get3A_290 = arith.index_cast %mul3A_289 : i32 to index
          %get3A_291 = tpu.vector_load %arg7[%get3A_290] {strides = array<i32>} : memref<528xi32, #tpu.memory_space<vmem>>, vector<16xi32>,
          %dma_start3A_292 = arith.constant 2 : i32
          %dma_start3A_293 = arith.constant 0 : i32
          %dma_start3A_294 = arith.constant 0 : i32
          %dma_start3A_295 = tpu.memref_slice %arg9[%dma_start3A_292, %dma_start3A_293, %dma_start3A_294] : memref<6x16x1024xf32, #tpu.memory_space<vmem>> -> memref<1x16x1024xf32, #tpu.memory_space<vmem>>
          %dma_start3A_296 = tpu.memref_squeeze %dma_start3A_295 : memref<1x16x1024xf32, #tpu.memory_space<vmem>> -> memref<16x1024xf32, #tpu.memory_space<vmem>>
          %dma_start3A_297 = arith.constant 0 : i32
          %dma_start3A_298 = arith.constant 0 : i32
          %dma_start3A_299 = tpu.memref_slice %arg2[%dma_start3A_297, %dma_start3A_298] : memref<16384x1024xf32, #tpu.memory_space<hbm>> -> memref<16384x1024xf32, #tpu.memory_space<hbm>>
          tpu.enqueue_indirect_dma source(%dma_start3A_299 : memref<16384x1024xf32, #tpu.memory_space<hbm>>) target(%dma_start3A_296 : memref<16x1024xf32, #tpu.memory_space<vmem>>) offsets(%get3A_291 : vector<16xi32>) semaphore(%arg13 : memref<!tpu.dma_semaphore, #tpu.memory_space<semaphore_mem>>)
        } else {
        }
      } else {
      }
      %mul3A_224 = arith.constant 6 : i32
      %mul3A_225 = arith.muli %while3A_191, %mul3A_224 : i32
      %add3A_226 = arith.constant 4 : i32
      %add3A_227 = arith.addi %mul3A_225, %add3A_226 : i32
      %lt3A_228 = arith.cmpi slt, %add3A_227, %select_n3A : i32
      %convert_element_type3A_229 = arith.extui %lt3A_228 : i1 to i32
      %cond3A_230 = arith.constant 0 : i32
      %cond3A_231 = arith.cmpi ne, %convert_element_type3A_229, %cond3A_230 : i32
      scf.if %cond3A_231 {
        %dma_wait3A_241 = arith.constant 4 : i32
        %dma_wait3A_242 = arith.constant 0 : i32
        %dma_wait3A_243 = arith.constant 0 : i32
        %dma_wait3A_244 = tpu.memref_slice %arg9[%dma_wait3A_241, %dma_wait3A_242, %dma_wait3A_243] : memref<6x16x1024xf32, #tpu.memory_space<vmem>> -> memref<1x16x1024xf32, #tpu.memory_space<vmem>>
        %dma_wait3A_245 = tpu.memref_squeeze %dma_wait3A_244 : memref<1x16x1024xf32, #tpu.memory_space<vmem>> -> memref<16x1024xf32, #tpu.memory_space<vmem>>
        %dma_wait3A_246 = arith.constant 0 : i32
        %dma_wait3A_247 = arith.constant 0 : i32
        %dma_wait3A_248 = tpu.memref_slice %arg2[%dma_wait3A_246, %dma_wait3A_247] : memref<16384x1024xf32, #tpu.memory_space<hbm>> -> memref<16x1024xf32, #tpu.memory_space<hbm>>
        %dma_wait3A_249 = arith.constant 0 : i32
        %dma_wait3A_250 = arith.constant 0 : i32
        %dma_wait3A_251 = tpu.memref_slice %arg9[%dma_wait3A_241, %dma_wait3A_249, %dma_wait3A_250] : memref<6x16x1024xf32, #tpu.memory_space<vmem>> -> memref<1x16x1024xf32, #tpu.memory_space<vmem>>
        %dma_wait3A_252 = tpu.memref_squeeze %dma_wait3A_251 : memref<1x16x1024xf32, #tpu.memory_space<vmem>> -> memref<16x1024xf32, #tpu.memory_space<vmem>>
        %dma_wait3A_253 = arith.constant 0 : i32
        %dma_wait3A_254 = arith.constant 0 : i32
        %dma_wait3A_255 = tpu.memref_slice %arg2[%dma_wait3A_253, %dma_wait3A_254] : memref<16384x1024xf32, #tpu.memory_space<hbm>> -> memref<16x1024xf32, #tpu.memory_space<hbm>>
        tpu.wait_dma2 semaphore(%arg15 : memref<!tpu.dma_semaphore, #tpu.memory_space<semaphore_mem>>) src(%dma_wait3A_255 : memref<16x1024xf32, #tpu.memory_space<hbm>>) dst(%dma_wait3A_252 : memref<16x1024xf32, #tpu.memory_space<vmem>>)
        %mul3A_256 = arith.constant 16 : i32
        %mul3A_257 = arith.muli %add3A_227, %mul3A_256 : i32
        %get3A_258 = arith.index_cast %mul3A_257 : i32 to index
        %get3A_259 = tpu.vector_load %arg7[%get3A_258] {strides = array<i32>} : memref<528xi32, #tpu.memory_space<vmem>>, vector<16xi32>,
        %dma_start3A_260 = arith.constant 4 : i32
        %dma_start3A_261 = arith.constant 0 : i32
        %dma_start3A_262 = arith.constant 0 : i32
        %dma_start3A_263 = tpu.memref_slice %arg9[%dma_start3A_260, %dma_start3A_261, %dma_start3A_262] : memref<6x16x1024xf32, #tpu.memory_space<vmem>> -> memref<1x16x1024xf32, #tpu.memory_space<vmem>>
        %dma_start3A_264 = tpu.memref_squeeze %dma_start3A_263 : memref<1x16x1024xf32, #tpu.memory_space<vmem>> -> memref<16x1024xf32, #tpu.memory_space<vmem>>
        %dma_start3A_265 = arith.constant 0 : i32
        %dma_start3A_266 = arith.constant 0 : i32
        %dma_start3A_267 = tpu.memref_slice %arg5[%dma_start3A_265, %dma_start3A_266] : memref<16384x1024xf32, #tpu.memory_space<hbm>> -> memref<16384x1024xf32, #tpu.memory_space<hbm>>
        tpu.enqueue_indirect_dma source(%dma_start3A_264 : memref<16x1024xf32, #tpu.memory_space<vmem>>) target(%dma_start3A_267 : memref<16384x1024xf32, #tpu.memory_space<hbm>>) offsets(%get3A_259 : vector<16xi32>) semaphore(%arg21 : memref<!tpu.dma_semaphore, #tpu.memory_space<semaphore_mem>>)
        %add3A_268 = arith.constant 6 : i32
        %add3A_269 = arith.addi %add3A_227, %add3A_268 : i32
        %sub3A_270 = arith.constant 1 : i32
        %sub3A_271 = arith.subi %add3A_269, %sub3A_270 : i32
        %lt3A_272 = arith.cmpi slt, %sub3A_271, %select_n3A : i32
        %convert_element_type3A_273 = arith.extui %lt3A_272 : i1 to i32
        %cond3A_274 = arith.constant 0 : i32
        %cond3A_275 = arith.cmpi ne, %convert_element_type3A_273, %cond3A_274 : i32
        scf.if %cond3A_275 {
          %add3A_276 = arith.constant 6 : i32
          %add3A_277 = arith.addi %add3A_227, %add3A_276 : i32
          %sub3A_278 = arith.constant 1 : i32
          %sub3A_279 = arith.subi %add3A_277, %sub3A_278 : i32
          %ge3A = arith.constant 6 : i32
          %ge3A_280 = arith.cmpi sge, %sub3A_279, %ge3A : i32
          %convert_element_type3A_281 = arith.extui %ge3A_280 : i1 to i32
          %cond3A_282 = arith.constant 0 : i32
          %cond3A_283 = arith.cmpi ne, %convert_element_type3A_281, %cond3A_282 : i32
          scf.if %cond3A_283 {
            %dma_wait3A_300 = arith.constant 3 : i32
            %dma_wait3A_301 = arith.constant 0 : i32
            %dma_wait3A_302 = arith.constant 0 : i32
            %dma_wait3A_303 = tpu.memref_slice %arg9[%dma_wait3A_300, %dma_wait3A_301, %dma_wait3A_302] : memref<6x16x1024xf32, #tpu.memory_space<vmem>> -> memref<1x16x1024xf32, #tpu.memory_space<vmem>>
            %dma_wait3A_304 = tpu.memref_squeeze %dma_wait3A_303 : memref<1x16x1024xf32, #tpu.memory_space<vmem>> -> memref<16x1024xf32, #tpu.memory_space<vmem>>
            %dma_wait3A_305 = arith.constant 0 : i32
            %dma_wait3A_306 = arith.constant 0 : i32
            %dma_wait3A_307 = tpu.memref_slice %arg5[%dma_wait3A_305, %dma_wait3A_306] : memref<16384x1024xf32, #tpu.memory_space<hbm>> -> memref<16x1024xf32, #tpu.memory_space<hbm>>
            %dma_wait3A_308 = arith.constant 0 : i32
            %dma_wait3A_309 = arith.constant 0 : i32
            %dma_wait3A_310 = tpu.memref_slice %arg5[%dma_wait3A_308, %dma_wait3A_309] : memref<16384x1024xf32, #tpu.memory_space<hbm>> -> memref<16x1024xf32, #tpu.memory_space<hbm>>
            %dma_wait3A_311 = arith.constant 0 : i32
            %dma_wait3A_312 = arith.constant 0 : i32
            %dma_wait3A_313 = tpu.memref_slice %arg9[%dma_wait3A_300, %dma_wait3A_311, %dma_wait3A_312] : memref<6x16x1024xf32, #tpu.memory_space<vmem>> -> memref<1x16x1024xf32, #tpu.memory_space<vmem>>
            %dma_wait3A_314 = tpu.memref_squeeze %dma_wait3A_313 : memref<1x16x1024xf32, #tpu.memory_space<vmem>> -> memref<16x1024xf32, #tpu.memory_space<vmem>>
            tpu.wait_dma2 semaphore(%arg20 : memref<!tpu.dma_semaphore, #tpu.memory_space<semaphore_mem>>) src(%dma_wait3A_314 : memref<16x1024xf32, #tpu.memory_space<vmem>>) dst(%dma_wait3A_310 : memref<16x1024xf32, #tpu.memory_space<hbm>>)
          } else {
          }
          %add3A_284 = arith.constant 6 : i32
          %add3A_285 = arith.addi %add3A_227, %add3A_284 : i32
          %sub3A_286 = arith.constant 1 : i32
          %sub3A_287 = arith.subi %add3A_285, %sub3A_286 : i32
          %mul3A_288 = arith.constant 16 : i32
          %mul3A_289 = arith.muli %sub3A_287, %mul3A_288 : i32
          %get3A_290 = arith.index_cast %mul3A_289 : i32 to index
          %get3A_291 = tpu.vector_load %arg7[%get3A_290] {strides = array<i32>} : memref<528xi32, #tpu.memory_space<vmem>>, vector<16xi32>,
          %dma_start3A_292 = arith.constant 3 : i32
          %dma_start3A_293 = arith.constant 0 : i32
          %dma_start3A_294 = arith.constant 0 : i32
          %dma_start3A_295 = tpu.memref_slice %arg9[%dma_start3A_292, %dma_start3A_293, %dma_start3A_294] : memref<6x16x1024xf32, #tpu.memory_space<vmem>> -> memref<1x16x1024xf32, #tpu.memory_space<vmem>>
          %dma_start3A_296 = tpu.memref_squeeze %dma_start3A_295 : memref<1x16x1024xf32, #tpu.memory_space<vmem>> -> memref<16x1024xf32, #tpu.memory_space<vmem>>
          %dma_start3A_297 = arith.constant 0 : i32
          %dma_start3A_298 = arith.constant 0 : i32
          %dma_start3A_299 = tpu.memref_slice %arg2[%dma_start3A_297, %dma_start3A_298] : memref<16384x1024xf32, #tpu.memory_space<hbm>> -> memref<16384x1024xf32, #tpu.memory_space<hbm>>
          tpu.enqueue_indirect_dma source(%dma_start3A_299 : memref<16384x1024xf32, #tpu.memory_space<hbm>>) target(%dma_start3A_296 : memref<16x1024xf32, #tpu.memory_space<vmem>>) offsets(%get3A_291 : vector<16xi32>) semaphore(%arg14 : memref<!tpu.dma_semaphore, #tpu.memory_space<semaphore_mem>>)
        } else {
        }
      } else {
      }
      %mul3A_232 = arith.constant 6 : i32
      %mul3A_233 = arith.muli %while3A_191, %mul3A_232 : i32
      %add3A_234 = arith.constant 5 : i32
      %add3A_235 = arith.addi %mul3A_233, %add3A_234 : i32
      %lt3A_236 = arith.cmpi slt, %add3A_235, %select_n3A : i32
      %convert_element_type3A_237 = arith.extui %lt3A_236 : i1 to i32
      %cond3A_238 = arith.constant 0 : i32
      %cond3A_239 = arith.cmpi ne, %convert_element_type3A_237, %cond3A_238 : i32
      scf.if %cond3A_239 {
        %dma_wait3A_241 = arith.constant 5 : i32
        %dma_wait3A_242 = arith.constant 0 : i32
        %dma_wait3A_243 = arith.constant 0 : i32
        %dma_wait3A_244 = tpu.memref_slice %arg9[%dma_wait3A_241, %dma_wait3A_242, %dma_wait3A_243] : memref<6x16x1024xf32, #tpu.memory_space<vmem>> -> memref<1x16x1024xf32, #tpu.memory_space<vmem>>
        %dma_wait3A_245 = tpu.memref_squeeze %dma_wait3A_244 : memref<1x16x1024xf32, #tpu.memory_space<vmem>> -> memref<16x1024xf32, #tpu.memory_space<vmem>>
        %dma_wait3A_246 = arith.constant 0 : i32
        %dma_wait3A_247 = arith.constant 0 : i32
        %dma_wait3A_248 = tpu.memref_slice %arg2[%dma_wait3A_246, %dma_wait3A_247] : memref<16384x1024xf32, #tpu.memory_space<hbm>> -> memref<16x1024xf32, #tpu.memory_space<hbm>>
        %dma_wait3A_249 = arith.constant 0 : i32
        %dma_wait3A_250 = arith.constant 0 : i32
        %dma_wait3A_251 = tpu.memref_slice %arg9[%dma_wait3A_241, %dma_wait3A_249, %dma_wait3A_250] : memref<6x16x1024xf32, #tpu.memory_space<vmem>> -> memref<1x16x1024xf32, #tpu.memory_space<vmem>>
        %dma_wait3A_252 = tpu.memref_squeeze %dma_wait3A_251 : memref<1x16x1024xf32, #tpu.memory_space<vmem>> -> memref<16x1024xf32, #tpu.memory_space<vmem>>
        %dma_wait3A_253 = arith.constant 0 : i32
        %dma_wait3A_254 = arith.constant 0 : i32
        %dma_wait3A_255 = tpu.memref_slice %arg2[%dma_wait3A_253, %dma_wait3A_254] : memref<16384x1024xf32, #tpu.memory_space<hbm>> -> memref<16x1024xf32, #tpu.memory_space<hbm>>
        tpu.wait_dma2 semaphore(%arg16 : memref<!tpu.dma_semaphore, #tpu.memory_space<semaphore_mem>>) src(%dma_wait3A_255 : memref<16x1024xf32, #tpu.memory_space<hbm>>) dst(%dma_wait3A_252 : memref<16x1024xf32, #tpu.memory_space<vmem>>)
        %mul3A_256 = arith.constant 16 : i32
        %mul3A_257 = arith.muli %add3A_235, %mul3A_256 : i32
        %get3A_258 = arith.index_cast %mul3A_257 : i32 to index
        %get3A_259 = tpu.vector_load %arg7[%get3A_258] {strides = array<i32>} : memref<528xi32, #tpu.memory_space<vmem>>, vector<16xi32>,
        %dma_start3A_260 = arith.constant 5 : i32
        %dma_start3A_261 = arith.constant 0 : i32
        %dma_start3A_262 = arith.constant 0 : i32
        %dma_start3A_263 = tpu.memref_slice %arg9[%dma_start3A_260, %dma_start3A_261, %dma_start3A_262] : memref<6x16x1024xf32, #tpu.memory_space<vmem>> -> memref<1x16x1024xf32, #tpu.memory_space<vmem>>
        %dma_start3A_264 = tpu.memref_squeeze %dma_start3A_263 : memref<1x16x1024xf32, #tpu.memory_space<vmem>> -> memref<16x1024xf32, #tpu.memory_space<vmem>>
        %dma_start3A_265 = arith.constant 0 : i32
        %dma_start3A_266 = arith.constant 0 : i32
        %dma_start3A_267 = tpu.memref_slice %arg5[%dma_start3A_265, %dma_start3A_266] : memref<16384x1024xf32, #tpu.memory_space<hbm>> -> memref<16384x1024xf32, #tpu.memory_space<hbm>>
        tpu.enqueue_indirect_dma source(%dma_start3A_264 : memref<16x1024xf32, #tpu.memory_space<vmem>>) target(%dma_start3A_267 : memref<16384x1024xf32, #tpu.memory_space<hbm>>) offsets(%get3A_259 : vector<16xi32>) semaphore(%arg22 : memref<!tpu.dma_semaphore, #tpu.memory_space<semaphore_mem>>)
        %add3A_268 = arith.constant 6 : i32
        %add3A_269 = arith.addi %add3A_235, %add3A_268 : i32
        %sub3A_270 = arith.constant 1 : i32
        %sub3A_271 = arith.subi %add3A_269, %sub3A_270 : i32
        %lt3A_272 = arith.cmpi slt, %sub3A_271, %select_n3A : i32
        %convert_element_type3A_273 = arith.extui %lt3A_272 : i1 to i32
        %cond3A_274 = arith.constant 0 : i32
        %cond3A_275 = arith.cmpi ne, %convert_element_type3A_273, %cond3A_274 : i32
        scf.if %cond3A_275 {
          %add3A_276 = arith.constant 6 : i32
          %add3A_277 = arith.addi %add3A_235, %add3A_276 : i32
          %sub3A_278 = arith.constant 1 : i32
          %sub3A_279 = arith.subi %add3A_277, %sub3A_278 : i32
          %ge3A = arith.constant 6 : i32
          %ge3A_280 = arith.cmpi sge, %sub3A_279, %ge3A : i32
          %convert_element_type3A_281 = arith.extui %ge3A_280 : i1 to i32
          %cond3A_282 = arith.constant 0 : i32
          %cond3A_283 = arith.cmpi ne, %convert_element_type3A_281, %cond3A_282 : i32
          scf.if %cond3A_283 {
            %dma_wait3A_300 = arith.constant 4 : i32
            %dma_wait3A_301 = arith.constant 0 : i32
            %dma_wait3A_302 = arith.constant 0 : i32
            %dma_wait3A_303 = tpu.memref_slice %arg9[%dma_wait3A_300, %dma_wait3A_301, %dma_wait3A_302] : memref<6x16x1024xf32, #tpu.memory_space<vmem>> -> memref<1x16x1024xf32, #tpu.memory_space<vmem>>
            %dma_wait3A_304 = tpu.memref_squeeze %dma_wait3A_303 : memref<1x16x1024xf32, #tpu.memory_space<vmem>> -> memref<16x1024xf32, #tpu.memory_space<vmem>>
            %dma_wait3A_305 = arith.constant 0 : i32
            %dma_wait3A_306 = arith.constant 0 : i32
            %dma_wait3A_307 = tpu.memref_slice %arg5[%dma_wait3A_305, %dma_wait3A_306] : memref<16384x1024xf32, #tpu.memory_space<hbm>> -> memref<16x1024xf32, #tpu.memory_space<hbm>>
            %dma_wait3A_308 = arith.constant 0 : i32
            %dma_wait3A_309 = arith.constant 0 : i32
            %dma_wait3A_310 = tpu.memref_slice %arg5[%dma_wait3A_308, %dma_wait3A_309] : memref<16384x1024xf32, #tpu.memory_space<hbm>> -> memref<16x1024xf32, #tpu.memory_space<hbm>>
            %dma_wait3A_311 = arith.constant 0 : i32
            %dma_wait3A_312 = arith.constant 0 : i32
            %dma_wait3A_313 = tpu.memref_slice %arg9[%dma_wait3A_300, %dma_wait3A_311, %dma_wait3A_312] : memref<6x16x1024xf32, #tpu.memory_space<vmem>> -> memref<1x16x1024xf32, #tpu.memory_space<vmem>>
            %dma_wait3A_314 = tpu.memref_squeeze %dma_wait3A_313 : memref<1x16x1024xf32, #tpu.memory_space<vmem>> -> memref<16x1024xf32, #tpu.memory_space<vmem>>
            tpu.wait_dma2 semaphore(%arg21 : memref<!tpu.dma_semaphore, #tpu.memory_space<semaphore_mem>>) src(%dma_wait3A_314 : memref<16x1024xf32, #tpu.memory_space<vmem>>) dst(%dma_wait3A_310 : memref<16x1024xf32, #tpu.memory_space<hbm>>)
          } else {
          }
          %add3A_284 = arith.constant 6 : i32
          %add3A_285 = arith.addi %add3A_235, %add3A_284 : i32
          %sub3A_286 = arith.constant 1 : i32
          %sub3A_287 = arith.subi %add3A_285, %sub3A_286 : i32
          %mul3A_288 = arith.constant 16 : i32
          %mul3A_289 = arith.muli %sub3A_287, %mul3A_288 : i32
          %get3A_290 = arith.index_cast %mul3A_289 : i32 to index
          %get3A_291 = tpu.vector_load %arg7[%get3A_290] {strides = array<i32>} : memref<528xi32, #tpu.memory_space<vmem>>, vector<16xi32>,
          %dma_start3A_292 = arith.constant 4 : i32
          %dma_start3A_293 = arith.constant 0 : i32
          %dma_start3A_294 = arith.constant 0 : i32
          %dma_start3A_295 = tpu.memref_slice %arg9[%dma_start3A_292, %dma_start3A_293, %dma_start3A_294] : memref<6x16x1024xf32, #tpu.memory_space<vmem>> -> memref<1x16x1024xf32, #tpu.memory_space<vmem>>
          %dma_start3A_296 = tpu.memref_squeeze %dma_start3A_295 : memref<1x16x1024xf32, #tpu.memory_space<vmem>> -> memref<16x1024xf32, #tpu.memory_space<vmem>>
          %dma_start3A_297 = arith.constant 0 : i32
          %dma_start3A_298 = arith.constant 0 : i32
          %dma_start3A_299 = tpu.memref_slice %arg2[%dma_start3A_297, %dma_start3A_298] : memref<16384x1024xf32, #tpu.memory_space<hbm>> -> memref<16384x1024xf32, #tpu.memory_space<hbm>>
          tpu.enqueue_indirect_dma source(%dma_start3A_299 : memref<16384x1024xf32, #tpu.memory_space<hbm>>) target(%dma_start3A_296 : memref<16x1024xf32, #tpu.memory_space<vmem>>) offsets(%get3A_291 : vector<16xi32>) semaphore(%arg15 : memref<!tpu.dma_semaphore, #tpu.memory_space<semaphore_mem>>)
        } else {
        }
      } else {
      }
      %while3A_240 = arith.constant 0 : i32
      scf.yield %while3A_240 : i32
    }
    %gt3A_149 = arith.constant 0 : i32
    %gt3A_150 = arith.cmpi sgt, %select_n3A, %gt3A_149 : i32
    %convert_element_type3A_151 = arith.extui %gt3A_150 : i1 to i32
    %cond3A_152 = arith.constant 0 : i32
    %cond3A_153 = arith.cmpi ne, %convert_element_type3A_151, %cond3A_152 : i32
    scf.if %cond3A_153 {
      %dma_wait3A_191 = arith.constant 0 : i32
      %dma_wait3A_192 = arith.constant 0 : i32
      %dma_wait3A_193 = arith.constant 0 : i32
      %dma_wait3A_194 = tpu.memref_slice %arg9[%dma_wait3A_191, %dma_wait3A_192, %dma_wait3A_193] : memref<6x16x1024xf32, #tpu.memory_space<vmem>> -> memref<1x16x1024xf32, #tpu.memory_space<vmem>>
      %dma_wait3A_195 = tpu.memref_squeeze %dma_wait3A_194 : memref<1x16x1024xf32, #tpu.memory_space<vmem>> -> memref<16x1024xf32, #tpu.memory_space<vmem>>
      %dma_wait3A_196 = arith.constant 0 : i32
      %dma_wait3A_197 = arith.constant 0 : i32
      %dma_wait3A_198 = tpu.memref_slice %arg5[%dma_wait3A_196, %dma_wait3A_197] : memref<16384x1024xf32, #tpu.memory_space<hbm>> -> memref<16x1024xf32, #tpu.memory_space<hbm>>
      %dma_wait3A_199 = arith.constant 0 : i32
      %dma_wait3A_200 = arith.constant 0 : i32
      %dma_wait3A_201 = tpu.memref_slice %arg5[%dma_wait3A_199, %dma_wait3A_200] : memref<16384x1024xf32, #tpu.memory_space<hbm>> -> memref<16x1024xf32, #tpu.memory_space<hbm>>
      %dma_wait3A_202 = arith.constant 0 : i32
      %dma_wait3A_203 = arith.constant 0 : i32
      %dma_wait3A_204 = tpu.memref_slice %arg9[%dma_wait3A_191, %dma_wait3A_202, %dma_wait3A_203] : memref<6x16x1024xf32, #tpu.memory_space<vmem>> -> memref<1x16x1024xf32, #tpu.memory_space<vmem>>
      %dma_wait3A_205 = tpu.memref_squeeze %dma_wait3A_204 : memref<1x16x1024xf32, #tpu.memory_space<vmem>> -> memref<16x1024xf32, #tpu.memory_space<vmem>>
      tpu.wait_dma2 semaphore(%arg17 : memref<!tpu.dma_semaphore, #tpu.memory_space<semaphore_mem>>) src(%dma_wait3A_205 : memref<16x1024xf32, #tpu.memory_space<vmem>>) dst(%dma_wait3A_201 : memref<16x1024xf32, #tpu.memory_space<hbm>>)
    } else {
    }
    %gt3A_154 = arith.constant 1 : i32
    %gt3A_155 = arith.cmpi sgt, %select_n3A, %gt3A_154 : i32
    %convert_element_type3A_156 = arith.extui %gt3A_155 : i1 to i32
    %cond3A_157 = arith.constant 0 : i32
    %cond3A_158 = arith.cmpi ne, %convert_element_type3A_156, %cond3A_157 : i32
    scf.if %cond3A_158 {
      %dma_wait3A_191 = arith.constant 1 : i32
      %dma_wait3A_192 = arith.constant 0 : i32
      %dma_wait3A_193 = arith.constant 0 : i32
      %dma_wait3A_194 = tpu.memref_slice %arg9[%dma_wait3A_191, %dma_wait3A_192, %dma_wait3A_193] : memref<6x16x1024xf32, #tpu.memory_space<vmem>> -> memref<1x16x1024xf32, #tpu.memory_space<vmem>>
      %dma_wait3A_195 = tpu.memref_squeeze %dma_wait3A_194 : memref<1x16x1024xf32, #tpu.memory_space<vmem>> -> memref<16x1024xf32, #tpu.memory_space<vmem>>
      %dma_wait3A_196 = arith.constant 0 : i32
      %dma_wait3A_197 = arith.constant 0 : i32
      %dma_wait3A_198 = tpu.memref_slice %arg5[%dma_wait3A_196, %dma_wait3A_197] : memref<16384x1024xf32, #tpu.memory_space<hbm>> -> memref<16x1024xf32, #tpu.memory_space<hbm>>
      %dma_wait3A_199 = arith.constant 0 : i32
      %dma_wait3A_200 = arith.constant 0 : i32
      %dma_wait3A_201 = tpu.memref_slice %arg5[%dma_wait3A_199, %dma_wait3A_200] : memref<16384x1024xf32, #tpu.memory_space<hbm>> -> memref<16x1024xf32, #tpu.memory_space<hbm>>
      %dma_wait3A_202 = arith.constant 0 : i32
      %dma_wait3A_203 = arith.constant 0 : i32
      %dma_wait3A_204 = tpu.memref_slice %arg9[%dma_wait3A_191, %dma_wait3A_202, %dma_wait3A_203] : memref<6x16x1024xf32, #tpu.memory_space<vmem>> -> memref<1x16x1024xf32, #tpu.memory_space<vmem>>
      %dma_wait3A_205 = tpu.memref_squeeze %dma_wait3A_204 : memref<1x16x1024xf32, #tpu.memory_space<vmem>> -> memref<16x1024xf32, #tpu.memory_space<vmem>>
      tpu.wait_dma2 semaphore(%arg18 : memref<!tpu.dma_semaphore, #tpu.memory_space<semaphore_mem>>) src(%dma_wait3A_205 : memref<16x1024xf32, #tpu.memory_space<vmem>>) dst(%dma_wait3A_201 : memref<16x1024xf32, #tpu.memory_space<hbm>>)
    } else {
    }
    %gt3A_159 = arith.constant 2 : i32
    %gt3A_160 = arith.cmpi sgt, %select_n3A, %gt3A_159 : i32
    %convert_element_type3A_161 = arith.extui %gt3A_160 : i1 to i32
    %cond3A_162 = arith.constant 0 : i32
    %cond3A_163 = arith.cmpi ne, %convert_element_type3A_161, %cond3A_162 : i32
    scf.if %cond3A_163 {
      %dma_wait3A_191 = arith.constant 2 : i32
      %dma_wait3A_192 = arith.constant 0 : i32
      %dma_wait3A_193 = arith.constant 0 : i32
      %dma_wait3A_194 = tpu.memref_slice %arg9[%dma_wait3A_191, %dma_wait3A_192, %dma_wait3A_193] : memref<6x16x1024xf32, #tpu.memory_space<vmem>> -> memref<1x16x1024xf32, #tpu.memory_space<vmem>>
      %dma_wait3A_195 = tpu.memref_squeeze %dma_wait3A_194 : memref<1x16x1024xf32, #tpu.memory_space<vmem>> -> memref<16x1024xf32, #tpu.memory_space<vmem>>
      %dma_wait3A_196 = arith.constant 0 : i32
      %dma_wait3A_197 = arith.constant 0 : i32
      %dma_wait3A_198 = tpu.memref_slice %arg5[%dma_wait3A_196, %dma_wait3A_197] : memref<16384x1024xf32, #tpu.memory_space<hbm>> -> memref<16x1024xf32, #tpu.memory_space<hbm>>
      %dma_wait3A_199 = arith.constant 0 : i32
      %dma_wait3A_200 = arith.constant 0 : i32
      %dma_wait3A_201 = tpu.memref_slice %arg5[%dma_wait3A_199, %dma_wait3A_200] : memref<16384x1024xf32, #tpu.memory_space<hbm>> -> memref<16x1024xf32, #tpu.memory_space<hbm>>
      %dma_wait3A_202 = arith.constant 0 : i32
      %dma_wait3A_203 = arith.constant 0 : i32
      %dma_wait3A_204 = tpu.memref_slice %arg9[%dma_wait3A_191, %dma_wait3A_202, %dma_wait3A_203] : memref<6x16x1024xf32, #tpu.memory_space<vmem>> -> memref<1x16x1024xf32, #tpu.memory_space<vmem>>
      %dma_wait3A_205 = tpu.memref_squeeze %dma_wait3A_204 : memref<1x16x1024xf32, #tpu.memory_space<vmem>> -> memref<16x1024xf32, #tpu.memory_space<vmem>>
      tpu.wait_dma2 semaphore(%arg19 : memref<!tpu.dma_semaphore, #tpu.memory_space<semaphore_mem>>) src(%dma_wait3A_205 : memref<16x1024xf32, #tpu.memory_space<vmem>>) dst(%dma_wait3A_201 : memref<16x1024xf32, #tpu.memory_space<hbm>>)
    } else {
    }
    %gt3A_164 = arith.constant 3 : i32
    %gt3A_165 = arith.cmpi sgt, %select_n3A, %gt3A_164 : i32
    %convert_element_type3A_166 = arith.extui %gt3A_165 : i1 to i32
    %cond3A_167 = arith.constant 0 : i32
    %cond3A_168 = arith.cmpi ne, %convert_element_type3A_166, %cond3A_167 : i32
    scf.if %cond3A_168 {
      %dma_wait3A_191 = arith.constant 3 : i32
      %dma_wait3A_192 = arith.constant 0 : i32
      %dma_wait3A_193 = arith.constant 0 : i32
      %dma_wait3A_194 = tpu.memref_slice %arg9[%dma_wait3A_191, %dma_wait3A_192, %dma_wait3A_193] : memref<6x16x1024xf32, #tpu.memory_space<vmem>> -> memref<1x16x1024xf32, #tpu.memory_space<vmem>>
      %dma_wait3A_195 = tpu.memref_squeeze %dma_wait3A_194 : memref<1x16x1024xf32, #tpu.memory_space<vmem>> -> memref<16x1024xf32, #tpu.memory_space<vmem>>
      %dma_wait3A_196 = arith.constant 0 : i32
      %dma_wait3A_197 = arith.constant 0 : i32
      %dma_wait3A_198 = tpu.memref_slice %arg5[%dma_wait3A_196, %dma_wait3A_197] : memref<16384x1024xf32, #tpu.memory_space<hbm>> -> memref<16x1024xf32, #tpu.memory_space<hbm>>
      %dma_wait3A_199 = arith.constant 0 : i32
      %dma_wait3A_200 = arith.constant 0 : i32
      %dma_wait3A_201 = tpu.memref_slice %arg5[%dma_wait3A_199, %dma_wait3A_200] : memref<16384x1024xf32, #tpu.memory_space<hbm>> -> memref<16x1024xf32, #tpu.memory_space<hbm>>
      %dma_wait3A_202 = arith.constant 0 : i32
      %dma_wait3A_203 = arith.constant 0 : i32
      %dma_wait3A_204 = tpu.memref_slice %arg9[%dma_wait3A_191, %dma_wait3A_202, %dma_wait3A_203] : memref<6x16x1024xf32, #tpu.memory_space<vmem>> -> memref<1x16x1024xf32, #tpu.memory_space<vmem>>
      %dma_wait3A_205 = tpu.memref_squeeze %dma_wait3A_204 : memref<1x16x1024xf32, #tpu.memory_space<vmem>> -> memref<16x1024xf32, #tpu.memory_space<vmem>>
      tpu.wait_dma2 semaphore(%arg20 : memref<!tpu.dma_semaphore, #tpu.memory_space<semaphore_mem>>) src(%dma_wait3A_205 : memref<16x1024xf32, #tpu.memory_space<vmem>>) dst(%dma_wait3A_201 : memref<16x1024xf32, #tpu.memory_space<hbm>>)
    } else {
    }
    %gt3A_169 = arith.constant 4 : i32
    %gt3A_170 = arith.cmpi sgt, %select_n3A, %gt3A_169 : i32
    %convert_element_type3A_171 = arith.extui %gt3A_170 : i1 to i32
    %cond3A_172 = arith.constant 0 : i32
    %cond3A_173 = arith.cmpi ne, %convert_element_type3A_171, %cond3A_172 : i32
    scf.if %cond3A_173 {
      %dma_wait3A_191 = arith.constant 4 : i32
      %dma_wait3A_192 = arith.constant 0 : i32
      %dma_wait3A_193 = arith.constant 0 : i32
      %dma_wait3A_194 = tpu.memref_slice %arg9[%dma_wait3A_191, %dma_wait3A_192, %dma_wait3A_193] : memref<6x16x1024xf32, #tpu.memory_space<vmem>> -> memref<1x16x1024xf32, #tpu.memory_space<vmem>>
      %dma_wait3A_195 = tpu.memref_squeeze %dma_wait3A_194 : memref<1x16x1024xf32, #tpu.memory_space<vmem>> -> memref<16x1024xf32, #tpu.memory_space<vmem>>
      %dma_wait3A_196 = arith.constant 0 : i32
      %dma_wait3A_197 = arith.constant 0 : i32
      %dma_wait3A_198 = tpu.memref_slice %arg5[%dma_wait3A_196, %dma_wait3A_197] : memref<16384x1024xf32, #tpu.memory_space<hbm>> -> memref<16x1024xf32, #tpu.memory_space<hbm>>
      %dma_wait3A_199 = arith.constant 0 : i32
      %dma_wait3A_200 = arith.constant 0 : i32
      %dma_wait3A_201 = tpu.memref_slice %arg5[%dma_wait3A_199, %dma_wait3A_200] : memref<16384x1024xf32, #tpu.memory_space<hbm>> -> memref<16x1024xf32, #tpu.memory_space<hbm>>
      %dma_wait3A_202 = arith.constant 0 : i32
      %dma_wait3A_203 = arith.constant 0 : i32
      %dma_wait3A_204 = tpu.memref_slice %arg9[%dma_wait3A_191, %dma_wait3A_202, %dma_wait3A_203] : memref<6x16x1024xf32, #tpu.memory_space<vmem>> -> memref<1x16x1024xf32, #tpu.memory_space<vmem>>
      %dma_wait3A_205 = tpu.memref_squeeze %dma_wait3A_204 : memref<1x16x1024xf32, #tpu.memory_space<vmem>> -> memref<16x1024xf32, #tpu.memory_space<vmem>>
      tpu.wait_dma2 semaphore(%arg21 : memref<!tpu.dma_semaphore, #tpu.memory_space<semaphore_mem>>) src(%dma_wait3A_205 : memref<16x1024xf32, #tpu.memory_space<vmem>>) dst(%dma_wait3A_201 : memref<16x1024xf32, #tpu.memory_space<hbm>>)
    } else {
    }
    %gt3A_174 = arith.constant 5 : i32
    %gt3A_175 = arith.cmpi sgt, %select_n3A, %gt3A_174 : i32
    %convert_element_type3A_176 = arith.extui %gt3A_175 : i1 to i32
    %cond3A_177 = arith.constant 0 : i32
    %cond3A_178 = arith.cmpi ne, %convert_element_type3A_176, %cond3A_177 : i32
    scf.if %cond3A_178 {
      %dma_wait3A_191 = arith.constant 5 : i32
      %dma_wait3A_192 = arith.constant 0 : i32
      %dma_wait3A_193 = arith.constant 0 : i32
      %dma_wait3A_194 = tpu.memref_slice %arg9[%dma_wait3A_191, %dma_wait3A_192, %dma_wait3A_193] : memref<6x16x1024xf32, #tpu.memory_space<vmem>> -> memref<1x16x1024xf32, #tpu.memory_space<vmem>>
      %dma_wait3A_195 = tpu.memref_squeeze %dma_wait3A_194 : memref<1x16x1024xf32, #tpu.memory_space<vmem>> -> memref<16x1024xf32, #tpu.memory_space<vmem>>
      %dma_wait3A_196 = arith.constant 0 : i32
      %dma_wait3A_197 = arith.constant 0 : i32
      %dma_wait3A_198 = tpu.memref_slice %arg5[%dma_wait3A_196, %dma_wait3A_197] : memref<16384x1024xf32, #tpu.memory_space<hbm>> -> memref<16x1024xf32, #tpu.memory_space<hbm>>
      %dma_wait3A_199 = arith.constant 0 : i32
      %dma_wait3A_200 = arith.constant 0 : i32
      %dma_wait3A_201 = tpu.memref_slice %arg5[%dma_wait3A_199, %dma_wait3A_200] : memref<16384x1024xf32, #tpu.memory_space<hbm>> -> memref<16x1024xf32, #tpu.memory_space<hbm>>
      %dma_wait3A_202 = arith.constant 0 : i32
      %dma_wait3A_203 = arith.constant 0 : i32
      %dma_wait3A_204 = tpu.memref_slice %arg9[%dma_wait3A_191, %dma_wait3A_202, %dma_wait3A_203] : memref<6x16x1024xf32, #tpu.memory_space<vmem>> -> memref<1x16x1024xf32, #tpu.memory_space<vmem>>
      %dma_wait3A_205 = tpu.memref_squeeze %dma_wait3A_204 : memref<1x16x1024xf32, #tpu.memory_space<vmem>> -> memref<16x1024xf32, #tpu.memory_space<vmem>>
      tpu.wait_dma2 semaphore(%arg22 : memref<!tpu.dma_semaphore, #tpu.memory_space<semaphore_mem>>) src(%dma_wait3A_205 : memref<16x1024xf32, #tpu.memory_space<vmem>>) dst(%dma_wait3A_201 : memref<16x1024xf32, #tpu.memory_space<hbm>>)
    } else {
    }
    %while3A_179 = arith.constant 0 : i32
    %while3A_180 = arith.constant 0 : i32
    %while3A_181 = arith.subi %select_n3A_70, %while3A_179 : i32
    %while3A_182 = arith.addi %while3A_179, %while3A_181 : i32
    %while3A_183 = arith.constant 1 : i32
    %while3A_184 = arith.divsi %while3A_181, %while3A_183 : i32
    %while3A_185 = arith.muli %while3A_184, %while3A_183 : i32
    %while3A_186 = arith.addi %while3A_179, %while3A_185 : i32
    %while3A_187 = arith.constant 1 : i32
    %while3A_188 = scf.for %while3A_191 = %while3A_179 to %while3A_186 step %while3A_187 iter_args(%while3A_192 = %while3A_180) -> (i32)  : i32 {
      %dma_wait3A_193 = arith.constant 0 : i32
      %dma_wait3A_194 = arith.constant 0 : i32
      %dma_wait3A_195 = tpu.memref_slice %arg5[%dma_wait3A_193, %dma_wait3A_194] : memref<16384x1024xf32, #tpu.memory_space<hbm>> -> memref<16x1024xf32, #tpu.memory_space<hbm>>
      %dma_wait3A_196 = arith.constant 0 : i32
      %dma_wait3A_197 = arith.constant 0 : i32
      %dma_wait3A_198 = tpu.memref_slice %arg5[%dma_wait3A_196, %dma_wait3A_197] : memref<16384x1024xf32, #tpu.memory_space<hbm>> -> memref<16x1024xf32, #tpu.memory_space<hbm>>
      tpu.wait_dma2 semaphore(%arg23 : memref<!tpu.dma_semaphore, #tpu.memory_space<semaphore_mem>>) src(%arg10 : memref<16x1024xf32, #tpu.memory_space<vmem>>) dst(%dma_wait3A_198 : memref<16x1024xf32, #tpu.memory_space<hbm>>)
      %while3A_199 = arith.constant 0 : i32
      scf.yield %while3A_199 : i32
    }
    %while3A_189 = arith.constant 1 : i32
    %while3A_190 = scf.for %while3A_191 = %while3A_186 to %while3A_182 step %while3A_189 iter_args(%while3A_192 = %while3A_188) -> (i32)  : i32 {
      %dma_wait3A_193 = arith.constant 0 : i32
      %dma_wait3A_194 = arith.constant 0 : i32
      %dma_wait3A_195 = tpu.memref_slice %arg5[%dma_wait3A_193, %dma_wait3A_194] : memref<16384x1024xf32, #tpu.memory_space<hbm>> -> memref<16x1024xf32, #tpu.memory_space<hbm>>
      %dma_wait3A_196 = arith.constant 0 : i32
      %dma_wait3A_197 = arith.constant 0 : i32
      %dma_wait3A_198 = tpu.memref_slice %arg5[%dma_wait3A_196, %dma_wait3A_197] : memref<16384x1024xf32, #tpu.memory_space<hbm>> -> memref<16x1024xf32, #tpu.memory_space<hbm>>
      tpu.wait_dma2 semaphore(%arg23 : memref<!tpu.dma_semaphore, #tpu.memory_space<semaphore_mem>>) src(%arg10 : memref<16x1024xf32, #tpu.memory_space<vmem>>) dst(%dma_wait3A_198 : memref<16x1024xf32, #tpu.memory_space<hbm>>)
      %while3A_199 = arith.constant 0 : i32
      scf.yield %while3A_199 : i32
    }
    return
  }
}

</mosaic_0001>

<sc_bundles>
// kernel: kernel.3.cloned.1.call-start
scs
__scs_entry_jumppad:
0x0: {  	(pc) =	sbr.rel $0x88, $3  }
0x1: {  	(tag) =	ssettag $0x0;
	lr =	simm.s32 $0x1  }
0x2: {  	[smem:$0x3F9E] =	sst lr;
	_ =	strace $0xD0000000  }
0x3: {  	_ = 	snop  }
0x4: {  	_ = 	snop  }
0x5: {  	_ = 	snop  }
0x6: {  	_ = 	snop  }
0x7: {  	_ = 	snop  }
__scs_overlays_trampoline_lowered:
0x8: {  	[smem:$0x3FAD] =	sst s0  }
0x9: {  	[smem:$0x3FAE] =	sst s1  }
0xa: {  	[smem:$0x3FAF] =	sst s2  }
0xb: {  	[smem:$0x3FB0] =	sst s3  }
0xc: {  	[smem:$0x3FB1] =	sst s4  }
0xd: {  	[smem:$0x3FB2] =	sst s5  }
0xe: {  	[smem:$0x3FB3] =	sst s6  }
0xf: {  	[smem:$0x3FB4] =	sst s7  }
0x10: {  	[smem:$0x3FB5] =	sst s8  }
0x11: {  	[smem:$0x3FB6] =	sst s9;
	s0 =	simm.s32 @!p0 $0x0  }
0x12: {  	s1 =	sld [smem:$0x3F9C];
	s0 =	simm.s32 @p0 $0x1  }
0x13: {  	[smem:$0x3FB7] =	sst s0;
	s0 =	simm.s32 @!p1 $0x0  }
0x14: {  	s2 =	sld [smem:$0x3F9B];
	s0 =	simm.s32 @p1 $0x1  }
0x15: {  	[smem:$0x3FB8] =	sst s0;
	s0 =	simm.s32 @!p2 $0x0  }
0x16: {  	s3 =	sld [smem:$0x3FDB];
	s0 =	simm.s32 @p2 $0x1  }
0x17: {  	s4 =	simm.s32 $0x1BF5;
	[smem:$0x3FBA] =	sst s0  }
0x18: {  	s0 =	sld [smem:$0x3F9D];
	_ =	swait.ge [sflag:s4], $0x0  }
0x19: {  	s7 =	sld [smem:$0x3F9E]  }
0x1a: {  	s8 =	sadd.s32 $0xFFFFE003, lr  }
0x1b: {  	s9 =	sadd.s32 $0xFFFFFEF7, lr;
	s5 =	simm.s32 $0xFFFFFFFF;
	p2 =	slt.u32 s8, $0xFFFFF086  }
0x1c: {  	p1 =	slt.u32 s9, $0xF7A;
	s5 =	simm.s32 @!p2 $0x0  }
0x1d: {  	s5 =	simm.s32 @p1 $0x1;
	p0 =	seq.s32 s7, s2  }
0x1e: {  	s7 =	smul.u32 @!p0 $0xF7A, s2;
	p2 =	seq.s32 @!p0 s5, $0x0  }
0x1f: {  	s9 =	smul.u32 $0xF7A, s1;
	s8 =	simm.s32 @!p0 $0x1BF5;
	p2 =	por !p2, p0  }
0x20: {  	[sflag:s8] =	ssyncset.s32 @!p0 $0xFFFFF086;
	s6 =	sadd.s32 @!p0 s3, s7;
	s7 =	simm.s32 @!p0 $0x108  }
0x21: {  	s3 =	sadd.s32 s3, s9;
	s6 =	sadd.s32 @!p0 $0x88, s6;
	s7 =	simm.s32 @p2 $0x1082  }
0x22: {  	[simem:s7], [sflag:s8] =	dma.local @!p0 [hbm:s6], $0xF7A  }
0x23: {  	s9 =	sor.u32 $0xD0000000, s2;
	s6 =	simm.s32 $0x108;
	_ =	swait.ge @!p0 [sflag:s8], $0x0  }
0x24: {  	s3 =	sadd.s32 $0x88, s3;
	s6 =	simm.s32 @!p1 $0x1082;
	[sflag:s4] =	ssyncset.s32 $0xFFFFF086  }
0x25: {  	[simem:s6], [sflag:s4] =	dma.local [hbm:s3], $0xF7A  }
0x26: {  	[smem:$0x3F9E] =	sst s1;
	(tag) =	ssettag s2;
	_ =	strace s9  }
0x27: {  	s1 =	sld [smem:$0x3FAE]  }
0x28: {  	s2 =	sld [smem:$0x3FAF]  }
0x29: {  	s4 =	sld [smem:$0x3FB1]  }
0x2a: {  	p0 =	seq.s32 s5, $0x0;
	s5 =	sld [smem:$0x3FB2]  }
0x2b: {  	s6 =	sld [smem:$0x3FB3]  }
0x2c: {  	s7 =	sld [smem:$0x3FB4]  }
0x2d: {  	s3 =	simm.s32 $0x108;
	s8 =	sld [smem:$0x3FB5]  }
0x2e: {  	s3 =	simm.s32 @!p0 $0x1082;
	s9 =	sld [smem:$0x3FB6]  }
0x2f: {  	lr =	sadd.s32 s0, s3;
	s0 =	sld [smem:$0x3FAD]  }
0x30: {  	s3 =	sld [smem:$0x3FB0]  }
0x31: {  	[smem:$0x3FB9] =	sst s10  }
0x32: {  	s10 =	sld [smem:$0x3FB7];
	_ =	sdelay $0x3  }
0x33: {  	p0 =	seq.s32 s10, $0x1;
	s10 =	sld [smem:$0x3FB9];
	_ =	sdelay $0x3  }
0x34: {  	[smem:$0x3FB9] =	sst s10  }
0x35: {  	s10 =	sld [smem:$0x3FB8];
	_ =	sdelay $0x3  }
0x36: {  	p1 =	seq.s32 s10, $0x1;
	s10 =	sld [smem:$0x3FB9];
	_ =	sdelay $0x3  }
0x37: {  	[smem:$0x3FB9] =	sst s10  }
0x38: {  	s10 =	sld [smem:$0x3FBA]  }
0x39: {  	_ = 	snop;
	(pc) =	sbr.ind lr, $3  }
0x3a: {  	_ = 	snop  }
0x3b: {  	_ = 	snop  }
0x3c: {  	p2 =	seq.s32 s10, $0x1;
	s10 =	sld [smem:$0x3FB9]  }
0x3d: {  	_ =	shalt  }
0x3e: {  	_ =	shalt  }
0x3f: {  	_ =	shalt  }
0x40: {  	_ =	shalt  }
0x41: {  	_ =	shalt  }
0x42: {  	_ =	shalt  }
0x43: {  	_ =	shalt  }
0x44: {  	_ =	shalt  }
0x45: {  	_ =	shalt  }
0x46: {  	_ =	shalt  }
0x47: {  	_ =	shalt  }
0x48: {  	_ =	shalt  }
0x49: {  	_ =	shalt  }
0x4a: {  	_ =	shalt  }
0x4b: {  	_ =	shalt  }
0x4c: {  	_ =	shalt  }
0x4d: {  	_ =	shalt  }
0x4e: {  	_ =	shalt  }
0x4f: {  	_ =	shalt  }
0x50: {  	_ =	shalt  }
0x51: {  	_ =	shalt  }
0x52: {  	_ =	shalt  }
0x53: {  	_ =	shalt  }
0x54: {  	_ =	shalt  }
0x55: {  	_ =	shalt  }
0x56: {  	_ =	shalt  }
0x57: {  	_ =	shalt  }
0x58: {  	_ =	shalt  }
0x59: {  	_ =	shalt  }
0x5a: {  	_ =	shalt  }
0x5b: {  	_ =	shalt  }
0x5c: {  	_ =	shalt  }
0x5d: {  	_ =	shalt  }
0x5e: {  	_ =	shalt  }
0x5f: {  	_ =	shalt  }
0x60: {  	_ =	shalt  }
0x61: {  	_ =	shalt  }
0x62: {  	_ =	shalt  }
0x63: {  	_ =	shalt  }
0x64: {  	_ =	shalt  }
0x65: {  	_ =	shalt  }
0x66: {  	_ =	shalt  }
0x67: {  	_ =	shalt  }
0x68: {  	_ =	shalt  }
0x69: {  	_ =	shalt  }
0x6a: {  	_ =	shalt  }
0x6b: {  	_ =	shalt  }
0x6c: {  	_ =	shalt  }
0x6d: {  	_ =	shalt  }
0x6e: {  	_ =	shalt  }
0x6f: {  	_ =	shalt  }
0x70: {  	_ =	shalt  }
0x71: {  	_ =	shalt  }
0x72: {  	_ =	shalt  }
0x73: {  	_ =	shalt  }
0x74: {  	_ =	shalt  }
0x75: {  	_ =	shalt  }
0x76: {  	_ =	shalt  }
0x77: {  	_ =	shalt  }
0x78: {  	_ =	shalt  }
0x79: {  	_ =	shalt  }
0x7a: {  	_ =	shalt  }
0x7b: {  	_ =	shalt  }
0x7c: {  	_ =	shalt  }
0x7d: {  	_ =	shalt  }
0x7e: {  	_ =	shalt  }
0x7f: {  	_ =	shalt  }
0x80: {  	_ =	shalt  }
0x81: {  	_ =	shalt  }
0x82: {  	_ =	shalt  }
0x83: {  	_ =	shalt  }
0x84: {  	_ =	shalt  }
0x85: {  	_ =	shalt  }
0x86: {  	_ =	shalt  }
0x87: {  	_ =	shalt  }
.Lfunc_end0:
.L_simem_size_0:
called_computation_lowered:
.L_overlay_start_0:
0x88: {  	s2 =	sld [smem:$0x3FD9]  }
0x89: {  	s3 =	sld [smem:$0x3FFE];
	_ =	sdelay $0x1  }
0x8a: {  	s1 =	srdreg.scid  }
0x8b: {  	s0 =	sand.u32 $0x1, s1  }
0x8c: {  	s14 =	sshll.u32 s0, $0xA;
	s2 =	sadd.s32 s3, s2  }
0x8d: {  	s2 =	sadd.s32 s2, s14  }
0x8e: {  	[smem:$0x3FC5] =	sst s2  }
0x8f: {  	_ = 	snop  }
0x90: {  	s2 =	sld [smem:$0x3FD0];
	_ =	sdelay $0x1  }
0x91: {  	s15 =	sld [smem:$0x3FC9]  }
0x92: {  	s5 =	simm.s32 $0xA;
	s6 =	simm.s32 $0x10;
	s4 =	sld [smem:$0x3FC7]  }
0x93: {  	[smem:s6], [sflag:s5] =	dma.local [hbm:s2], $0x1  }
0x94: {  	_ =	swait.eq [sflag:s5], $0x1  }
0x95: {  	[sflag:s5] =	ssyncset.done $0x0  }
0x96: {  	[sflag:s5] =	ssyncadd.s32 $0xFFFFFFFF  }
0x97: {  	s16 =	sld [smem:$0x10];
	(tm) =	ssettm $0x1  }
0x98: {  	s17 =	sld [smem:$0x3FFB];
	_ =	sdelay $0x3  }
0x99: {  	_ =	strace s17  }
0x9a: {  	s5 =	sld [smem:$0x3FFC];
	_ =	sdelay $0x3  }
0x9b: {  	_ =	strace s5  }
0x9c: {  	s5 =	sld [smem:$0x3FFD];
	_ =	sdelay $0x3  }
0x9d: {  	_ =	strace s5  }
0x9e: {  	_ =	strace $0x8FFFFFFF  }
0x9f: {  	s18 =	sld [smem:$0x3FDB];
	_ =	sdelay $0x1  }
0xa0: {  	s19 =	simm.s32 $_scs_section_size  }
0xa1: {  	s7 =	simm.s32 $_size__tile_overlayer_lowered;
	s8 =	simm.s32 $_tile_overlayer_lowered  }
0xa2: {  	s22 =	simm.s32 $0x1BFF;
	s21 =	sshll.u32 s8, $0x1;
	s5 =	sadd.s32 s19, s18  }
0xa3: {  	s9 =	simm.s32 $0x0;
	s20 =	sshll.u32 s7, $0x1;
	s7 =	sadd.s32 s21, s5  }
0xa4: {  	[timem:s9], [sflag:s22] =	dma.local [hbm:s7], s20  }
0xa5: {  	_ =	swait.ge [sflag:s22], s20  }
0xa6: {  	s6 =	ssub.s32 $0x0, s20;
	[sflag:s22] =	ssyncset.done $0x0  }
0xa7: {  	[sflag:s22] =	ssyncadd.s32 s6;
	_ =	sdelay $0x1  }
0xa8: {  	s23 =	simm.s32 $0x1B8B  }
0xa9: {  	_ =	swait.ge [sflag:s23], $0x1  }
0xaa: {  	[sflag:s23] =	ssyncset.done $0x0  }
0xab: {  	s25 =	simm.s32 $0x1B8E;
	s24 =	sld [smem:$0x3FFE];
	[sflag:s23] =	ssyncadd.s32 $0xFFFFFFFF  }
0xac: {  	s26 =	simm.s32 $execute0_lowered;
	[smem:$0x3FD2] =	sst s25  }
0xad: {  	s7 =	sshll.u32 s26, $0x1;
	_ =	strace $0x80000046;
	[dreg:$0x1] =	wrdreg $0xFFFFFFFF  }
0xae: {  	s28 =	simm.s32 $_size_execute0_lowered;
	s5 =	sadd.s32 s5, s7;
	[dreg:$0x0] =	wrdreg $0x0  }
0xaf: {  	s7 =	sshll.u32 s28, $0x1;
	[dreg:$0x2] =	wrdreg s5  }
0xb0: {  	[dreg:$0x3] =	wrdreg s7  }
0xb1: {  	[dreg:$0x4] =	wrdreg $0xC0  }
0xb2: {  	_ =	task [dreg:s9], $0x5FFFF  }
0xb3: {  	[dreg:$0x1] =	wrdreg $0xFFFFFFFF  }
0xb4: {  	[dreg:$0x0] =	wrdreg $0x60  }
0xb5: {  	[dreg:$0x2] =	wrdreg s15  }
0xb6: {  	[dreg:$0x3] =	wrdreg s24  }
0xb7: {  	[dreg:$0x4] =	wrdreg s4  }
0xb8: {  	[dreg:$0x5] =	wrdreg s16  }
0xb9: {  	[dreg:$0x6] =	wrdreg $0x9  }
0xba: {  	_ =	task.clear_ibuf [dreg:s9], $0x7FFFF;
	_ =	strace $0x90000046  }
0xbb: {  	s29 =	simm.s32 $0x9;
	_ =	strace $0x80000048  }
0xbc: {  	_ =	swait.ge [sflag:s29], $0x1  }
0xbd: {  	[sflag:s29] =	ssyncadd.s32 $0xFFFFFFFF  }
0xbe: {  	_ =	strace $0x90000048  }
0xbf: {  	_ =	sfence  }
0xc0: {  	s30 =	sld [smem:$0x0];
	_ =	sdelay $0x2  }
0xc1: {  	s31 =	sshll.u32 s1, $0xD;
	s1 =	sshrl.u32 s1, $0x2  }
0xc2: {  	s3 =	sand.u32 $0x4000, s31;
	s1 =	sadd.s32 s1, s30  }
0xc3: {  	s0 =	sor.u32 s3, s0;
	s1 =	sshll.u32 s1, $0x11  }
0xc4: {  	s0 =	sor.u32 s1, s0  }
0xc5: {  	s0 =	sadd.s32 $0x8F2B, s0  }
0xc6: {  	[sflag:s0] =	ssyncadd.remote.s32 $0x1  }
0xc7: {  	_ =	sfence.sel $0xFFFF  }
0xc8: {  	[dreg:$0x0] =	wrdreg $0xFFFFFFFF;
	(pc) =	sbr.abs _section_cstart, $3  }
0xc9: {  	[dreg:$0x1] =	wrdreg $0xFFFFFFFF  }
0xca: {  	_ =	task.clear_ibuf [dreg:s9], $0x2FFFF;
	_ =	strace $0x9FFFFFFF  }
0xcb: {  	(tm) =	ssettm $0x7FFFFFFF  }
tec
execute0_lowered:
.L_overlay_start_1:
0x0: {  	(tag) =	ssettag $0x1  }
0x1: {  	s1 =	rddreg [dreg:$0x0]  }
0x2: {  	s0 =	rddreg [dreg:$0x1]  }
0x3: {  	s2 =	srdreg.scid;
	s7 =	rddreg [dreg:$0x2]  }
0x4: {  	s3 =	stileid.u32;
	s4 =	rddreg [dreg:$0x3];
	s6 =	simm.s32 $0x0  }
0x5: {  	s19 =	simm.s32 $0x18700;
	s20 =	simm.s32 $0x18F00;
	s21 =	simm.s32 $0x19700  }
0x6: {  	s22 =	simm.s32 $0x19F00;
	s23 =	simm.s32 $0x1A700;
	s28 =	simm.s32 $0x1  }
0x7: {  	s29 =	simm.s32 $0xD;
	s8 =	simm.s32 $0x2;
	s17 =	simm.s32 $0x3  }
0x8: {  	s2 =	sand.u32 $0x1, s2;
	s3 =	sshll.u32 s3, $0xA;
	[smem:$0x7FF] =	sst s6  }
0x9: {  	s25 =	sadd.s32 $0x20, s7;
	s26 =	sadd.s32 $0x40, s7;
	s30 =	sadd.s32 $0x60, s7  }
0xa: {  	s11 =	sadd.s32 $0x100, s4;
	s12 =	sadd.s32 $0x200, s4;
	s13 =	sadd.s32 $0x300, s4  }
0xb: {  	s14 =	sadd.s32 $0x100, s1;
	s15 =	sadd.s32 $0x200, s1;
	s5 =	sshll.u32 s2, $0x9  }
0xc: {  	s16 =	sadd.s32 $0x300, s1;
	s2 =	ssub.s32 $0x2, s2;
	s3 =	sor.u32 s5, s3  }
0xd: {  	s7 =	simm.s32 $0x6;
	s24 =	sshrl.u32 s2, $0x1;
	[dreg:$0x5] =	wrdreg s3  }
0xe: {  	s3 =	sshrl.u32 s3, $0x3;
	_ =	strace $0x80000047;
	[dreg:$0x7] =	wrdreg s25  }
.Ltmp0:
0xf: {  	v0 =	vlaneseq.u32;
	s2 =	ssub.s32 s2, s24;
	[dreg:$0x8] =	wrdreg s26;
	(pc) =	sbr.rel .LBB2_1-.Ltmp0, $4  }
0x10: {  	v3 =	vimm.s32 $0x0;
	v1 =	vand.u32 $0x7, v0;
	v2 =	vor.u32 $0x8, v0;
	s24 =	simm.s32 $0x1AF00;
	s0 =	sadd.s32 s3, s0;
	[dreg:$0x9] =	wrdreg s30  }
0x11: {  	v4 =	vperm.xlane v3, v1;
	v6 =	vperm.xlane v3, v2;
	s31 =	smax.u32 s2, $0x1;
	s25 =	simm.s32 $0x1B700;
	s26 =	simm.s32 $0x1BF00  }
0x12: {  	vm0 =	vmmov $0xffff;
	v5 =	vshrl.u32 v0, $0x3;
	s2 =	simm.s32 $0x5;
	s0 =	sadd.s32 $0x600, s0;
	[dreg:$0xa] =	wrdreg s31  }
0x13: {  	v3 =	vadd.s32 v5, v4;
	v4 =	vadd.s32 v5, v6;
	v5 =	vmul.u32 $0x8, v5;
	s3 =	simm.s32 $0x0;
	[dreg:$0x6] =	wrdreg s0;
	s0 =	simm.s32 $0x4  }
.LBB2_28:
0x14: {  	[sflag:s29] =	ssyncadd.s32 $0xFFFFC000  }
.LBB2_29:
0x15: {  	s3 =	sadd.s32 $0x1, s3;
	s5 =	rddreg [dreg:$0xa]  }
0x16: {  	p0 =	sne.s32 s3, s5  }
.Ltmp1:
0x17: {  	_ = 	snop;
	(pc) =	sbr.rel @!p0 .LBB2_30-.Ltmp1, $1  }
0x18: {  	_ =	sdelay $0x3  }
.LBB2_1:
0x19: {  	s5 =	rddreg [dreg:$0x6];
	s18 =	simm.s32 $0xE  }
0x1a: {  	[tilespmem:s6], [sflag:$0xE] =	stream.linear.gather [hbm4b:s5+s6], $0x200, $0x38;
	[tilespmem:$0x1C700] =	vst v63  }
0x1b: {  	_ =	swait.ge [sflag:s18], $0x200  }
0x1c: {  	[sflag:s18] =	ssyncset.done $0x0  }
0x1d: {  	[sflag:s18] =	ssyncadd.s32 $0xFFFFFE00  }
0x1e: {  	s5 =	rddreg [dreg:$0x2]  }
0x1f: {  	[tilespmem:s19], [sflag:$0xD] =	stream.indirect_vreg.gather [hbm4b:s5+s6], $0x80, v3, vm0, $0xb8;
	[tilespmem:$0x1C700] =	vst v63  }
0x20: {  	s9 =	rddreg [dreg:$0x7]  }
0x21: {  	[tilespmem:s20], [sflag:$0xD] =	stream.indirect_vreg.gather [hbm4b:s9+s6], $0x80, v3, vm0, $0xb8;
	[tilespmem:$0x1C700] =	vst v63  }
0x22: {  	s10 =	rddreg [dreg:$0x8]  }
0x23: {  	[tilespmem:s21], [sflag:$0xD] =	stream.indirect_vreg.gather [hbm4b:s10+s6], $0x80, v3, vm0, $0xb8;
	[tilespmem:$0x1C700] =	vst v63  }
0x24: {  	s18 =	rddreg [dreg:$0x9]  }
0x25: {  	[tilespmem:s22], [sflag:$0xD] =	stream.indirect_vreg.gather [hbm4b:s18+s6], $0x80, v3, vm0, $0xb8;
	[tilespmem:$0x1C700] =	vst v63  }
0x26: {  	_ = 	snop  }
0x27: {  	[tilespmem:s23], [sflag:$0xD] =	stream.indirect_vreg.gather [hbm4b:s5+s6], $0x80, v4, vm0, $0xb8;
	[tilespmem:$0x1C700] =	vst v63  }
0x28: {  	_ = 	snop  }
0x29: {  	[tilespmem:s24], [sflag:$0xD] =	stream.indirect_vreg.gather [hbm4b:s9+s6], $0x80, v4, vm0, $0xb8;
	[tilespmem:$0x1C700] =	vst v63  }
0x2a: {  	_ = 	snop  }
0x2b: {  	[tilespmem:s25], [sflag:$0xD] =	stream.indirect_vreg.gather [hbm4b:s10+s6], $0x80, v4, vm0, $0xb8;
	[tilespmem:$0x1C700] =	vst v63  }
0x2c: {  	s31 =	simm.s32 $0x0  }
0x2d: {  	[tilespmem:s26], [sflag:$0xD] =	stream.indirect_vreg.gather [hbm4b:s18+s6], $0x80, v4, vm0, $0xb8;
	[tilespmem:$0x1C700] =	vst v63  }
0x2e: {  	v7 =	vld [tilespmem:s31+$0x0];
	_ =	sdelay $0x4  }
0x2f: {  	vm2 =	veq.s32 v7, $0x0  }
0x30: {  	v6 =	vmpcnt.ones.xlane vm2;
	_ =	sdelay $0x1  }
0x31: {  	v6 =	vxor.u32 $0x80000000, v6  }
0x32: {  	(xrf0) =	vmax.scan.msk.u32 $0xffff, v6;
	_ =	sdelay $0x4  }
0x33: {  	s9 =	rddreg [dreg:$0x5]  }
0x34: {  	s30 =	simm.s32 $0x80;
	v6 =	vor.u32 s9, v0;
	v8, _, _ =	vpop (xrf0)  }
0x35: {  	s5 =	simm.s32 $0x0;
	s10 =	simm.s32 $0x0;
	s18 =	simm.s32 $0x40;
	vm1 =	vne.s32 v7, $0x0;
	[tilespmem:s6+$0x200] =	vst.msk vm2, v6;
	(v2sf) =	vpush v8, $0xF  }
.LBB2_2:
0x36: {  	p0 =	sne.s32 s30, $0x7C0;
	s31 =	sshra.s32 s18, $0x2;
	[tilespmem:s10+$0x480] =	vst.msk vm1, v6;
	s18 =	smov.u32 s30  }
0x37: {  	v6 =	vld [tilespmem:s31+$0x0];
	_ =	sdelay $0x4  }
0x38: {  	vm1 =	vne.s32 v6, $0x0;
	vm2 =	veq.s32 v6, $0x0  }
0x39: {  	v6 =	vmpcnt.ones.xlane vm2;
	_ =	sdelay $0x1  }
0x3a: {  	v6 =	vxor.u32 $0x80000000, v6  }
0x3b: {  	(xrf0) =	vmax.scan.msk.u32 $0xffff, v6;
	_ =	sdelay $0x2  }
.Ltmp2:
0x3c: {  	(pc) =	sbr.rel @p0 .LBB2_2-.Ltmp2, $4  }
0x3d: {  	s31 =	spop (v2sf)  }
0x3e: {  	s9 =	sadd.s32 $0x10, s9;
	s31 =	sxor.u32 $0x80000000, s31  }
0x3f: {  	v6 =	vor.u32 s9, v0;
	v7, _, _ =	vpop (xrf0);
	s5 =	sadd.s32 s5, s31;
	s10 =	ssub.s32 s10, s31  }
0x40: {  	s30 =	sadd.s32 $0x40, s30;
	[tilespmem:s5+$0x200] =	vst.msk vm2, v6;
	(v2sf) =	vpush v7, $0xF;
	s10 =	sadd.s32 $0x10, s10  }
0x41: {  	s18 =	sshra.s32 s18, $0x2;
	[tilespmem:s10+$0x480] =	vst.msk vm1, v6  }
0x42: {  	v6 =	vld [tilespmem:s18+$0x0];
	_ =	sdelay $0x4  }
0x43: {  	vm1 =	veq.s32 v6, $0x0  }
0x44: {  	v7 =	vmpcnt.ones.xlane vm1;
	_ =	sdelay $0x1  }
0x45: {  	v7 =	vxor.u32 $0x80000000, v7  }
0x46: {  	(xrf0) =	vmax.scan.msk.u32 $0xffff, v7;
	_ =	sdelay $0x5  }
0x47: {  	v7, _, _ =	vpop (xrf0)  }
0x48: {  	(v2sf) =	vpush v7, $0xF;
	_ =	sdelay $0xc  }
0x49: {  	s31 =	spop (v2sf)  }
0x4a: {  	s9 =	sadd.s32 $0x10, s9;
	s18 =	sxor.u32 $0x80000000, s31  }
0x4b: {  	s5 =	sadd.s32 s5, s18;
	s18 =	ssub.s32 s10, s18;
	v7 =	vor.u32 s9, v0;
	s30 =	spop (v2sf)  }
0x4c: {  	vm2 =	vne.s32 v6, $0x0;
	s9 =	sadd.s32 $0x10, s18;
	[tilespmem:s5+$0x200] =	vst.msk vm1, v7;
	s10 =	sxor.u32 $0x80000000, s30  }
0x4d: {  	[tilespmem:s9+$0x480] =	vst.msk vm2, v7;
	s9 =	ssub.s32 s9, s10  }
0x4e: {  	s9 =	sadd.s32 $0x10, s9  }
0x4f: {  	s18 =	sadd.s32 $0xF, s9  }
0x50: {  	s30 =	sand.u32 $0xF, s18  }
0x51: {  	s31 =	sshra.s32 s18, $0x1F;
	p1 =	slt.s32 s18, $0x1;
	p0 =	sne.s32 s30, $0x0  }
0x52: {  	v6 =	vld.msk [tilespmem:$0x200 ss:$0x0], $0xffff;
	s5 =	sadd.s32 s5, s10;
	s30 =	sshrl.u32 s31, $0x1C;
	p0 =	por !p1, !p0  }
0x53: {  	v7 =	vld.msk [tilespmem:$0x480 ss:$0x0], $0xffff;
	s10 =	sadd.s32 s30, s18;
	s18 =	simm.s32 $0x1;
	p0 =	por !p0, !p0  }
0x54: {  	s31 =	sshra.s32 s10, $0x4;
	s18 =	simm.s32 @!p0 $0x0  }
0x55: {  	s18 =	ssub.s32 s31, s18  }
0x56: {  	p0 =	slt.s32 s18, $0x1  }
.Ltmp3:
0x57: {  	[tilespmem:s5+$0x200] =	vst v6;
	(pc) =	sbr.rel @p0 .LBB2_7-.Ltmp3, $4  }
0x58: {  	[tilespmem:s9+$0x480] =	vst v7  }
0x59: {  	_ =	swait.ge [sflag:s29], $0x4000;
	s9 =	simm.s32 @!p0 $0x0  }
0x5a: {  	[sflag:s29] =	ssyncset.done $0x0;
	s9 =	simm.s32 @p0 $0x1  }
0x5b: {  	[sflag:s29] =	ssyncadd.s32 $0xFFFFC000;
	s10 =	simm.s32 $0x480;
	[smem:$0x7FD] =	sst s9  }
0x5c: {  	v6 =	vld [tilespmem:s10+$0x0];
	_ =	sdelay $0x4  }
0x5d: {  	v7 =	vshll.u32 v6, $0x3  }
0x5e: {  	v6 =	vand.u32 $0x7, v6;
	v7 =	vand.u32 $0xFFFFFFC0, v7  }
0x5f: {  	v6 =	vor.u32 v6, v7  }
0x60: {  	v7 =	vperm.xlane v6, v1;
	_ =	sdelay $0x1  }
0x61: {  	v7 =	vadd.s32 v5, v7;
	_ =	sdelay $0x4  }
0x62: {  	[hbm4b:s4+s6] =	stream.indirect_vreg.scatter [tilespmem:s19], [sflag:$0xD], $0x80, v7, vm0, $0xb8;
	[tilespmem:$0x1C700] =	vst v63  }
0x63: {  	v6 =	vperm.xlane v6, v2  }
0x64: {  	[hbm4b:s11+s6] =	stream.indirect_vreg.scatter [tilespmem:s20], [sflag:$0xD], $0x80, v7, vm0, $0xb8;
	[tilespmem:$0x1C700] =	vst v63  }
0x65: {  	v6 =	vadd.s32 v5, v6  }
0x66: {  	[hbm4b:s12+s6] =	stream.indirect_vreg.scatter [tilespmem:s21], [sflag:$0xD], $0x80, v7, vm0, $0xb8;
	[tilespmem:$0x1C700] =	vst v63  }
0x67: {  	_ = 	snop  }
0x68: {  	[hbm4b:s13+s6] =	stream.indirect_vreg.scatter [tilespmem:s22], [sflag:$0xD], $0x80, v7, vm0, $0xb8;
	[tilespmem:$0x1C700] =	vst v63  }
0x69: {  	p1 =	sne.s32 s18, $0x1  }
0x6a: {  	[hbm4b:s4+s6] =	stream.indirect_vreg.scatter [tilespmem:s23], [sflag:$0xD], $0x80, v6, vm0, $0xb8;
	[tilespmem:$0x1C700] =	vst v63  }
.Ltmp4:
0x6b: {  	_ = 	snop;
	(pc) =	sbr.rel @!p1 .LBB2_6-.Ltmp4, $4  }
0x6c: {  	_ = 	snop  }
0x6d: {  	[hbm4b:s11+s6] =	stream.indirect_vreg.scatter [tilespmem:s24], [sflag:$0xD], $0x80, v6, vm0, $0xb8;
	[tilespmem:$0x1C700] =	vst v63  }
0x6e: {  	s9 =	sadd.s32 $0xFFFFFFFF, s18;
	s10 =	sadd.s32 $0x10, s10  }
0x6f: {  	[hbm4b:s12+s6] =	stream.indirect_vreg.scatter [tilespmem:s25], [sflag:$0xD], $0x80, v6, vm0, $0xb8;
	[tilespmem:$0x1C700] =	vst v63  }
.LBB2_5:
0x70: {  	[hbm4b:s13+s6] =	stream.indirect_vreg.scatter [tilespmem:s26], [sflag:$0xD], $0x80, v6, vm0, $0xb8;
	[tilespmem:$0x1C700] =	vst v63  }
0x71: {  	p1 =	sne.s32 s9, $0x1;
	s9 =	sadd.s32 $0xFFFFFFFF, s9;
	v6 =	vld [tilespmem:s10+$0x0];
	_ =	sdelay $0x4  }
0x72: {  	v7 =	vshll.u32 v6, $0x3  }
0x73: {  	v6 =	vand.u32 $0x7, v6;
	v7 =	vand.u32 $0xFFFFFFC0, v7  }
0x74: {  	v6 =	vor.u32 v6, v7  }
0x75: {  	v7 =	vperm.xlane v6, v1;
	v6 =	vperm.xlane v6, v2;
	_ =	sdelay $0x1  }
0x76: {  	v7 =	vadd.s32 v5, v7;
	_ =	sdelay $0x4  }
0x77: {  	[hbm4b:s4+s6] =	stream.indirect_vreg.scatter [tilespmem:s19], [sflag:$0xD], $0x80, v7, vm0, $0xb8;
	[tilespmem:$0x1C700] =	vst v63  }
0x78: {  	_ = 	snop  }
0x79: {  	[hbm4b:s11+s6] =	stream.indirect_vreg.scatter [tilespmem:s20], [sflag:$0xD], $0x80, v7, vm0, $0xb8;
	[tilespmem:$0x1C700] =	vst v63  }
0x7a: {  	v6 =	vadd.s32 v5, v6  }
0x7b: {  	[hbm4b:s12+s6] =	stream.indirect_vreg.scatter [tilespmem:s21], [sflag:$0xD], $0x80, v7, vm0, $0xb8;
	[tilespmem:$0x1C700] =	vst v63  }
0x7c: {  	_ = 	snop  }
0x7d: {  	[hbm4b:s13+s6] =	stream.indirect_vreg.scatter [tilespmem:s22], [sflag:$0xD], $0x80, v7, vm0, $0xb8;
	[tilespmem:$0x1C700] =	vst v63  }
0x7e: {  	_ = 	snop  }
0x7f: {  	[hbm4b:s4+s6] =	stream.indirect_vreg.scatter [tilespmem:s23], [sflag:$0xD], $0x80, v6, vm0, $0xb8;
	[tilespmem:$0x1C700] =	vst v63  }
.Ltmp5:
0x80: {  	(pc) =	sbr.rel @p1 .LBB2_5-.Ltmp5, $4  }
0x81: {  	[hbm4b:s11+s6] =	stream.indirect_vreg.scatter [tilespmem:s24], [sflag:$0xD], $0x80, v6, vm0, $0xb8;
	[tilespmem:$0x1C700] =	vst v63  }
0x82: {  	_ = 	snop  }
0x83: {  	[hbm4b:s12+s6] =	stream.indirect_vreg.scatter [tilespmem:s25], [sflag:$0xD], $0x80, v6, vm0, $0xb8;
	[tilespmem:$0x1C700] =	vst v63  }
0x84: {  	s10 =	sadd.s32 $0x10, s10  }
.LBB2_6:
0x85: {  	_ =	sdelay $0x3  }
0x86: {  	[hbm4b:s13+s6] =	stream.indirect_vreg.scatter [tilespmem:s26], [sflag:$0xD], $0x80, v6, vm0, $0xb8;
	[tilespmem:$0x1C700] =	vst v63  }
.LBB2_7:
0x87: {  	s5 =	sadd.s32 $0xF, s5  }
0x88: {  	s9 =	sand.u32 $0xF, s5  }
0x89: {  	p1 =	slt.s32 s5, $0x1;
	s31 =	sshra.s32 s5, $0x1F;
	p2 =	sne.s32 s9, $0x0  }
0x8a: {  	s9 =	sshrl.u32 s31, $0x1C;
	p1 =	por !p1, !p2  }
0x8b: {  	s10 =	simm.s32 $0x1;
	s5 =	sadd.s32 s9, s5;
	p1 =	por !p1, !p1  }
0x8c: {  	s5 =	sshra.s32 s5, $0x4;
	s10 =	simm.s32 @!p1 $0x0  }
0x8d: {  	s9 =	ssub.s32 s5, s10  }
0x8e: {  	p1 =	slt.s32 s9, $0x1  }
0x8f: {  	v6 =	vld @!p1 [tilespmem:$0x200];
	_ =	sdelay $0x4  }
0x90: {  	v7 =	vshll.u32 @!p1 v6, $0x3  }
0x91: {  	v8 =	vlaneseq.u32 @!p1;
	v6 =	vand.u32 @!p1 $0x7, v6;
	v7 =	vand.u32 @!p1 $0xFFFFFFC0, v7  }
0x92: {  	v9 =	vshrl.u32 @!p1 v8, $0x3;
	v6 =	vor.u32 @!p1 v6, v7;
	v7 =	vand.u32 @!p1 $0x7, v8  }
0x93: {  	v9 =	vmul.u32 @!p1 $0x8, v9;
	v7 =	vperm.xlane @!p1 v6, v7;
	_ =	sdelay $0x1  }
0x94: {  	v7 =	vadd.s32 @!p1 v9, v7;
	_ =	sdelay $0x3  }
0x95: {  	vm1 =	vmmov @!p1 $0xffff;
	s5 =	simm.s32 @!p1 $0x0;
	s10 =	simm.s32 @!p1 $0x700  }
0x96: {  	v8 =	vor.u32 @!p1 $0x8, v8;
	[tilespmem:s10], [sflag:$0x1] =	stream.indirect_vreg.gather @!p1 [hbm4b:s1+s5], $0x80, v7, vm1, $0xb8;
	[tilespmem:$0x1C700] =	vst v63  }
0x97: {  	v6 =	vperm.xlane @!p1 v6, v8;
	s10 =	simm.s32 @!p1 $0xF00  }
0x98: {  	[tilespmem:s10], [sflag:$0x1] =	stream.indirect_vreg.gather @!p1 [hbm4b:s14+s5], $0x80, v7, vm1, $0xb8;
	[tilespmem:$0x1C700] =	vst v63  }
0x99: {  	v6 =	vadd.s32 @!p1 v9, v6;
	s10 =	simm.s32 @!p1 $0x1700  }
0x9a: {  	[tilespmem:s10], [sflag:$0x1] =	stream.indirect_vreg.gather @!p1 [hbm4b:s15+s5], $0x80, v7, vm1, $0xb8;
	[tilespmem:$0x1C700] =	vst v63  }
0x9b: {  	s10 =	simm.s32 @!p1 $0x1F00  }
0x9c: {  	[tilespmem:s10], [sflag:$0x1] =	stream.indirect_vreg.gather @!p1 [hbm4b:s16+s5], $0x80, v7, vm1, $0xb8;
	[tilespmem:$0x1C700] =	vst v63  }
0x9d: {  	s10 =	simm.s32 @!p1 $0x2700  }
0x9e: {  	[tilespmem:s10], [sflag:$0x1] =	stream.indirect_vreg.gather @!p1 [hbm4b:s1+s5], $0x80, v6, vm1, $0xb8;
	[tilespmem:$0x1C700] =	vst v63  }
0x9f: {  	s10 =	simm.s32 @!p1 $0x2F00  }
0xa0: {  	[tilespmem:s10], [sflag:$0x1] =	stream.indirect_vreg.gather @!p1 [hbm4b:s14+s5], $0x80, v6, vm1, $0xb8;
	[tilespmem:$0x1C700] =	vst v63  }
0xa1: {  	p2 =	seq.s32 @!p1 s9, $0x1;
	s10 =	simm.s32 @!p1 $0x3700  }
0xa2: {  	[tilespmem:s10], [sflag:$0x1] =	stream.indirect_vreg.gather @!p1 [hbm4b:s15+s5], $0x80, v6, vm1, $0xb8;
	[tilespmem:$0x1C700] =	vst v63  }
0xa3: {  	p2 =	por p1, p2;
	s10 =	simm.s32 @!p1 $0x3F00  }
0xa4: {  	[tilespmem:s10], [sflag:$0x1] =	stream.indirect_vreg.gather @!p1 [hbm4b:s16+s5], $0x80, v6, vm1, $0xb8;
	[tilespmem:$0x1C700] =	vst v63  }
0xa5: {  	v6 =	vld @!p2 [tilespmem:$0x210];
	_ =	sdelay $0x4  }
0xa6: {  	v7 =	vshll.u32 @!p2 v6, $0x3  }
0xa7: {  	v8 =	vlaneseq.u32 @!p2;
	v6 =	vand.u32 @!p2 $0x7, v6;
	v7 =	vand.u32 @!p2 $0xFFFFFFC0, v7  }
0xa8: {  	v9 =	vshrl.u32 @!p2 v8, $0x3;
	v6 =	vor.u32 @!p2 v6, v7;
	v7 =	vand.u32 @!p2 $0x7, v8  }
0xa9: {  	v9 =	vmul.u32 @!p2 $0x8, v9;
	v7 =	vperm.xlane @!p2 v6, v7;
	_ =	sdelay $0x1  }
0xaa: {  	v7 =	vadd.s32 @!p2 v9, v7;
	_ =	sdelay $0x3  }
0xab: {  	vm1 =	vmmov @!p2 $0xffff;
	s5 =	simm.s32 @!p2 $0x0;
	s10 =	simm.s32 @!p2 $0x4700  }
0xac: {  	v8 =	vor.u32 @!p2 $0x8, v8;
	[tilespmem:s10], [sflag:$0x2] =	stream.indirect_vreg.gather @!p2 [hbm4b:s1+s5], $0x80, v7, vm1, $0xb8;
	[tilespmem:$0x1C700] =	vst v63  }
0xad: {  	v6 =	vperm.xlane @!p2 v6, v8;
	s10 =	simm.s32 @!p2 $0x4F00  }
0xae: {  	[tilespmem:s10], [sflag:$0x2] =	stream.indirect_vreg.gather @!p2 [hbm4b:s14+s5], $0x80, v7, vm1, $0xb8;
	[tilespmem:$0x1C700] =	vst v63  }
0xaf: {  	v6 =	vadd.s32 @!p2 v9, v6;
	s10 =	simm.s32 @!p2 $0x5700  }
0xb0: {  	[tilespmem:s10], [sflag:$0x2] =	stream.indirect_vreg.gather @!p2 [hbm4b:s15+s5], $0x80, v7, vm1, $0xb8;
	[tilespmem:$0x1C700] =	vst v63  }
0xb1: {  	s10 =	simm.s32 @!p2 $0x5F00  }
0xb2: {  	[tilespmem:s10], [sflag:$0x2] =	stream.indirect_vreg.gather @!p2 [hbm4b:s16+s5], $0x80, v7, vm1, $0xb8;
	[tilespmem:$0x1C700] =	vst v63  }
0xb3: {  	s10 =	simm.s32 @!p2 $0x6700  }
0xb4: {  	[tilespmem:s10], [sflag:$0x2] =	stream.indirect_vreg.gather @!p2 [hbm4b:s1+s5], $0x80, v6, vm1, $0xb8;
	[tilespmem:$0x1C700] =	vst v63  }
0xb5: {  	s10 =	simm.s32 @!p2 $0x6F00  }
0xb6: {  	[tilespmem:s10], [sflag:$0x2] =	stream.indirect_vreg.gather @!p2 [hbm4b:s14+s5], $0x80, v6, vm1, $0xb8;
	[tilespmem:$0x1C700] =	vst v63  }
0xb7: {  	p3 =	slt.u32 @!p2 s9, $0x3;
	s10 =	simm.s32 @!p2 $0x7700  }
0xb8: {  	[tilespmem:s10], [sflag:$0x2] =	stream.indirect_vreg.gather @!p2 [hbm4b:s15+s5], $0x80, v6, vm1, $0xb8;
	[tilespmem:$0x1C700] =	vst v63  }
0xb9: {  	p6 =	por p2, p3;
	s10 =	simm.s32 @!p2 $0x7F00  }
0xba: {  	[tilespmem:s10], [sflag:$0x2] =	stream.indirect_vreg.gather @!p2 [hbm4b:s16+s5], $0x80, v6, vm1, $0xb8;
	[tilespmem:$0x1C700] =	vst v63  }
0xbb: {  	v6 =	vld @!p6 [tilespmem:$0x220];
	_ =	sdelay $0x4  }
0xbc: {  	v7 =	vshll.u32 @!p6 v6, $0x3  }
0xbd: {  	v8 =	vlaneseq.u32 @!p6;
	v6 =	vand.u32 @!p6 $0x7, v6;
	v7 =	vand.u32 @!p6 $0xFFFFFFC0, v7  }
0xbe: {  	v9 =	vshrl.u32 @!p6 v8, $0x3;
	v6 =	vor.u32 @!p6 v6, v7;
	v7 =	vand.u32 @!p6 $0x7, v8  }
0xbf: {  	v9 =	vmul.u32 @!p6 $0x8, v9;
	v7 =	vperm.xlane @!p6 v6, v7;
	_ =	sdelay $0x1  }
0xc0: {  	v7 =	vadd.s32 @!p6 v9, v7;
	_ =	sdelay $0x3  }
0xc1: {  	vm1 =	vmmov @!p6 $0xffff;
	s5 =	simm.s32 @!p6 $0x0;
	s10 =	simm.s32 @!p6 $0x8700  }
0xc2: {  	v8 =	vor.u32 @!p6 $0x8, v8;
	[tilespmem:s10], [sflag:$0x3] =	stream.indirect_vreg.gather @!p6 [hbm4b:s1+s5], $0x80, v7, vm1, $0xb8;
	[tilespmem:$0x1C700] =	vst v63  }
0xc3: {  	v6 =	vperm.xlane @!p6 v6, v8;
	s10 =	simm.s32 @!p6 $0x8F00  }
0xc4: {  	[tilespmem:s10], [sflag:$0x3] =	stream.indirect_vreg.gather @!p6 [hbm4b:s14+s5], $0x80, v7, vm1, $0xb8;
	[tilespmem:$0x1C700] =	vst v63  }
0xc5: {  	v6 =	vadd.s32 @!p6 v9, v6;
	s10 =	simm.s32 @!p6 $0x9700  }
0xc6: {  	[tilespmem:s10], [sflag:$0x3] =	stream.indirect_vreg.gather @!p6 [hbm4b:s15+s5], $0x80, v7, vm1, $0xb8;
	[tilespmem:$0x1C700] =	vst v63  }
0xc7: {  	s10 =	simm.s32 @!p6 $0x9F00  }
0xc8: {  	[tilespmem:s10], [sflag:$0x3] =	stream.indirect_vreg.gather @!p6 [hbm4b:s16+s5], $0x80, v7, vm1, $0xb8;
	[tilespmem:$0x1C700] =	vst v63  }
0xc9: {  	p3 =	seq.s32 @!p6 s9, $0x3;
	s10 =	simm.s32 @!p6 $0xA700  }
0xca: {  	[tilespmem:s10], [sflag:$0x3] =	stream.indirect_vreg.gather @!p6 [hbm4b:s1+s5], $0x80, v6, vm1, $0xb8;
	[tilespmem:$0x1C700] =	vst v63  }
0xcb: {  	p3 =	por p6, p3;
	s10 =	simm.s32 @!p6 $0xAF00  }
0xcc: {  	[tilespmem:s10], [sflag:$0x3] =	stream.indirect_vreg.gather @!p6 [hbm4b:s14+s5], $0x80, v6, vm1, $0xb8;
	[tilespmem:$0x1C700] =	vst v63  }
.Ltmp6:
0xcd: {  	_ = 	snop;
	(pc) =	sbr.rel @!p3 .LBB2_9-.Ltmp6, $4  }
0xce: {  	s10 =	simm.s32 @!p6 $0xB700  }
0xcf: {  	[tilespmem:s10], [sflag:$0x3] =	stream.indirect_vreg.gather @!p6 [hbm4b:s15+s5], $0x80, v6, vm1, $0xb8;
	[tilespmem:$0x1C700] =	vst v63  }
0xd0: {  	[dreg:$0xb] =	wrdreg s18;
	s10 =	simm.s32 @!p6 $0xBF00  }
0xd1: {  	[tilespmem:s10], [sflag:$0x3] =	stream.indirect_vreg.gather @!p6 [hbm4b:s16+s5], $0x80, v6, vm1, $0xb8;
	[tilespmem:$0x1C700] =	vst v63  }
0xd2: {  	p3 =	por @!p1 $0x0, $0x0;
	p4 =	por $0x0, $0x0  }
0xd3: {  	p5 =	por @!p2 $0x0, $0x0;
	p4 =	por @!p1 p3, p3  }
.Ltmp7:
0xd4: {  	p0 =	por @!p2 $0x1, $0x1;
	p3 =	por p4, p4;
	(pc) =	sbr.rel .LBB2_10-.Ltmp7, $4  }
0xd5: {  	p4 =	por @!p2 p0, p0;
	p3 =	por @!p2 p5, p5  }
0xd6: {  	p0 =	por @!p6 $0x1, $0x1;
	p2 =	por @!p6 $0x0, $0x0;
	p5 =	por p3, p3  }
0xd7: {  	p4 =	por @!p6 p0, p0;
	p5 =	por @!p6 p0, p0;
	p0 =	por p3, p3  }
0xd8: {  	p3 =	por @!p6 p2, p2;
	p0 =	por @!p6 p2, p2  }
.LBB2_9:
0xd9: {  	v6 =	vld [tilespmem:$0x230];
	_ =	sdelay $0x4  }
0xda: {  	v7 =	vshll.u32 v6, $0x3  }
0xdb: {  	v6 =	vand.u32 $0x7, v6;
	v7 =	vand.u32 $0xFFFFFFC0, v7  }
0xdc: {  	v6 =	vor.u32 v6, v7  }
0xdd: {  	v7 =	vperm.xlane v6, v1;
	_ =	sdelay $0x1  }
0xde: {  	v7 =	vadd.s32 v5, v7;
	_ =	sdelay $0x3  }
0xdf: {  	s5 =	simm.s32 $0xC700  }
0xe0: {  	[tilespmem:s5], [sflag:$0x4] =	stream.indirect_vreg.gather [hbm4b:s1+s6], $0x80, v7, vm0, $0xb8;
	[tilespmem:$0x1C700] =	vst v63  }
0xe1: {  	s18 =	simm.s32 $0xCF00;
	v6 =	vperm.xlane v6, v2  }
0xe2: {  	[tilespmem:s18], [sflag:$0x4] =	stream.indirect_vreg.gather [hbm4b:s14+s6], $0x80, v7, vm0, $0xb8;
	[tilespmem:$0x1C700] =	vst v63  }
0xe3: {  	s30 =	simm.s32 $0xD700;
	v6 =	vadd.s32 v5, v6  }
0xe4: {  	[tilespmem:s30], [sflag:$0x4] =	stream.indirect_vreg.gather [hbm4b:s15+s6], $0x80, v7, vm0, $0xb8;
	[tilespmem:$0x1C700] =	vst v63  }
0xe5: {  	s31 =	simm.s32 $0xDF00  }
0xe6: {  	[tilespmem:s31], [sflag:$0x4] =	stream.indirect_vreg.gather [hbm4b:s16+s6], $0x80, v7, vm0, $0xb8;
	[tilespmem:$0x1C700] =	vst v63  }
0xe7: {  	s10 =	simm.s32 $0xE700  }
0xe8: {  	[tilespmem:s10], [sflag:$0x4] =	stream.indirect_vreg.gather [hbm4b:s1+s6], $0x80, v6, vm0, $0xb8;
	[tilespmem:$0x1C700] =	vst v63  }
0xe9: {  	s18 =	simm.s32 $0xEF00  }
0xea: {  	[tilespmem:s18], [sflag:$0x4] =	stream.indirect_vreg.gather [hbm4b:s14+s6], $0x80, v6, vm0, $0xb8;
	[tilespmem:$0x1C700] =	vst v63  }
0xeb: {  	s30 =	simm.s32 $0xF700  }
0xec: {  	[tilespmem:s30], [sflag:$0x4] =	stream.indirect_vreg.gather [hbm4b:s15+s6], $0x80, v6, vm0, $0xb8;
	[tilespmem:$0x1C700] =	vst v63  }
0xed: {  	p6 =	slt.u32 s9, $0x5;
	s31 =	simm.s32 $0xFF00  }
0xee: {  	[tilespmem:s31], [sflag:$0x4] =	stream.indirect_vreg.gather [hbm4b:s16+s6], $0x80, v6, vm0, $0xb8;
	[tilespmem:$0x1C700] =	vst v63  }
0xef: {  	v6 =	vld @!p6 [tilespmem:$0x240];
	_ =	sdelay $0x4  }
0xf0: {  	v7 =	vshll.u32 @!p6 v6, $0x3  }
0xf1: {  	v8 =	vlaneseq.u32 @!p6;
	v6 =	vand.u32 @!p6 $0x7, v6;
	v7 =	vand.u32 @!p6 $0xFFFFFFC0, v7  }
0xf2: {  	v9 =	vshrl.u32 @!p6 v8, $0x3;
	v6 =	vor.u32 @!p6 v6, v7;
	v7 =	vand.u32 @!p6 $0x7, v8  }
0xf3: {  	v9 =	vmul.u32 @!p6 $0x8, v9;
	v7 =	vperm.xlane @!p6 v6, v7;
	_ =	sdelay $0x1  }
0xf4: {  	v7 =	vadd.s32 @!p6 v9, v7;
	_ =	sdelay $0x3  }
0xf5: {  	vm1 =	vmmov @!p6 $0xffff;
	s5 =	simm.s32 @!p6 $0x0;
	s10 =	simm.s32 @!p6 $0x10700  }
0xf6: {  	v8 =	vor.u32 @!p6 $0x8, v8;
	[tilespmem:s10], [sflag:$0x5] =	stream.indirect_vreg.gather @!p6 [hbm4b:s1+s5], $0x80, v7, vm1, $0xb8;
	[tilespmem:$0x1C700] =	vst v63  }
0xf7: {  	v6 =	vperm.xlane @!p6 v6, v8;
	s10 =	simm.s32 @!p6 $0x10F00  }
0xf8: {  	[tilespmem:s10], [sflag:$0x5] =	stream.indirect_vreg.gather @!p6 [hbm4b:s14+s5], $0x80, v7, vm1, $0xb8;
	[tilespmem:$0x1C700] =	vst v63  }
0xf9: {  	v6 =	vadd.s32 @!p6 v9, v6;
	s10 =	simm.s32 @!p6 $0x11700  }
0xfa: {  	[tilespmem:s10], [sflag:$0x5] =	stream.indirect_vreg.gather @!p6 [hbm4b:s15+s5], $0x80, v7, vm1, $0xb8;
	[tilespmem:$0x1C700] =	vst v63  }
0xfb: {  	p0 =	por $0x0, $0x0;
	s10 =	simm.s32 @!p6 $0x11F00  }
0xfc: {  	[tilespmem:s10], [sflag:$0x5] =	stream.indirect_vreg.gather @!p6 [hbm4b:s16+s5], $0x80, v7, vm1, $0xb8;
	[tilespmem:$0x1C700] =	vst v63  }
0xfd: {  	p5 =	por $0x1, $0x1;
	p4 =	por $0x1, $0x1;
	s10 =	simm.s32 @!p6 $0x12700  }
0xfe: {  	[tilespmem:s10], [sflag:$0x5] =	stream.indirect_vreg.gather @!p6 [hbm4b:s1+s5], $0x80, v6, vm1, $0xb8;
	[tilespmem:$0x1C700] =	vst v63  }
0xff: {  	p3 =	por $0x1, $0x1;
	p2 =	por @!p6 $0x1, $0x1;
	s10 =	simm.s32 @!p6 $0x12F00  }
0x100: {  	[tilespmem:s10], [sflag:$0x5] =	stream.indirect_vreg.gather @!p6 [hbm4b:s14+s5], $0x80, v6, vm1, $0xb8;
	[tilespmem:$0x1C700] =	vst v63  }
0x101: {  	p0 =	por @!p6 p2, p2;
	p5 =	por @!p6 p2, p2;
	s10 =	simm.s32 @!p6 $0x13700  }
0x102: {  	[tilespmem:s10], [sflag:$0x5] =	stream.indirect_vreg.gather @!p6 [hbm4b:s15+s5], $0x80, v6, vm1, $0xb8;
	[tilespmem:$0x1C700] =	vst v63  }
0x103: {  	p4 =	por @!p6 p2, p2;
	p3 =	por @!p6 p2, p2;
	s10 =	simm.s32 @!p6 $0x13F00  }
0x104: {  	[tilespmem:s10], [sflag:$0x5] =	stream.indirect_vreg.gather @!p6 [hbm4b:s16+s5], $0x80, v6, vm1, $0xb8;
	[tilespmem:$0x1C700] =	vst v63  }
.LBB2_10:
0x105: {  	s5 =	sadd.s32 $0x5, s9  }
0x106: {  	s10 =	smulhi.u32 $0x2AAAAAAB, s5;
	s5 =	sshra.s32 s5, $0x1F  }
0x107: {  	s5 =	smul.u32 $0x2AAAAAAB, s5;
	_ =	sdelay $0x1  }
0x108: {  	s5 =	sadd.s32 s5, s10  }
0x109: {  	s10 =	sshrl.u32 s5, $0x1F  }
0x10a: {  	s5 =	sadd.s32 s10, s5  }
0x10b: {  	s10 =	smul.u32 $0xFFFFFFFA, s5  }
0x10c: {  	s30 =	ssub.s32 $0xFFFFFFFB, s9  }
0x10d: {  	p2 =	slt.s32 s9, $0xFFFFFFFC;
	p6 =	sne.s32 s10, s30  }
0x10e: {  	p2 =	por !p2, !p6  }
0x10f: {  	s10 =	simm.s32 $0x1;
	p2 =	por !p2, !p2  }
0x110: {  	s10 =	simm.s32 @!p2 $0x0  }
0x111: {  	s10 =	ssub.s32 s5, s10  }
0x112: {  	p2 =	slt.s32 s10, $0x1  }
.Ltmp8:
0x113: {  	_ = 	snop;
	(pc) =	sbr.rel @p2 .LBB2_25-.Ltmp8, $1  }
0x114: {  	_ =	sdelay $0x3  }
.Ltmp9:
0x115: {  	(pc) =	sbr.rel .LBB2_12-.Ltmp9, $2  }
0x116: {  	_ =	sdelay $0x2  }
0x117: {  	s5 =	simm.s32 $0x5;
	s30 =	simm.s32 $0x250  }
.LBB2_24:
0x118: {  	s10 =	sadd.s32 $0xFFFFFFFF, s10  }
0x119: {  	p2 =	sne.s32 s10, $0x0  }
.Ltmp10:
0x11a: {  	_ = 	snop;
	(pc) =	sbr.rel @!p2 .LBB2_25-.Ltmp10, $2  }
0x11b: {  	_ =	sdelay $0x2  }
0x11c: {  	s5 =	sadd.s32 $0x6, s5;
	s30 =	sadd.s32 $0x60, s30  }
.LBB2_12:
0x11d: {  	s31 =	sadd.s32 $0xFFFFFFFB, s5  }
0x11e: {  	p2 =	sge.s32 s31, s9  }
.Ltmp11:
0x11f: {  	_ = 	snop;
	(pc) =	sbr.rel @p2 .LBB2_14-.Ltmp11, $1  }
0x120: {  	_ =	sdelay $0x3  }
0x121: {  	_ =	swait.ge [sflag:s28], $0x4000  }
0x122: {  	[sflag:s28] =	ssyncset.done $0x0  }
0x123: {  	[sflag:s28] =	ssyncadd.s32 $0xFFFFC000  }
0x124: {  	v6 =	vld [tilespmem:s30+$0xFFFFFFB0];
	_ =	sdelay $0x4  }
0x125: {  	v7 =	vshll.u32 v6, $0x3  }
0x126: {  	v6 =	vand.u32 $0x7, v6;
	v7 =	vand.u32 $0xFFFFFFC0, v7  }
0x127: {  	v6 =	vor.u32 v6, v7  }
0x128: {  	v7 =	vperm.xlane v6, v1;
	_ =	sdelay $0x1  }
0x129: {  	v7 =	vadd.s32 v5, v7;
	_ =	sdelay $0x3  }
0x12a: {  	s18 =	simm.s32 $0x700  }
0x12b: {  	[hbm4b:s4+s6] =	stream.indirect_vreg.scatter [tilespmem:s18], [sflag:$0x7], $0x80, v7, vm0, $0xb8;
	[tilespmem:$0x1C700] =	vst v63  }
0x12c: {  	s31 =	simm.s32 $0xF00;
	v6 =	vperm.xlane v6, v2  }
0x12d: {  	[hbm4b:s11+s6] =	stream.indirect_vreg.scatter [tilespmem:s31], [sflag:$0x7], $0x80, v7, vm0, $0xb8;
	[tilespmem:$0x1C700] =	vst v63  }
0x12e: {  	v6 =	vadd.s32 v5, v6;
	s31 =	simm.s32 $0x1700  }
0x12f: {  	[hbm4b:s12+s6] =	stream.indirect_vreg.scatter [tilespmem:s31], [sflag:$0x7], $0x80, v7, vm0, $0xb8;
	[tilespmem:$0x1C700] =	vst v63  }
0x130: {  	s31 =	simm.s32 $0x1F00  }
0x131: {  	[hbm4b:s13+s6] =	stream.indirect_vreg.scatter [tilespmem:s31], [sflag:$0x7], $0x80, v7, vm0, $0xb8;
	[tilespmem:$0x1C700] =	vst v63  }
0x132: {  	s31 =	simm.s32 $0x2700  }
0x133: {  	[hbm4b:s4+s6] =	stream.indirect_vreg.scatter [tilespmem:s31], [sflag:$0x7], $0x80, v6, vm0, $0xb8;
	[tilespmem:$0x1C700] =	vst v63  }
0x134: {  	p6 =	sge.u32 s5, s9;
	s31 =	simm.s32 $0x2F00  }
0x135: {  	[hbm4b:s11+s6] =	stream.indirect_vreg.scatter [tilespmem:s31], [sflag:$0x7], $0x80, v6, vm0, $0xb8;
	[tilespmem:$0x1C700] =	vst v63  }
0x136: {  	p2 =	seq.s32 @!p6 s5, $0x5;
	s31 =	simm.s32 $0x3700  }
0x137: {  	[hbm4b:s12+s6] =	stream.indirect_vreg.scatter [tilespmem:s31], [sflag:$0x7], $0x80, v6, vm0, $0xb8;
	[tilespmem:$0x1C700] =	vst v63  }
0x138: {  	p2 =	por p2, p6;
	s31 =	simm.s32 $0x3F00  }
0x139: {  	[hbm4b:s13+s6] =	stream.indirect_vreg.scatter [tilespmem:s31], [sflag:$0x7], $0x80, v6, vm0, $0xb8;
	[tilespmem:$0x1C700] =	vst v63  }
0x13a: {  	s31 =	simm.s32 @!p2 $0xC  }
0x13b: {  	_ =	swait.ge @!p2 [sflag:s31], $0x4000  }
0x13c: {  	[sflag:s31] =	ssyncset.done @!p2 $0x0  }
0x13d: {  	[sflag:s31] =	ssyncadd.s32 @!p2 $0xFFFFC000  }
0x13e: {  	v6 =	vld @!p6 [tilespmem:s30+$0x0];
	_ =	sdelay $0x4  }
0x13f: {  	v7 =	vshll.u32 @!p6 v6, $0x3  }
0x140: {  	v8 =	vlaneseq.u32 @!p6;
	v6 =	vand.u32 @!p6 $0x7, v6;
	v7 =	vand.u32 @!p6 $0xFFFFFFC0, v7  }
0x141: {  	v9 =	vshrl.u32 @!p6 v8, $0x3;
	v6 =	vor.u32 @!p6 v6, v7;
	v7 =	vand.u32 @!p6 $0x7, v8  }
0x142: {  	v9 =	vmul.u32 @!p6 $0x8, v9;
	v7 =	vperm.xlane @!p6 v6, v7;
	_ =	sdelay $0x1  }
0x143: {  	v7 =	vadd.s32 @!p6 v9, v7;
	_ =	sdelay $0x3  }
0x144: {  	vm1 =	vmmov @!p6 $0xffff;
	s18 =	simm.s32 @!p6 $0x14700;
	s31 =	simm.s32 @!p6 $0x0  }
0x145: {  	v8 =	vor.u32 @!p6 $0x8, v8;
	[tilespmem:s18], [sflag:$0x6] =	stream.indirect_vreg.gather @!p6 [hbm4b:s1+s31], $0x80, v7, vm1, $0xb8;
	[tilespmem:$0x1C700] =	vst v63  }
0x146: {  	v6 =	vperm.xlane @!p6 v6, v8;
	s18 =	simm.s32 @!p6 $0x14F00  }
0x147: {  	[tilespmem:s18], [sflag:$0x6] =	stream.indirect_vreg.gather @!p6 [hbm4b:s14+s31], $0x80, v7, vm1, $0xb8;
	[tilespmem:$0x1C700] =	vst v63  }
0x148: {  	v6 =	vadd.s32 @!p6 v9, v6;
	s18 =	simm.s32 @!p6 $0x15700  }
0x149: {  	[tilespmem:s18], [sflag:$0x6] =	stream.indirect_vreg.gather @!p6 [hbm4b:s15+s31], $0x80, v7, vm1, $0xb8;
	[tilespmem:$0x1C700] =	vst v63  }
0x14a: {  	s18 =	simm.s32 @!p6 $0x15F00  }
0x14b: {  	[tilespmem:s18], [sflag:$0x6] =	stream.indirect_vreg.gather @!p6 [hbm4b:s16+s31], $0x80, v7, vm1, $0xb8;
	[tilespmem:$0x1C700] =	vst v63  }
0x14c: {  	s18 =	simm.s32 @!p6 $0x16700  }
0x14d: {  	[tilespmem:s18], [sflag:$0x6] =	stream.indirect_vreg.gather @!p6 [hbm4b:s1+s31], $0x80, v6, vm1, $0xb8;
	[tilespmem:$0x1C700] =	vst v63  }
0x14e: {  	s18 =	simm.s32 @!p6 $0x16F00  }
0x14f: {  	[tilespmem:s18], [sflag:$0x6] =	stream.indirect_vreg.gather @!p6 [hbm4b:s14+s31], $0x80, v6, vm1, $0xb8;
	[tilespmem:$0x1C700] =	vst v63  }
0x150: {  	s18 =	simm.s32 @!p6 $0x17700  }
0x151: {  	[tilespmem:s18], [sflag:$0x6] =	stream.indirect_vreg.gather @!p6 [hbm4b:s15+s31], $0x80, v6, vm1, $0xb8;
	[tilespmem:$0x1C700] =	vst v63  }
0x152: {  	s18 =	simm.s32 @!p6 $0x17F00  }
0x153: {  	[tilespmem:s18], [sflag:$0x6] =	stream.indirect_vreg.gather @!p6 [hbm4b:s16+s31], $0x80, v6, vm1, $0xb8;
	[tilespmem:$0x1C700] =	vst v63  }
.LBB2_14:
0x154: {  	s18 =	sadd.s32 $0xFFFFFFFC, s5  }
0x155: {  	p2 =	sge.s32 s18, s9  }
.Ltmp12:
0x156: {  	_ = 	snop;
	(pc) =	sbr.rel @p2 .LBB2_16-.Ltmp12, $1  }
0x157: {  	_ =	sdelay $0x3  }
0x158: {  	_ =	swait.ge [sflag:s8], $0x4000  }
0x159: {  	[sflag:s8] =	ssyncset.done $0x0  }
0x15a: {  	[sflag:s8] =	ssyncadd.s32 $0xFFFFC000  }
0x15b: {  	v6 =	vld [tilespmem:s30+$0xFFFFFFC0];
	_ =	sdelay $0x4  }
0x15c: {  	v7 =	vshll.u32 v6, $0x3  }
0x15d: {  	v6 =	vand.u32 $0x7, v6;
	v7 =	vand.u32 $0xFFFFFFC0, v7  }
0x15e: {  	v6 =	vor.u32 v6, v7  }
0x15f: {  	v7 =	vperm.xlane v6, v1;
	_ =	sdelay $0x1  }
0x160: {  	v7 =	vadd.s32 v5, v7;
	_ =	sdelay $0x3  }
0x161: {  	s18 =	simm.s32 $0x4700  }
0x162: {  	[hbm4b:s4+s6] =	stream.indirect_vreg.scatter [tilespmem:s18], [sflag:$0x8], $0x80, v7, vm0, $0xb8;
	[tilespmem:$0x1C700] =	vst v63  }
0x163: {  	s31 =	simm.s32 $0x4F00;
	v6 =	vperm.xlane v6, v2  }
0x164: {  	[hbm4b:s11+s6] =	stream.indirect_vreg.scatter [tilespmem:s31], [sflag:$0x8], $0x80, v7, vm0, $0xb8;
	[tilespmem:$0x1C700] =	vst v63  }
0x165: {  	v6 =	vadd.s32 v5, v6;
	s31 =	simm.s32 $0x5700  }
0x166: {  	[hbm4b:s12+s6] =	stream.indirect_vreg.scatter [tilespmem:s31], [sflag:$0x8], $0x80, v7, vm0, $0xb8;
	[tilespmem:$0x1C700] =	vst v63  }
0x167: {  	s31 =	simm.s32 $0x5F00  }
0x168: {  	[hbm4b:s13+s6] =	stream.indirect_vreg.scatter [tilespmem:s31], [sflag:$0x8], $0x80, v7, vm0, $0xb8;
	[tilespmem:$0x1C700] =	vst v63  }
0x169: {  	s31 =	simm.s32 $0x6700  }
0x16a: {  	[hbm4b:s4+s6] =	stream.indirect_vreg.scatter [tilespmem:s31], [sflag:$0x8], $0x80, v6, vm0, $0xb8;
	[tilespmem:$0x1C700] =	vst v63  }
0x16b: {  	s31 =	simm.s32 $0x6F00  }
0x16c: {  	[hbm4b:s11+s6] =	stream.indirect_vreg.scatter [tilespmem:s31], [sflag:$0x8], $0x80, v6, vm0, $0xb8;
	[tilespmem:$0x1C700] =	vst v63  }
0x16d: {  	s31 =	simm.s32 $0x7700  }
0x16e: {  	[hbm4b:s12+s6] =	stream.indirect_vreg.scatter [tilespmem:s31], [sflag:$0x8], $0x80, v6, vm0, $0xb8;
	[tilespmem:$0x1C700] =	vst v63  }
0x16f: {  	s31 =	simm.s32 $0x7F00  }
0x170: {  	[hbm4b:s13+s6] =	stream.indirect_vreg.scatter [tilespmem:s31], [sflag:$0x8], $0x80, v6, vm0, $0xb8;
	[tilespmem:$0x1C700] =	vst v63  }
0x171: {  	s31 =	sadd.s32 $0x1, s5  }
0x172: {  	p6 =	sge.s32 s31, s9  }
0x173: {  	s18 =	simm.s32 @!p6 $0x7  }
0x174: {  	_ =	swait.ge @!p6 [sflag:s18], $0x4000  }
0x175: {  	[sflag:s18] =	ssyncset.done @!p6 $0x0  }
0x176: {  	[sflag:s18] =	ssyncadd.s32 @!p6 $0xFFFFC000  }
0x177: {  	v6 =	vld @!p6 [tilespmem:s30+$0x10];
	_ =	sdelay $0x4  }
0x178: {  	v7 =	vshll.u32 @!p6 v6, $0x3  }
0x179: {  	v8 =	vlaneseq.u32 @!p6;
	v6 =	vand.u32 @!p6 $0x7, v6;
	v7 =	vand.u32 @!p6 $0xFFFFFFC0, v7  }
0x17a: {  	v9 =	vshrl.u32 @!p6 v8, $0x3;
	v6 =	vor.u32 @!p6 v6, v7;
	v7 =	vand.u32 @!p6 $0x7, v8  }
0x17b: {  	v9 =	vmul.u32 @!p6 $0x8, v9;
	v7 =	vperm.xlane @!p6 v6, v7;
	_ =	sdelay $0x1  }
0x17c: {  	v7 =	vadd.s32 @!p6 v9, v7;
	_ =	sdelay $0x3  }
0x17d: {  	vm1 =	vmmov @!p6 $0xffff;
	s31 =	simm.s32 @!p6 $0x700;
	s18 =	simm.s32 @!p6 $0x0  }
0x17e: {  	v8 =	vor.u32 @!p6 $0x8, v8;
	[tilespmem:s31], [sflag:$0x1] =	stream.indirect_vreg.gather @!p6 [hbm4b:s1+s18], $0x80, v7, vm1, $0xb8;
	[tilespmem:$0x1C700] =	vst v63  }
0x17f: {  	v6 =	vperm.xlane @!p6 v6, v8;
	s31 =	simm.s32 @!p6 $0xF00  }
0x180: {  	[tilespmem:s31], [sflag:$0x1] =	stream.indirect_vreg.gather @!p6 [hbm4b:s14+s18], $0x80, v7, vm1, $0xb8;
	[tilespmem:$0x1C700] =	vst v63  }
0x181: {  	v6 =	vadd.s32 @!p6 v9, v6;
	s31 =	simm.s32 @!p6 $0x1700  }
0x182: {  	[tilespmem:s31], [sflag:$0x1] =	stream.indirect_vreg.gather @!p6 [hbm4b:s15+s18], $0x80, v7, vm1, $0xb8;
	[tilespmem:$0x1C700] =	vst v63  }
0x183: {  	s31 =	simm.s32 @!p6 $0x1F00  }
0x184: {  	[tilespmem:s31], [sflag:$0x1] =	stream.indirect_vreg.gather @!p6 [hbm4b:s16+s18], $0x80, v7, vm1, $0xb8;
	[tilespmem:$0x1C700] =	vst v63  }
0x185: {  	s31 =	simm.s32 @!p6 $0x2700  }
0x186: {  	[tilespmem:s31], [sflag:$0x1] =	stream.indirect_vreg.gather @!p6 [hbm4b:s1+s18], $0x80, v6, vm1, $0xb8;
	[tilespmem:$0x1C700] =	vst v63  }
0x187: {  	s31 =	simm.s32 @!p6 $0x2F00  }
0x188: {  	[tilespmem:s31], [sflag:$0x1] =	stream.indirect_vreg.gather @!p6 [hbm4b:s14+s18], $0x80, v6, vm1, $0xb8;
	[tilespmem:$0x1C700] =	vst v63  }
0x189: {  	s31 =	simm.s32 @!p6 $0x3700  }
0x18a: {  	[tilespmem:s31], [sflag:$0x1] =	stream.indirect_vreg.gather @!p6 [hbm4b:s15+s18], $0x80, v6, vm1, $0xb8;
	[tilespmem:$0x1C700] =	vst v63  }
0x18b: {  	s31 =	simm.s32 @!p6 $0x3F00  }
0x18c: {  	[tilespmem:s31], [sflag:$0x1] =	stream.indirect_vreg.gather @!p6 [hbm4b:s16+s18], $0x80, v6, vm1, $0xb8;
	[tilespmem:$0x1C700] =	vst v63  }
.LBB2_16:
0x18d: {  	s18 =	sadd.s32 $0xFFFFFFFD, s5  }
0x18e: {  	p2 =	sge.s32 s18, s9  }
.Ltmp13:
0x18f: {  	_ = 	snop;
	(pc) =	sbr.rel @p2 .LBB2_18-.Ltmp13, $1  }
0x190: {  	_ =	sdelay $0x3  }
0x191: {  	_ =	swait.ge [sflag:s17], $0x4000  }
0x192: {  	[sflag:s17] =	ssyncset.done $0x0  }
0x193: {  	[sflag:s17] =	ssyncadd.s32 $0xFFFFC000  }
0x194: {  	v6 =	vld [tilespmem:s30+$0xFFFFFFD0];
	_ =	sdelay $0x4  }
0x195: {  	v7 =	vshll.u32 v6, $0x3  }
0x196: {  	v6 =	vand.u32 $0x7, v6;
	v7 =	vand.u32 $0xFFFFFFC0, v7  }
0x197: {  	v6 =	vor.u32 v6, v7  }
0x198: {  	v7 =	vperm.xlane v6, v1;
	_ =	sdelay $0x1  }
0x199: {  	v7 =	vadd.s32 v5, v7;
	_ =	sdelay $0x3  }
0x19a: {  	s18 =	simm.s32 $0x8700  }
0x19b: {  	[hbm4b:s4+s6] =	stream.indirect_vreg.scatter [tilespmem:s18], [sflag:$0x9], $0x80, v7, vm0, $0xb8;
	[tilespmem:$0x1C700] =	vst v63  }
0x19c: {  	s31 =	simm.s32 $0x8F00;
	v6 =	vperm.xlane v6, v2  }
0x19d: {  	[hbm4b:s11+s6] =	stream.indirect_vreg.scatter [tilespmem:s31], [sflag:$0x9], $0x80, v7, vm0, $0xb8;
	[tilespmem:$0x1C700] =	vst v63  }
0x19e: {  	v6 =	vadd.s32 v5, v6;
	s31 =	simm.s32 $0x9700  }
0x19f: {  	[hbm4b:s12+s6] =	stream.indirect_vreg.scatter [tilespmem:s31], [sflag:$0x9], $0x80, v7, vm0, $0xb8;
	[tilespmem:$0x1C700] =	vst v63  }
0x1a0: {  	s31 =	simm.s32 $0x9F00  }
0x1a1: {  	[hbm4b:s13+s6] =	stream.indirect_vreg.scatter [tilespmem:s31], [sflag:$0x9], $0x80, v7, vm0, $0xb8;
	[tilespmem:$0x1C700] =	vst v63  }
0x1a2: {  	s31 =	simm.s32 $0xA700  }
0x1a3: {  	[hbm4b:s4+s6] =	stream.indirect_vreg.scatter [tilespmem:s31], [sflag:$0x9], $0x80, v6, vm0, $0xb8;
	[tilespmem:$0x1C700] =	vst v63  }
0x1a4: {  	s31 =	simm.s32 $0xAF00  }
0x1a5: {  	[hbm4b:s11+s6] =	stream.indirect_vreg.scatter [tilespmem:s31], [sflag:$0x9], $0x80, v6, vm0, $0xb8;
	[tilespmem:$0x1C700] =	vst v63  }
0x1a6: {  	s31 =	simm.s32 $0xB700  }
0x1a7: {  	[hbm4b:s12+s6] =	stream.indirect_vreg.scatter [tilespmem:s31], [sflag:$0x9], $0x80, v6, vm0, $0xb8;
	[tilespmem:$0x1C700] =	vst v63  }
0x1a8: {  	s31 =	simm.s32 $0xBF00  }
0x1a9: {  	[hbm4b:s13+s6] =	stream.indirect_vreg.scatter [tilespmem:s31], [sflag:$0x9], $0x80, v6, vm0, $0xb8;
	[tilespmem:$0x1C700] =	vst v63  }
0x1aa: {  	s31 =	sadd.s32 $0x2, s5  }
0x1ab: {  	p6 =	sge.s32 s31, s9  }
0x1ac: {  	s18 =	simm.s32 @!p6 $0x8  }
0x1ad: {  	_ =	swait.ge @!p6 [sflag:s18], $0x4000  }
0x1ae: {  	[sflag:s18] =	ssyncset.done @!p6 $0x0  }
0x1af: {  	[sflag:s18] =	ssyncadd.s32 @!p6 $0xFFFFC000  }
0x1b0: {  	v6 =	vld @!p6 [tilespmem:s30+$0x20];
	_ =	sdelay $0x4  }
0x1b1: {  	v7 =	vshll.u32 @!p6 v6, $0x3  }
0x1b2: {  	v8 =	vlaneseq.u32 @!p6;
	v6 =	vand.u32 @!p6 $0x7, v6;
	v7 =	vand.u32 @!p6 $0xFFFFFFC0, v7  }
0x1b3: {  	v9 =	vshrl.u32 @!p6 v8, $0x3;
	v6 =	vor.u32 @!p6 v6, v7;
	v7 =	vand.u32 @!p6 $0x7, v8  }
0x1b4: {  	v9 =	vmul.u32 @!p6 $0x8, v9;
	v7 =	vperm.xlane @!p6 v6, v7;
	_ =	sdelay $0x1  }
0x1b5: {  	v7 =	vadd.s32 @!p6 v9, v7;
	_ =	sdelay $0x3  }
0x1b6: {  	vm1 =	vmmov @!p6 $0xffff;
	s31 =	simm.s32 @!p6 $0x4700;
	s18 =	simm.s32 @!p6 $0x0  }
0x1b7: {  	v8 =	vor.u32 @!p6 $0x8, v8;
	[tilespmem:s31], [sflag:$0x2] =	stream.indirect_vreg.gather @!p6 [hbm4b:s1+s18], $0x80, v7, vm1, $0xb8;
	[tilespmem:$0x1C700] =	vst v63  }
0x1b8: {  	v6 =	vperm.xlane @!p6 v6, v8;
	s31 =	simm.s32 @!p6 $0x4F00  }
0x1b9: {  	[tilespmem:s31], [sflag:$0x2] =	stream.indirect_vreg.gather @!p6 [hbm4b:s14+s18], $0x80, v7, vm1, $0xb8;
	[tilespmem:$0x1C700] =	vst v63  }
0x1ba: {  	v6 =	vadd.s32 @!p6 v9, v6;
	s31 =	simm.s32 @!p6 $0x5700  }
0x1bb: {  	[tilespmem:s31], [sflag:$0x2] =	stream.indirect_vreg.gather @!p6 [hbm4b:s15+s18], $0x80, v7, vm1, $0xb8;
	[tilespmem:$0x1C700] =	vst v63  }
0x1bc: {  	s31 =	simm.s32 @!p6 $0x5F00  }
0x1bd: {  	[tilespmem:s31], [sflag:$0x2] =	stream.indirect_vreg.gather @!p6 [hbm4b:s16+s18], $0x80, v7, vm1, $0xb8;
	[tilespmem:$0x1C700] =	vst v63  }
0x1be: {  	s31 =	simm.s32 @!p6 $0x6700  }
0x1bf: {  	[tilespmem:s31], [sflag:$0x2] =	stream.indirect_vreg.gather @!p6 [hbm4b:s1+s18], $0x80, v6, vm1, $0xb8;
	[tilespmem:$0x1C700] =	vst v63  }
0x1c0: {  	s31 =	simm.s32 @!p6 $0x6F00  }
0x1c1: {  	[tilespmem:s31], [sflag:$0x2] =	stream.indirect_vreg.gather @!p6 [hbm4b:s14+s18], $0x80, v6, vm1, $0xb8;
	[tilespmem:$0x1C700] =	vst v63  }
0x1c2: {  	s31 =	simm.s32 @!p6 $0x7700  }
0x1c3: {  	[tilespmem:s31], [sflag:$0x2] =	stream.indirect_vreg.gather @!p6 [hbm4b:s15+s18], $0x80, v6, vm1, $0xb8;
	[tilespmem:$0x1C700] =	vst v63  }
0x1c4: {  	s31 =	simm.s32 @!p6 $0x7F00  }
0x1c5: {  	[tilespmem:s31], [sflag:$0x2] =	stream.indirect_vreg.gather @!p6 [hbm4b:s16+s18], $0x80, v6, vm1, $0xb8;
	[tilespmem:$0x1C700] =	vst v63  }
.LBB2_18:
0x1c6: {  	s18 =	sadd.s32 $0xFFFFFFFE, s5  }
0x1c7: {  	p2 =	sge.s32 s18, s9  }
.Ltmp14:
0x1c8: {  	_ = 	snop;
	(pc) =	sbr.rel @p2 .LBB2_20-.Ltmp14, $1  }
0x1c9: {  	_ =	sdelay $0x3  }
0x1ca: {  	_ =	swait.ge [sflag:s0], $0x4000  }
0x1cb: {  	[sflag:s0] =	ssyncset.done $0x0  }
0x1cc: {  	[sflag:s0] =	ssyncadd.s32 $0xFFFFC000  }
0x1cd: {  	v6 =	vld [tilespmem:s30+$0xFFFFFFE0];
	_ =	sdelay $0x4  }
0x1ce: {  	v7 =	vshll.u32 v6, $0x3  }
0x1cf: {  	v6 =	vand.u32 $0x7, v6;
	v7 =	vand.u32 $0xFFFFFFC0, v7  }
0x1d0: {  	v6 =	vor.u32 v6, v7  }
0x1d1: {  	v7 =	vperm.xlane v6, v1;
	_ =	sdelay $0x1  }
0x1d2: {  	v7 =	vadd.s32 v5, v7;
	_ =	sdelay $0x3  }
0x1d3: {  	s18 =	simm.s32 $0xC700  }
0x1d4: {  	[hbm4b:s4+s6] =	stream.indirect_vreg.scatter [tilespmem:s18], [sflag:$0xA], $0x80, v7, vm0, $0xb8;
	[tilespmem:$0x1C700] =	vst v63  }
0x1d5: {  	s31 =	simm.s32 $0xCF00;
	v6 =	vperm.xlane v6, v2  }
0x1d6: {  	[hbm4b:s11+s6] =	stream.indirect_vreg.scatter [tilespmem:s31], [sflag:$0xA], $0x80, v7, vm0, $0xb8;
	[tilespmem:$0x1C700] =	vst v63  }
0x1d7: {  	v6 =	vadd.s32 v5, v6;
	s31 =	simm.s32 $0xD700  }
0x1d8: {  	[hbm4b:s12+s6] =	stream.indirect_vreg.scatter [tilespmem:s31], [sflag:$0xA], $0x80, v7, vm0, $0xb8;
	[tilespmem:$0x1C700] =	vst v63  }
0x1d9: {  	s31 =	simm.s32 $0xDF00  }
0x1da: {  	[hbm4b:s13+s6] =	stream.indirect_vreg.scatter [tilespmem:s31], [sflag:$0xA], $0x80, v7, vm0, $0xb8;
	[tilespmem:$0x1C700] =	vst v63  }
0x1db: {  	s31 =	simm.s32 $0xE700  }
0x1dc: {  	[hbm4b:s4+s6] =	stream.indirect_vreg.scatter [tilespmem:s31], [sflag:$0xA], $0x80, v6, vm0, $0xb8;
	[tilespmem:$0x1C700] =	vst v63  }
0x1dd: {  	s31 =	simm.s32 $0xEF00  }
0x1de: {  	[hbm4b:s11+s6] =	stream.indirect_vreg.scatter [tilespmem:s31], [sflag:$0xA], $0x80, v6, vm0, $0xb8;
	[tilespmem:$0x1C700] =	vst v63  }
0x1df: {  	s31 =	simm.s32 $0xF700  }
0x1e0: {  	[hbm4b:s12+s6] =	stream.indirect_vreg.scatter [tilespmem:s31], [sflag:$0xA], $0x80, v6, vm0, $0xb8;
	[tilespmem:$0x1C700] =	vst v63  }
0x1e1: {  	s31 =	simm.s32 $0xFF00  }
0x1e2: {  	[hbm4b:s13+s6] =	stream.indirect_vreg.scatter [tilespmem:s31], [sflag:$0xA], $0x80, v6, vm0, $0xb8;
	[tilespmem:$0x1C700] =	vst v63  }
0x1e3: {  	s31 =	sadd.s32 $0x3, s5  }
0x1e4: {  	p6 =	sge.s32 s31, s9  }
0x1e5: {  	s18 =	simm.s32 @!p6 $0x9  }
0x1e6: {  	_ =	swait.ge @!p6 [sflag:s18], $0x4000  }
0x1e7: {  	[sflag:s18] =	ssyncset.done @!p6 $0x0  }
0x1e8: {  	[sflag:s18] =	ssyncadd.s32 @!p6 $0xFFFFC000  }
0x1e9: {  	v6 =	vld @!p6 [tilespmem:s30+$0x30];
	_ =	sdelay $0x4  }
0x1ea: {  	v7 =	vshll.u32 @!p6 v6, $0x3  }
0x1eb: {  	v8 =	vlaneseq.u32 @!p6;
	v6 =	vand.u32 @!p6 $0x7, v6;
	v7 =	vand.u32 @!p6 $0xFFFFFFC0, v7  }
0x1ec: {  	v9 =	vshrl.u32 @!p6 v8, $0x3;
	v6 =	vor.u32 @!p6 v6, v7;
	v7 =	vand.u32 @!p6 $0x7, v8  }
0x1ed: {  	v9 =	vmul.u32 @!p6 $0x8, v9;
	v7 =	vperm.xlane @!p6 v6, v7;
	_ =	sdelay $0x1  }
0x1ee: {  	v7 =	vadd.s32 @!p6 v9, v7;
	_ =	sdelay $0x3  }
0x1ef: {  	vm1 =	vmmov @!p6 $0xffff;
	s31 =	simm.s32 @!p6 $0x8700;
	s18 =	simm.s32 @!p6 $0x0  }
0x1f0: {  	v8 =	vor.u32 @!p6 $0x8, v8;
	[tilespmem:s31], [sflag:$0x3] =	stream.indirect_vreg.gather @!p6 [hbm4b:s1+s18], $0x80, v7, vm1, $0xb8;
	[tilespmem:$0x1C700] =	vst v63  }
0x1f1: {  	v6 =	vperm.xlane @!p6 v6, v8;
	s31 =	simm.s32 @!p6 $0x8F00  }
0x1f2: {  	[tilespmem:s31], [sflag:$0x3] =	stream.indirect_vreg.gather @!p6 [hbm4b:s14+s18], $0x80, v7, vm1, $0xb8;
	[tilespmem:$0x1C700] =	vst v63  }
0x1f3: {  	v6 =	vadd.s32 @!p6 v9, v6;
	s31 =	simm.s32 @!p6 $0x9700  }
0x1f4: {  	[tilespmem:s31], [sflag:$0x3] =	stream.indirect_vreg.gather @!p6 [hbm4b:s15+s18], $0x80, v7, vm1, $0xb8;
	[tilespmem:$0x1C700] =	vst v63  }
0x1f5: {  	s31 =	simm.s32 @!p6 $0x9F00  }
0x1f6: {  	[tilespmem:s31], [sflag:$0x3] =	stream.indirect_vreg.gather @!p6 [hbm4b:s16+s18], $0x80, v7, vm1, $0xb8;
	[tilespmem:$0x1C700] =	vst v63  }
0x1f7: {  	s31 =	simm.s32 @!p6 $0xA700  }
0x1f8: {  	[tilespmem:s31], [sflag:$0x3] =	stream.indirect_vreg.gather @!p6 [hbm4b:s1+s18], $0x80, v6, vm1, $0xb8;
	[tilespmem:$0x1C700] =	vst v63  }
0x1f9: {  	s31 =	simm.s32 @!p6 $0xAF00  }
0x1fa: {  	[tilespmem:s31], [sflag:$0x3] =	stream.indirect_vreg.gather @!p6 [hbm4b:s14+s18], $0x80, v6, vm1, $0xb8;
	[tilespmem:$0x1C700] =	vst v63  }
0x1fb: {  	s31 =	simm.s32 @!p6 $0xB700  }
0x1fc: {  	[tilespmem:s31], [sflag:$0x3] =	stream.indirect_vreg.gather @!p6 [hbm4b:s15+s18], $0x80, v6, vm1, $0xb8;
	[tilespmem:$0x1C700] =	vst v63  }
0x1fd: {  	s31 =	simm.s32 @!p6 $0xBF00  }
0x1fe: {  	[tilespmem:s31], [sflag:$0x3] =	stream.indirect_vreg.gather @!p6 [hbm4b:s16+s18], $0x80, v6, vm1, $0xb8;
	[tilespmem:$0x1C700] =	vst v63  }
.LBB2_20:
0x1ff: {  	s18 =	sadd.s32 $0xFFFFFFFF, s5  }
0x200: {  	p2 =	sge.s32 s18, s9  }
.Ltmp15:
0x201: {  	_ = 	snop;
	(pc) =	sbr.rel @p2 .LBB2_22-.Ltmp15, $1  }
0x202: {  	_ =	sdelay $0x3  }
0x203: {  	_ =	swait.ge [sflag:s2], $0x4000  }
0x204: {  	[sflag:s2] =	ssyncset.done $0x0  }
0x205: {  	[sflag:s2] =	ssyncadd.s32 $0xFFFFC000  }
0x206: {  	v6 =	vld [tilespmem:s30+$0xFFFFFFF0];
	_ =	sdelay $0x4  }
0x207: {  	v7 =	vshll.u32 v6, $0x3  }
0x208: {  	v6 =	vand.u32 $0x7, v6;
	v7 =	vand.u32 $0xFFFFFFC0, v7  }
0x209: {  	v6 =	vor.u32 v6, v7  }
0x20a: {  	v7 =	vperm.xlane v6, v1;
	_ =	sdelay $0x1  }
0x20b: {  	v7 =	vadd.s32 v5, v7;
	_ =	sdelay $0x3  }
0x20c: {  	s18 =	simm.s32 $0x10700  }
0x20d: {  	[hbm4b:s4+s6] =	stream.indirect_vreg.scatter [tilespmem:s18], [sflag:$0xB], $0x80, v7, vm0, $0xb8;
	[tilespmem:$0x1C700] =	vst v63  }
0x20e: {  	s31 =	simm.s32 $0x10F00;
	v6 =	vperm.xlane v6, v2  }
0x20f: {  	[hbm4b:s11+s6] =	stream.indirect_vreg.scatter [tilespmem:s31], [sflag:$0xB], $0x80, v7, vm0, $0xb8;
	[tilespmem:$0x1C700] =	vst v63  }
0x210: {  	v6 =	vadd.s32 v5, v6;
	s31 =	simm.s32 $0x11700  }
0x211: {  	[hbm4b:s12+s6] =	stream.indirect_vreg.scatter [tilespmem:s31], [sflag:$0xB], $0x80, v7, vm0, $0xb8;
	[tilespmem:$0x1C700] =	vst v63  }
0x212: {  	s31 =	simm.s32 $0x11F00  }
0x213: {  	[hbm4b:s13+s6] =	stream.indirect_vreg.scatter [tilespmem:s31], [sflag:$0xB], $0x80, v7, vm0, $0xb8;
	[tilespmem:$0x1C700] =	vst v63  }
0x214: {  	s31 =	simm.s32 $0x12700  }
0x215: {  	[hbm4b:s4+s6] =	stream.indirect_vreg.scatter [tilespmem:s31], [sflag:$0xB], $0x80, v6, vm0, $0xb8;
	[tilespmem:$0x1C700] =	vst v63  }
0x216: {  	s31 =	simm.s32 $0x12F00  }
0x217: {  	[hbm4b:s11+s6] =	stream.indirect_vreg.scatter [tilespmem:s31], [sflag:$0xB], $0x80, v6, vm0, $0xb8;
	[tilespmem:$0x1C700] =	vst v63  }
0x218: {  	s31 =	simm.s32 $0x13700  }
0x219: {  	[hbm4b:s12+s6] =	stream.indirect_vreg.scatter [tilespmem:s31], [sflag:$0xB], $0x80, v6, vm0, $0xb8;
	[tilespmem:$0x1C700] =	vst v63  }
0x21a: {  	s31 =	simm.s32 $0x13F00  }
0x21b: {  	[hbm4b:s13+s6] =	stream.indirect_vreg.scatter [tilespmem:s31], [sflag:$0xB], $0x80, v6, vm0, $0xb8;
	[tilespmem:$0x1C700] =	vst v63  }
0x21c: {  	s31 =	sadd.s32 $0x4, s5  }
0x21d: {  	p6 =	sge.s32 s31, s9  }
0x21e: {  	s18 =	simm.s32 @!p6 $0xA  }
0x21f: {  	_ =	swait.ge @!p6 [sflag:s18], $0x4000  }
0x220: {  	[sflag:s18] =	ssyncset.done @!p6 $0x0  }
0x221: {  	[sflag:s18] =	ssyncadd.s32 @!p6 $0xFFFFC000  }
0x222: {  	v6 =	vld @!p6 [tilespmem:s30+$0x40];
	_ =	sdelay $0x4  }
0x223: {  	v7 =	vshll.u32 @!p6 v6, $0x3  }
0x224: {  	v8 =	vlaneseq.u32 @!p6;
	v6 =	vand.u32 @!p6 $0x7, v6;
	v7 =	vand.u32 @!p6 $0xFFFFFFC0, v7  }
0x225: {  	v9 =	vshrl.u32 @!p6 v8, $0x3;
	v6 =	vor.u32 @!p6 v6, v7;
	v7 =	vand.u32 @!p6 $0x7, v8  }
0x226: {  	v9 =	vmul.u32 @!p6 $0x8, v9;
	v7 =	vperm.xlane @!p6 v6, v7;
	_ =	sdelay $0x1  }
0x227: {  	v7 =	vadd.s32 @!p6 v9, v7;
	_ =	sdelay $0x3  }
0x228: {  	vm1 =	vmmov @!p6 $0xffff;
	s31 =	simm.s32 @!p6 $0xC700;
	s18 =	simm.s32 @!p6 $0x0  }
0x229: {  	v8 =	vor.u32 @!p6 $0x8, v8;
	[tilespmem:s31], [sflag:$0x4] =	stream.indirect_vreg.gather @!p6 [hbm4b:s1+s18], $0x80, v7, vm1, $0xb8;
	[tilespmem:$0x1C700] =	vst v63  }
0x22a: {  	v6 =	vperm.xlane @!p6 v6, v8;
	s31 =	simm.s32 @!p6 $0xCF00  }
0x22b: {  	[tilespmem:s31], [sflag:$0x4] =	stream.indirect_vreg.gather @!p6 [hbm4b:s14+s18], $0x80, v7, vm1, $0xb8;
	[tilespmem:$0x1C700] =	vst v63  }
0x22c: {  	v6 =	vadd.s32 @!p6 v9, v6;
	s31 =	simm.s32 @!p6 $0xD700  }
0x22d: {  	[tilespmem:s31], [sflag:$0x4] =	stream.indirect_vreg.gather @!p6 [hbm4b:s15+s18], $0x80, v7, vm1, $0xb8;
	[tilespmem:$0x1C700] =	vst v63  }
0x22e: {  	s31 =	simm.s32 @!p6 $0xDF00  }
0x22f: {  	[tilespmem:s31], [sflag:$0x4] =	stream.indirect_vreg.gather @!p6 [hbm4b:s16+s18], $0x80, v7, vm1, $0xb8;
	[tilespmem:$0x1C700] =	vst v63  }
0x230: {  	s31 =	simm.s32 @!p6 $0xE700  }
0x231: {  	[tilespmem:s31], [sflag:$0x4] =	stream.indirect_vreg.gather @!p6 [hbm4b:s1+s18], $0x80, v6, vm1, $0xb8;
	[tilespmem:$0x1C700] =	vst v63  }
0x232: {  	s31 =	simm.s32 @!p6 $0xEF00  }
0x233: {  	[tilespmem:s31], [sflag:$0x4] =	stream.indirect_vreg.gather @!p6 [hbm4b:s14+s18], $0x80, v6, vm1, $0xb8;
	[tilespmem:$0x1C700] =	vst v63  }
0x234: {  	s31 =	simm.s32 @!p6 $0xF700  }
0x235: {  	[tilespmem:s31], [sflag:$0x4] =	stream.indirect_vreg.gather @!p6 [hbm4b:s15+s18], $0x80, v6, vm1, $0xb8;
	[tilespmem:$0x1C700] =	vst v63  }
0x236: {  	s31 =	simm.s32 @!p6 $0xFF00  }
0x237: {  	[tilespmem:s31], [sflag:$0x4] =	stream.indirect_vreg.gather @!p6 [hbm4b:s16+s18], $0x80, v6, vm1, $0xb8;
	[tilespmem:$0x1C700] =	vst v63  }
.LBB2_22:
0x238: {  	p2 =	sge.s32 s5, s9  }
.Ltmp16:
0x239: {  	_ = 	snop;
	(pc) =	sbr.rel @p2 .LBB2_24-.Ltmp16, $1  }
0x23a: {  	_ =	sdelay $0x3  }
0x23b: {  	_ =	swait.ge [sflag:s7], $0x4000  }
0x23c: {  	[sflag:s7] =	ssyncset.done $0x0  }
0x23d: {  	[sflag:s7] =	ssyncadd.s32 $0xFFFFC000  }
0x23e: {  	v6 =	vld [tilespmem:s30+$0x0];
	_ =	sdelay $0x4  }
0x23f: {  	v7 =	vshll.u32 v6, $0x3  }
0x240: {  	v6 =	vand.u32 $0x7, v6;
	v7 =	vand.u32 $0xFFFFFFC0, v7  }
0x241: {  	v6 =	vor.u32 v6, v7  }
0x242: {  	v7 =	vperm.xlane v6, v1;
	_ =	sdelay $0x1  }
0x243: {  	v7 =	vadd.s32 v5, v7;
	_ =	sdelay $0x3  }
0x244: {  	s18 =	simm.s32 $0x14700  }
0x245: {  	[hbm4b:s4+s6] =	stream.indirect_vreg.scatter [tilespmem:s18], [sflag:$0xC], $0x80, v7, vm0, $0xb8;
	[tilespmem:$0x1C700] =	vst v63  }
0x246: {  	s31 =	simm.s32 $0x14F00;
	v6 =	vperm.xlane v6, v2  }
0x247: {  	[hbm4b:s11+s6] =	stream.indirect_vreg.scatter [tilespmem:s31], [sflag:$0xC], $0x80, v7, vm0, $0xb8;
	[tilespmem:$0x1C700] =	vst v63  }
0x248: {  	v6 =	vadd.s32 v5, v6;
	s31 =	simm.s32 $0x15700  }
0x249: {  	[hbm4b:s12+s6] =	stream.indirect_vreg.scatter [tilespmem:s31], [sflag:$0xC], $0x80, v7, vm0, $0xb8;
	[tilespmem:$0x1C700] =	vst v63  }
0x24a: {  	s31 =	simm.s32 $0x15F00  }
0x24b: {  	[hbm4b:s13+s6] =	stream.indirect_vreg.scatter [tilespmem:s31], [sflag:$0xC], $0x80, v7, vm0, $0xb8;
	[tilespmem:$0x1C700] =	vst v63  }
0x24c: {  	s31 =	simm.s32 $0x16700  }
0x24d: {  	[hbm4b:s4+s6] =	stream.indirect_vreg.scatter [tilespmem:s31], [sflag:$0xC], $0x80, v6, vm0, $0xb8;
	[tilespmem:$0x1C700] =	vst v63  }
0x24e: {  	s31 =	simm.s32 $0x16F00  }
0x24f: {  	[hbm4b:s11+s6] =	stream.indirect_vreg.scatter [tilespmem:s31], [sflag:$0xC], $0x80, v6, vm0, $0xb8;
	[tilespmem:$0x1C700] =	vst v63  }
0x250: {  	s31 =	simm.s32 $0x17700  }
0x251: {  	[hbm4b:s12+s6] =	stream.indirect_vreg.scatter [tilespmem:s31], [sflag:$0xC], $0x80, v6, vm0, $0xb8;
	[tilespmem:$0x1C700] =	vst v63  }
0x252: {  	s31 =	simm.s32 $0x17F00  }
0x253: {  	[hbm4b:s13+s6] =	stream.indirect_vreg.scatter [tilespmem:s31], [sflag:$0xC], $0x80, v6, vm0, $0xb8;
	[tilespmem:$0x1C700] =	vst v63  }
0x254: {  	s31 =	sadd.s32 $0x5, s5  }
0x255: {  	p6 =	sge.s32 s31, s9  }
0x256: {  	s18 =	simm.s32 @!p6 $0xB  }
0x257: {  	_ =	swait.ge @!p6 [sflag:s18], $0x4000  }
0x258: {  	[sflag:s18] =	ssyncset.done @!p6 $0x0  }
0x259: {  	[sflag:s18] =	ssyncadd.s32 @!p6 $0xFFFFC000  }
0x25a: {  	v6 =	vld @!p6 [tilespmem:s30+$0x50];
	_ =	sdelay $0x4  }
0x25b: {  	v7 =	vshll.u32 @!p6 v6, $0x3  }
0x25c: {  	v8 =	vlaneseq.u32 @!p6;
	v6 =	vand.u32 @!p6 $0x7, v6;
	v7 =	vand.u32 @!p6 $0xFFFFFFC0, v7  }
0x25d: {  	v9 =	vshrl.u32 @!p6 v8, $0x3;
	v6 =	vor.u32 @!p6 v6, v7;
	v7 =	vand.u32 @!p6 $0x7, v8  }
0x25e: {  	v9 =	vmul.u32 @!p6 $0x8, v9;
	v7 =	vperm.xlane @!p6 v6, v7;
	_ =	sdelay $0x1  }
0x25f: {  	v7 =	vadd.s32 @!p6 v9, v7;
	_ =	sdelay $0x3  }
0x260: {  	vm1 =	vmmov @!p6 $0xffff;
	s31 =	simm.s32 @!p6 $0x10700;
	s18 =	simm.s32 @!p6 $0x0  }
0x261: {  	v8 =	vor.u32 @!p6 $0x8, v8;
	[tilespmem:s31], [sflag:$0x5] =	stream.indirect_vreg.gather @!p6 [hbm4b:s1+s18], $0x80, v7, vm1, $0xb8;
	[tilespmem:$0x1C700] =	vst v63  }
0x262: {  	v6 =	vperm.xlane @!p6 v6, v8;
	s31 =	simm.s32 @!p6 $0x10F00  }
0x263: {  	[tilespmem:s31], [sflag:$0x5] =	stream.indirect_vreg.gather @!p6 [hbm4b:s14+s18], $0x80, v7, vm1, $0xb8;
	[tilespmem:$0x1C700] =	vst v63  }
0x264: {  	v6 =	vadd.s32 @!p6 v9, v6;
	s31 =	simm.s32 @!p6 $0x11700  }
0x265: {  	[tilespmem:s31], [sflag:$0x5] =	stream.indirect_vreg.gather @!p6 [hbm4b:s15+s18], $0x80, v7, vm1, $0xb8;
	[tilespmem:$0x1C700] =	vst v63  }
0x266: {  	s31 =	simm.s32 @!p6 $0x11F00  }
0x267: {  	[tilespmem:s31], [sflag:$0x5] =	stream.indirect_vreg.gather @!p6 [hbm4b:s16+s18], $0x80, v7, vm1, $0xb8;
	[tilespmem:$0x1C700] =	vst v63  }
0x268: {  	s31 =	simm.s32 @!p6 $0x12700  }
0x269: {  	[tilespmem:s31], [sflag:$0x5] =	stream.indirect_vreg.gather @!p6 [hbm4b:s1+s18], $0x80, v6, vm1, $0xb8;
	[tilespmem:$0x1C700] =	vst v63  }
0x26a: {  	s31 =	simm.s32 @!p6 $0x12F00  }
0x26b: {  	[tilespmem:s31], [sflag:$0x5] =	stream.indirect_vreg.gather @!p6 [hbm4b:s14+s18], $0x80, v6, vm1, $0xb8;
	[tilespmem:$0x1C700] =	vst v63  }
.Ltmp17:
0x26c: {  	_ = 	snop;
	(pc) =	sbr.rel .LBB2_24-.Ltmp17, $4  }
0x26d: {  	s31 =	simm.s32 @!p6 $0x13700  }
0x26e: {  	[tilespmem:s31], [sflag:$0x5] =	stream.indirect_vreg.gather @!p6 [hbm4b:s15+s18], $0x80, v6, vm1, $0xb8;
	[tilespmem:$0x1C700] =	vst v63  }
0x26f: {  	s31 =	simm.s32 @!p6 $0x13F00  }
0x270: {  	[tilespmem:s31], [sflag:$0x5] =	stream.indirect_vreg.gather @!p6 [hbm4b:s16+s18], $0x80, v6, vm1, $0xb8;
	[tilespmem:$0x1C700] =	vst v63  }
.LBB2_25:
0x271: {  	s5 =	simm.s32 @!p1 $0x7  }
0x272: {  	_ =	swait.ge @!p1 [sflag:s5], $0x4000  }
0x273: {  	[sflag:s5] =	ssyncset.done @!p1 $0x0  }
0x274: {  	[sflag:s5] =	ssyncadd.s32 @!p1 $0xFFFFC000;
	s5 =	simm.s32 @p4 $0x8  }
0x275: {  	_ =	swait.ge @p4 [sflag:s5], $0x4000  }
0x276: {  	[sflag:s5] =	ssyncset.done @p4 $0x0  }
0x277: {  	[sflag:s5] =	ssyncadd.s32 @p4 $0xFFFFC000;
	s5 =	simm.s32 @p5 $0x9  }
0x278: {  	_ =	swait.ge @p5 [sflag:s5], $0x4000  }
0x279: {  	[sflag:s5] =	ssyncset.done @p5 $0x0  }
0x27a: {  	[sflag:s5] =	ssyncadd.s32 @p5 $0xFFFFC000;
	s5 =	simm.s32 @p3 $0xA  }
0x27b: {  	_ =	swait.ge @p3 [sflag:s5], $0x4000  }
0x27c: {  	[sflag:s5] =	ssyncset.done @p3 $0x0  }
0x27d: {  	[sflag:s5] =	ssyncadd.s32 @p3 $0xFFFFC000;
	s5 =	simm.s32 @p0 $0xB  }
0x27e: {  	_ =	swait.ge @p0 [sflag:s5], $0x4000  }
0x27f: {  	p1 =	slt.s32 s9, $0x6;
	[sflag:s5] =	ssyncset.done @p0 $0x0  }
0x280: {  	[sflag:s5] =	ssyncadd.s32 @p0 $0xFFFFC000;
	s5 =	simm.s32 @!p1 $0xC  }
0x281: {  	_ =	swait.ge @!p1 [sflag:s5], $0x4000  }
0x282: {  	s31 =	sld [smem:$0x7FD];
	_ =	sdelay $0x2  }
0x283: {  	p0 =	seq.s32 s31, $0x1  }
.Ltmp18:
0x284: {  	_ = 	snop;
	(pc) =	sbr.rel @p0 .LBB2_29-.Ltmp18, $3  }
0x285: {  	_ =	sdelay $0x1  }
0x286: {  	[sflag:s5] =	ssyncset.done @!p1 $0x0  }
0x287: {  	[sflag:s5] =	ssyncadd.s32 @!p1 $0xFFFFC000  }
0x288: {  	s5 =	rddreg [dreg:$0xb]  }
0x289: {  	p0 =	sne.s32 s5, $0x1  }
.Ltmp19:
0x28a: {  	_ = 	snop;
	(pc) =	sbr.rel @!p0 .LBB2_28-.Ltmp19, $3  }
0x28b: {  	_ =	sdelay $0x1  }
0x28c: {  	_ =	swait.ge [sflag:s29], $0x4000  }
0x28d: {  	s5 =	sadd.s32 $0xFFFFFFFF, s5;
	[sflag:s29] =	ssyncset.done $0x0  }
.LBB2_27:
0x28e: {  	p0 =	sne.s32 s5, $0x1;
	s5 =	sadd.s32 $0xFFFFFFFF, s5;
	[sflag:s29] =	ssyncadd.s32 $0xFFFFC000  }
.Ltmp20:
0x28f: {  	(pc) =	sbr.rel @p0 .LBB2_27-.Ltmp20, $3  }
0x290: {  	_ =	sdelay $0x1  }
0x291: {  	_ =	swait.ge [sflag:s29], $0x4000  }
0x292: {  	[sflag:s29] =	ssyncset.done $0x0  }
.Ltmp21:
0x293: {  	_ = 	snop;
	(pc) =	sbr.rel .LBB2_28-.Ltmp21, $1  }
0x294: {  	_ =	sdelay $0x3  }
.LBB2_30:
0x295: {  	_ =	sfence.sel $0x180000  }
0x296: {  	[bflag:$0x0] =	sbarrier.arrive $0xFFFF  }
0x297: {  	_ =	strace $0x90000047  }
0x298: {  	s0 =	stileid.u32;
	[bflag:$0x2] =	sbarrier.arrive $0xFFFF  }
0x299: {  	p0 =	sne.s32 s0, $0x0;
	s0 =	rddreg [dreg:$0x4]  }
0x29a: {  	s0 =	sadd.s32 @!p0 $0x100000, s0  }
0x29b: {  	[sflag:s0] =	ssyncadd.tile.s32 @!p0 $0x1;
	_ =	shalt  }
.Lfunc_end2:
_tile_overlayer_lowered:
.L_overlay_start_2:
0x29c: {  	(tag) =	ssettag $0x2  }
0x29d: {  	s0 =	rddreg [dreg:$0x0];
	s2 =	stileid.u32  }
0x29e: {  	s1 =	rddreg [dreg:$0x1];
	p0 =	sne.s32 s2, $0x0  }
0x29f: {  	s3 =	rddreg [dreg:$0x2];
	[bflag:$0x3] =	sbarrier.arrive $0xFFFF;
	s2 =	simm.s32 @!p0 $0x1C0E  }
0x2a0: {  	[timem:s3], [sflag:s2] =	dma.local @!p0 [hbm:s0], s1  }
0x2a1: {  	s0 =	simm.s32 @!p0 $0xE  }
0x2a2: {  	_ =	swait.ge @!p0 [sflag:s0], s1  }
0x2a3: {  	s1 =	ssub.s32 @!p0 $0x0, s1;
	[sflag:s0] =	ssyncset.done @!p0 $0x0  }
0x2a4: {  	[sflag:s0] =	ssyncadd.s32 @!p0 s1  }
0x2a5: {  	[bflag:$0x3] =	sbarrier.arrive $0xFFFF  }
0x2a6: {  	_ =	shalt  }

</sc_bundles>
